<compile_context>
chip_gen: v7x
topology: tpu7x:2x2x1
jax: 0.10.2.dev20260603
libtpu: 0.0.44.dev20260713+nightly
codegen_flags: <defaults>
</compile_context>

<pallas_src>
import functools
import math

import jax
import jax.numpy as jnp
from jax import lax
from jax.experimental import pallas as pl
from jax.experimental.pallas import tpu as pltpu
from jax.experimental.pallas import tpu_sc as plsc

DIM = 512
PLANE = DIM * DIM
WORDS = 3 * PLANE
NC, NS, L = 2, 16, 16
NW = NC * NS
W_PER = WORDS // NW
NCHUNK = 16
CW = W_PER // NCHUNK
CBLK = CW // L


def _affine_matrix():
    key = jax.random.key(42)
    k = jax.random.split(key, 6)
    rot = 15.0 * jax.random.normal(k[0], [1], dtype=jnp.float32)
    shr = 5.0 * jax.random.normal(k[1], [1], dtype=jnp.float32)
    h_zoom = 1.0 + jax.random.normal(k[2], [1], dtype=jnp.float32) / 10.0
    w_zoom = 1.0 + jax.random.normal(k[3], [1], dtype=jnp.float32) / 10.0
    h_shift = 16.0 * jax.random.normal(k[4], [1], dtype=jnp.float32)
    w_shift = 16.0 * jax.random.normal(k[5], [1], dtype=jnp.float32)

    rotation = math.pi * rot / 180.0
    shear = math.pi * shr / 180.0
    c1 = jnp.cos(rotation)
    s1 = jnp.sin(rotation)
    one = jnp.ones([1], dtype=jnp.float32)
    zero = jnp.zeros([1], dtype=jnp.float32)
    rot_m = jnp.reshape(
        jnp.concatenate([c1, s1, zero, -s1, c1, zero, zero, zero, one], 0), [3, 3]
    )
    c2 = jnp.cos(shear)
    s2 = jnp.sin(shear)
    shear_m = jnp.reshape(
        jnp.concatenate([one, s2, zero, zero, c2, zero, zero, zero, one], 0), [3, 3]
    )
    zoom_m = jnp.reshape(
        jnp.concatenate(
            [one / h_zoom, zero, zero, zero, one / w_zoom, zero, zero, zero, one], 0
        ),
        [3, 3],
    )
    shift_m = jnp.reshape(
        jnp.concatenate([one, zero, h_shift, zero, one, w_shift, zero, zero, one], 0),
        [3, 3],
    )
    return jnp.dot(jnp.dot(rot_m, shear_m), jnp.dot(zoom_m, shift_m))


_MESH = plsc.VectorSubcoreMesh(
    core_axis_name="c", subcore_axis_name="s", num_cores=NC, num_subcores=NS
)


@functools.partial(
    pl.kernel,
    out_type=jax.ShapeDtypeStruct((WORDS,), jnp.float32),
    mesh=_MESH,
    scratch_types=[
        pltpu.VMEM((W_PER,), jnp.int32),
        pltpu.VMEM((W_PER,), jnp.float32),
        pltpu.VMEM((6, L), jnp.float32),
        pltpu.SemaphoreType.DMA,
    ],
    compiler_params=pltpu.CompilerParams(use_tc_tiling_on_sc=False),
)
def _warp(table_hbm, coef_hbm, out_hbm, idx_v, vals_v, coef_v, sem):
    wid = lax.axis_index("s") * NC + lax.axis_index("c")
    base = wid * W_PER

    pltpu.sync_copy(coef_hbm, coef_v)
    a0 = coef_v[0]
    a1 = coef_v[1]
    a2 = coef_v[2]
    b0 = coef_v[3]
    b1 = coef_v[4]
    b2 = coef_v[5]
    lane = lax.iota(jnp.int32, L)

    def fill_chunk(c):
        def body(t, carry):
            u = base + c * CW + t * L + lane
            k = lax.shift_right_logical(u, 18)
            v = lax.bitwise_and(u, PLANE - 1)
            tl = lax.shift_right_logical(v, 10)
            r8 = lax.bitwise_and(lax.shift_right_logical(v, 7), 7)
            c1_ = lax.bitwise_and(v, 127)
            i = lax.shift_left(lax.shift_right_logical(tl, 2), 3) + r8
            j = lax.shift_left(lax.bitwise_and(tl, 3), 7) + c1_
            xs = (DIM // 2 - i).astype(jnp.float32)
            ys = (j - DIM // 2).astype(jnp.float32)
            t0 = a0 * xs + a1 * ys + a2
            t1 = b0 * xs + b1 * ys + b2
            r = DIM // 2 - jnp.clip(
                t0.astype(jnp.int32), -(DIM // 2) + 1, DIM // 2
            )
            q = DIM // 2 - 1 + jnp.clip(
                t1.astype(jnp.int32), -(DIM // 2) + 1, DIM // 2
            )
            src = (
                lax.shift_left(k, 18)
                + lax.shift_left(lax.shift_right_logical(r, 3), 12)
                + lax.shift_left(lax.shift_right_logical(q, 7), 10)
                + lax.shift_left(lax.bitwise_and(r, 7), 7)
                + lax.bitwise_and(q, 127)
            )
            idx_v[pl.ds(c * CW + t * L, L)] = src
            return carry

        lax.fori_loop(0, CBLK, body, 0)

    copies = []
    fill_chunk(0)
    for c in range(NCHUNK):
        copies.append(
            pltpu.async_copy(
                table_hbm.at[idx_v.at[pl.ds(c * CW, CW)]],
                vals_v.at[pl.ds(c * CW, CW)],
                sem,
            )
        )
        if c + 1 < NCHUNK:
            fill_chunk(c + 1)
    for cp in copies:
        cp.wait()
    pltpu.sync_copy(vals_v, out_hbm.at[pl.ds(base, W_PER)])


def kernel(x):
    xv = (
        x.transpose(2, 0, 1)
        .reshape(3, 64, 8, 4, 128)
        .transpose(0, 1, 3, 2, 4)
        .reshape(WORDS)
    )
    m = _affine_matrix().astype(jnp.bfloat16).astype(jnp.float32)
    coefs = jnp.broadcast_to(jnp.reshape(m[:2].reshape(6), (6, 1)), (6, L))
    out_lin = _warp(xv, coefs)
    return (
        out_lin.reshape(3, 64, 4, 8, 128)
        .transpose(0, 1, 3, 2, 4)
        .reshape(3, DIM, DIM)
        .transpose(1, 2, 0)
    )

# --- scband reference (transcript-rebuilt; emitter-appended) ---
"""Pipeline reference for scband-random-rotage-62637803045154 (READ-ONLY COPY).

The authoritative reference and input builder live on the scoring server;
editing this copy changes nothing except your own understanding.
"""

import jax, jax.numpy as jnp
import numpy as np
import math

DIM = 512

def get_mat(rotation, shear, height_zoom, width_zoom, height_shift, width_shift):
    rotation = math.pi * rotation / 180.0
    shear = math.pi * shear / 180.0
    c1 = jnp.cos(rotation)
    s1 = jnp.sin(rotation)
    one = jnp.ones([1], dtype=jnp.float32)
    zero = jnp.zeros([1], dtype=jnp.float32)
    rotation_matrix = jnp.reshape(jnp.concatenate([c1, s1, zero, -s1, c1, zero, zero, zero, one], axis=0), [3, 3])
    c2 = jnp.cos(shear)
    s2 = jnp.sin(shear)
    shear_matrix = jnp.reshape(jnp.concatenate([one, s2, zero, zero, c2, zero, zero, zero, one], axis=0), [3, 3])
    zoom_matrix = jnp.reshape(jnp.concatenate([one / height_zoom, zero, zero, zero, one / width_zoom, zero, zero, zero, one], axis=0), [3, 3])
    shift_matrix = jnp.reshape(jnp.concatenate([one, zero, height_shift, zero, one, width_shift, zero, zero, one], axis=0), [3, 3])
    return jnp.dot(jnp.dot(rotation_matrix, shear_matrix), jnp.dot(zoom_matrix, shift_matrix))

def setup_inputs(seed: int = 0) -> dict:
    key = jax.random.key(seed)
    x = jax.random.uniform(key, (DIM, DIM, 3), dtype=jnp.float32)
    return {"x": x}

def reference(x):
    # deterministic surrogate for tf.random.normal draws
    key = jax.random.key(42)
    k = jax.random.split(key, 6)
    rot = 15.0 * jax.random.normal(k[0], [1], dtype=jnp.float32)
    shr = 5.0 * jax.random.normal(k[1], [1], dtype=jnp.float32)
    h_zoom = 1.0 + jax.random.normal(k[2], [1], dtype=jnp.float32) / 10.0
    w_zoom = 1.0 + jax.random.normal(k[3], [1], dtype=jnp.float32) / 10.0
    h_shift = 16.0 * jax.random.normal(k[4], [1], dtype=jnp.float32)
    w_shift = 16.0 * jax.random.normal(k[5], [1], dtype=jnp.float32)
    m = get_mat(rot, shr, h_zoom, w_zoom, h_shift, w_shift)
    XDIM = DIM % 2
    xs = jnp.repeat(jnp.arange(DIM // 2, -DIM // 2, -1), DIM)
    ys = jnp.tile(jnp.arange(-DIM // 2, DIM // 2), [DIM])
    z = jnp.ones([DIM * DIM], dtype=jnp.int32)
    idx = jnp.stack([xs, ys, z])
    idx2 = jnp.dot(m, idx.astype(jnp.float32))
    idx2 = idx2.astype(jnp.int32)
    idx2 = jnp.clip(idx2, -DIM // 2 + XDIM + 1, DIM // 2)
    rows = DIM // 2 - idx2[0, :]
    cols = DIM // 2 - 1 + idx2[1, :]
    d = x[rows, cols]
    return jnp.reshape(d, [DIM, DIM, 3])

if __name__ == "__main__":
    import jax
    _d = setup_inputs()
    print(jax.jit(kernel)(*tuple(_d.values())))

</pallas_src>

<mosaic_0001>
#map = affine_map<(d0, d1) -> (0)>
#map1 = affine_map<(d0, d1) -> (0, 0)>
module attributes {stable_mosaic.version = 14 : i64} {
  func.func @_warp(%arg0: i32, %arg1: i32, %arg2: memref<786432xf32, #tpu.memory_space<hbm>>, %arg3: memref<6x16xf32, #tpu.memory_space<hbm>>, %arg4: memref<786432xf32, #tpu.memory_space<hbm>>, %arg5: memref<24576xi32, #tpu.memory_space<vmem>>, %arg6: memref<24576xf32, #tpu.memory_space<vmem>>, %arg7: memref<6x16xf32, #tpu.memory_space<vmem>>, %arg8: memref<!tpu.dma_semaphore, #tpu.memory_space<semaphore_mem>>) attributes {dimension_semantics = [#tpu.dimension_semantics<core_parallel>, #tpu.dimension_semantics<subcore_parallel>], iteration_bounds = array<i64: 2, 16>, scalar_prefetch = 0 : i64, scratch_operands = 4 : i64, tpu.core_type = #tpu.core_type<sc_vector_subcore>, window_params = [{transform_indices = #map}, {transform_indices = #map1}, {transform_indices = #map}]} {
    %mul3A = arith.constant 2 : i32
    %mul3A_0 = arith.muli %arg1, %mul3A : i32
    %add3A = arith.addi %mul3A_0, %arg0 : i32
    %mul3A_1 = arith.constant 24576 : i32
    %mul3A_2 = arith.muli %add3A, %mul3A_1 : i32
    "tpu.region"() ({
      %run_scoped3A = tpu.sem_alloc : memref<!tpu.dma_semaphore, #tpu.memory_space<semaphore_mem>>
      tpu.enqueue_dma source(%arg3 : memref<6x16xf32, #tpu.memory_space<hbm>>) target(%arg7 : memref<6x16xf32, #tpu.memory_space<vmem>>) target_semaphore(%run_scoped3A : memref<!tpu.dma_semaphore, #tpu.memory_space<semaphore_mem>>)
      tpu.wait_dma2 semaphore(%run_scoped3A : memref<!tpu.dma_semaphore, #tpu.memory_space<semaphore_mem>>) src(%arg3 : memref<6x16xf32, #tpu.memory_space<hbm>>) dst(%arg7 : memref<6x16xf32, #tpu.memory_space<vmem>>)
      tpu.yield
    }) : () -> ()
    %get3A = arith.constant 0 : i32
    %get3A_3 = arith.index_cast %get3A : i32 to index
    %get3A_4 = arith.constant 0 : index
    %get3A_5 = tpu.vector_load %arg7[%get3A_3, %get3A_4] {strides = array<i32>} : memref<6x16xf32, #tpu.memory_space<vmem>>, vector<1x16xf32>,
    %get3A_6 = vector.shape_cast %get3A_5 : vector<1x16xf32> to vector<16xf32>
    %get3A_7 = arith.constant 1 : i32
    %get3A_8 = arith.index_cast %get3A_7 : i32 to index
    %get3A_9 = arith.constant 0 : index
    %get3A_10 = tpu.vector_load %arg7[%get3A_8, %get3A_9] {strides = array<i32>} : memref<6x16xf32, #tpu.memory_space<vmem>>, vector<1x16xf32>,
    %get3A_11 = vector.shape_cast %get3A_10 : vector<1x16xf32> to vector<16xf32>
    %get3A_12 = arith.constant 2 : i32
    %get3A_13 = arith.index_cast %get3A_12 : i32 to index
    %get3A_14 = arith.constant 0 : index
    %get3A_15 = tpu.vector_load %arg7[%get3A_13, %get3A_14] {strides = array<i32>} : memref<6x16xf32, #tpu.memory_space<vmem>>, vector<1x16xf32>,
    %get3A_16 = vector.shape_cast %get3A_15 : vector<1x16xf32> to vector<16xf32>
    %get3A_17 = arith.constant 3 : i32
    %get3A_18 = arith.index_cast %get3A_17 : i32 to index
    %get3A_19 = arith.constant 0 : index
    %get3A_20 = tpu.vector_load %arg7[%get3A_18, %get3A_19] {strides = array<i32>} : memref<6x16xf32, #tpu.memory_space<vmem>>, vector<1x16xf32>,
    %get3A_21 = vector.shape_cast %get3A_20 : vector<1x16xf32> to vector<16xf32>
    %get3A_22 = arith.constant 4 : i32
    %get3A_23 = arith.index_cast %get3A_22 : i32 to index
    %get3A_24 = arith.constant 0 : index
    %get3A_25 = tpu.vector_load %arg7[%get3A_23, %get3A_24] {strides = array<i32>} : memref<6x16xf32, #tpu.memory_space<vmem>>, vector<1x16xf32>,
    %get3A_26 = vector.shape_cast %get3A_25 : vector<1x16xf32> to vector<16xf32>
    %get3A_27 = arith.constant 5 : i32
    %get3A_28 = arith.index_cast %get3A_27 : i32 to index
    %get3A_29 = arith.constant 0 : index
    %get3A_30 = tpu.vector_load %arg7[%get3A_28, %get3A_29] {strides = array<i32>} : memref<6x16xf32, #tpu.memory_space<vmem>>, vector<1x16xf32>,
    %get3A_31 = vector.shape_cast %get3A_30 : vector<1x16xf32> to vector<16xf32>
    %iota3A = tpu.iota {dimensions = array<i32: 0>} : vector<16xi32>
    %scan3A = arith.constant 0 : i32
    %scan3A_32 = arith.constant 0 : i32
    %scan3A_33 = arith.constant 96 : i32
    %scan3A_34 = arith.addi %scan3A_32, %scan3A_33 : i32
    %scan3A_35 = arith.constant 1 : i32
    scf.for %scan3A_317 = %scan3A_32 to %scan3A_34 step %scan3A_35  : i32 {
      %add3A_318 = arith.constant 0 : i32
      %add3A_319 = arith.addi %mul3A_2, %add3A_318 : i32
      %mul3A_320 = arith.constant 16 : i32
      %mul3A_321 = arith.muli %scan3A_317, %mul3A_320 : i32
      %add3A_322 = arith.addi %add3A_319, %mul3A_321 : i32
      %add3A_323 = vector.broadcast %add3A_322 : i32 to vector<16xi32>
      %add3A_324 = arith.addi %add3A_323, %iota3A : vector<16xi32>
      %shift_right_logical3A = arith.constant 18 : i32
      %shift_right_logical3A_325 = vector.broadcast %shift_right_logical3A : i32 to vector<16xi32>
      %shift_right_logical3A_326 = arith.shrui %add3A_324, %shift_right_logical3A_325 : vector<16xi32>
      %and3A = arith.constant 262143 : i32
      %and3A_327 = vector.broadcast %and3A : i32 to vector<16xi32>
      %and3A_328 = arith.andi %add3A_324, %and3A_327 : vector<16xi32>
      %shift_right_logical3A_329 = arith.constant 10 : i32
      %shift_right_logical3A_330 = vector.broadcast %shift_right_logical3A_329 : i32 to vector<16xi32>
      %shift_right_logical3A_331 = arith.shrui %and3A_328, %shift_right_logical3A_330 : vector<16xi32>
      %shift_right_logical3A_332 = arith.constant 7 : i32
      %shift_right_logical3A_333 = vector.broadcast %shift_right_logical3A_332 : i32 to vector<16xi32>
      %shift_right_logical3A_334 = arith.shrui %and3A_328, %shift_right_logical3A_333 : vector<16xi32>
      %and3A_335 = arith.constant 7 : i32
      %and3A_336 = vector.broadcast %and3A_335 : i32 to vector<16xi32>
      %and3A_337 = arith.andi %shift_right_logical3A_334, %and3A_336 : vector<16xi32>
      %and3A_338 = arith.constant 127 : i32
      %and3A_339 = vector.broadcast %and3A_338 : i32 to vector<16xi32>
      %and3A_340 = arith.andi %and3A_328, %and3A_339 : vector<16xi32>
      %shift_right_logical3A_341 = arith.constant 2 : i32
      %shift_right_logical3A_342 = vector.broadcast %shift_right_logical3A_341 : i32 to vector<16xi32>
      %shift_right_logical3A_343 = arith.shrui %shift_right_logical3A_331, %shift_right_logical3A_342 : vector<16xi32>
      %shift_left3A = arith.constant 3 : i32
      %shift_left3A_344 = vector.broadcast %shift_left3A : i32 to vector<16xi32>
      %shift_left3A_345 = arith.shli %shift_right_logical3A_343, %shift_left3A_344 : vector<16xi32>
      %add3A_346 = arith.addi %shift_left3A_345, %and3A_337 : vector<16xi32>
      %and3A_347 = arith.constant 3 : i32
      %and3A_348 = vector.broadcast %and3A_347 : i32 to vector<16xi32>
      %and3A_349 = arith.andi %shift_right_logical3A_331, %and3A_348 : vector<16xi32>
      %shift_left3A_350 = arith.constant 7 : i32
      %shift_left3A_351 = vector.broadcast %shift_left3A_350 : i32 to vector<16xi32>
      %shift_left3A_352 = arith.shli %and3A_349, %shift_left3A_351 : vector<16xi32>
      %add3A_353 = arith.addi %shift_left3A_352, %and3A_340 : vector<16xi32>
      %sub3A = arith.constant 256 : i32
      %sub3A_354 = vector.broadcast %sub3A : i32 to vector<16xi32>
      %sub3A_355 = arith.subi %sub3A_354, %add3A_346 : vector<16xi32>
      %convert_element_type3A = arith.sitofp %sub3A_355 : vector<16xi32> to vector<16xf32>
      %sub3A_356 = arith.constant 256 : i32
      %sub3A_357 = vector.broadcast %sub3A_356 : i32 to vector<16xi32>
      %sub3A_358 = arith.subi %add3A_353, %sub3A_357 : vector<16xi32>
      %convert_element_type3A_359 = arith.sitofp %sub3A_358 : vector<16xi32> to vector<16xf32>
      %mul3A_360 = arith.mulf %get3A_6, %convert_element_type3A : vector<16xf32>
      %mul3A_361 = arith.mulf %get3A_11, %convert_element_type3A_359 : vector<16xf32>
      %add3A_362 = arith.addf %mul3A_360, %mul3A_361 : vector<16xf32>
      %add3A_363 = arith.addf %add3A_362, %get3A_16 : vector<16xf32>
      %mul3A_364 = arith.mulf %get3A_21, %convert_element_type3A : vector<16xf32>
      %mul3A_365 = arith.mulf %get3A_26, %convert_element_type3A_359 : vector<16xf32>
      %add3A_366 = arith.addf %mul3A_364, %mul3A_365 : vector<16xf32>
      %add3A_367 = arith.addf %add3A_366, %get3A_31 : vector<16xf32>
      %convert_element_type3A_368 = arith.fptosi %add3A_363 : vector<16xf32> to vector<16xi32>
      %jit3A = arith.constant -255 : i32
      %jit3A_369 = arith.constant 256 : i32
      %max3A = vector.broadcast %jit3A : i32 to vector<16xi32>
      %max3A_370 = arith.maxsi %max3A, %convert_element_type3A_368 : vector<16xi32>
      %min3A = vector.broadcast %jit3A_369 : i32 to vector<16xi32>
      %min3A_371 = arith.minsi %min3A, %max3A_370 : vector<16xi32>
      %sub3A_372 = arith.constant 256 : i32
      %sub3A_373 = vector.broadcast %sub3A_372 : i32 to vector<16xi32>
      %sub3A_374 = arith.subi %sub3A_373, %min3A_371 : vector<16xi32>
      %convert_element_type3A_375 = arith.fptosi %add3A_367 : vector<16xf32> to vector<16xi32>
      %jit3A_376 = arith.constant -255 : i32
      %jit3A_377 = arith.constant 256 : i32
      %max3A_378 = vector.broadcast %jit3A_376 : i32 to vector<16xi32>
      %max3A_379 = arith.maxsi %max3A_378, %convert_element_type3A_375 : vector<16xi32>
      %min3A_380 = vector.broadcast %jit3A_377 : i32 to vector<16xi32>
      %min3A_381 = arith.minsi %min3A_380, %max3A_379 : vector<16xi32>
      %add3A_382 = arith.constant 255 : i32
      %add3A_383 = vector.broadcast %add3A_382 : i32 to vector<16xi32>
      %add3A_384 = arith.addi %add3A_383, %min3A_381 : vector<16xi32>
      %shift_left3A_385 = arith.constant 18 : i32
      %shift_left3A_386 = vector.broadcast %shift_left3A_385 : i32 to vector<16xi32>
      %shift_left3A_387 = arith.shli %shift_right_logical3A_326, %shift_left3A_386 : vector<16xi32>
      %shift_right_logical3A_388 = arith.constant 3 : i32
      %shift_right_logical3A_389 = vector.broadcast %shift_right_logical3A_388 : i32 to vector<16xi32>
      %shift_right_logical3A_390 = arith.shrui %sub3A_374, %shift_right_logical3A_389 : vector<16xi32>
      %shift_left3A_391 = arith.constant 12 : i32
      %shift_left3A_392 = vector.broadcast %shift_left3A_391 : i32 to vector<16xi32>
      %shift_left3A_393 = arith.shli %shift_right_logical3A_390, %shift_left3A_392 : vector<16xi32>
      %add3A_394 = arith.addi %shift_left3A_387, %shift_left3A_393 : vector<16xi32>
      %shift_right_logical3A_395 = arith.constant 7 : i32
      %shift_right_logical3A_396 = vector.broadcast %shift_right_logical3A_395 : i32 to vector<16xi32>
      %shift_right_logical3A_397 = arith.shrui %add3A_384, %shift_right_logical3A_396 : vector<16xi32>
      %shift_left3A_398 = arith.constant 10 : i32
      %shift_left3A_399 = vector.broadcast %shift_left3A_398 : i32 to vector<16xi32>
      %shift_left3A_400 = arith.shli %shift_right_logical3A_397, %shift_left3A_399 : vector<16xi32>
      %add3A_401 = arith.addi %add3A_394, %shift_left3A_400 : vector<16xi32>
      %and3A_402 = arith.constant 7 : i32
      %and3A_403 = vector.broadcast %and3A_402 : i32 to vector<16xi32>
      %and3A_404 = arith.andi %sub3A_374, %and3A_403 : vector<16xi32>
      %shift_left3A_405 = arith.constant 7 : i32
      %shift_left3A_406 = vector.broadcast %shift_left3A_405 : i32 to vector<16xi32>
      %shift_left3A_407 = arith.shli %and3A_404, %shift_left3A_406 : vector<16xi32>
      %add3A_408 = arith.addi %add3A_401, %shift_left3A_407 : vector<16xi32>
      %and3A_409 = arith.constant 127 : i32
      %and3A_410 = vector.broadcast %and3A_409 : i32 to vector<16xi32>
      %and3A_411 = arith.andi %add3A_384, %and3A_410 : vector<16xi32>
      %add3A_412 = arith.addi %add3A_408, %and3A_411 : vector<16xi32>
      %mul3A_413 = arith.constant 16 : i32
      %mul3A_414 = arith.muli %scan3A_317, %mul3A_413 : i32
      %add3A_415 = arith.constant 0 : i32
      %add3A_416 = arith.addi %add3A_415, %mul3A_414 : i32
      %swap3A = arith.index_cast %add3A_416 : i32 to index
      %swap3A_417 = tpu.vector_load %arg5[%swap3A] {strides = array<i32>} : memref<24576xi32, #tpu.memory_space<vmem>>, vector<16xi32>,
      %swap3A_418 = vector.shape_cast %swap3A_417 : vector<16xi32> to vector<16xi32>
      %swap3A_419 = vector.shape_cast %add3A_412 : vector<16xi32> to vector<16xi32>
      tpu.vector_store %arg5[%swap3A], %swap3A_419 {strides = array<i32>} : memref<24576xi32, #tpu.memory_space<vmem>>, vector<16xi32>,
    }
    %scan3A_36 = arith.constant 96 : i32
    %dma_start3A = arith.constant 0 : i32
    %dma_start3A_37 = tpu.memref_slice %arg6[%dma_start3A] : memref<24576xf32, #tpu.memory_space<vmem>> -> memref<1536xf32, #tpu.memory_space<vmem>>
    %dma_start3A_38 = arith.constant 0 : i32
    %dma_start3A_39 = tpu.memref_slice %arg5[%dma_start3A_38] : memref<24576xi32, #tpu.memory_space<vmem>> -> memref<1536xi32, #tpu.memory_space<vmem>>
    %dma_start3A_40 = arith.constant 0 : i32
    %dma_start3A_41 = tpu.memref_slice %arg2[%dma_start3A_40] : memref<786432xf32, #tpu.memory_space<hbm>> -> memref<786432xf32, #tpu.memory_space<hbm>>
    tpu.enqueue_indirect_dma source(%dma_start3A_41 : memref<786432xf32, #tpu.memory_space<hbm>>) target(%dma_start3A_37 : memref<1536xf32, #tpu.memory_space<vmem>>) offsets(%dma_start3A_39 : memref<1536xi32, #tpu.memory_space<vmem>>) semaphore(%arg8 : memref<!tpu.dma_semaphore, #tpu.memory_space<semaphore_mem>>)
    %scan3A_42 = arith.constant 0 : i32
    %scan3A_43 = arith.constant 0 : i32
    %scan3A_44 = arith.constant 96 : i32
    %scan3A_45 = arith.addi %scan3A_43, %scan3A_44 : i32
    %scan3A_46 = arith.constant 1 : i32
    scf.for %scan3A_317 = %scan3A_43 to %scan3A_45 step %scan3A_46  : i32 {
      %add3A_318 = arith.constant 1536 : i32
      %add3A_319 = arith.addi %mul3A_2, %add3A_318 : i32
      %mul3A_320 = arith.constant 16 : i32
      %mul3A_321 = arith.muli %scan3A_317, %mul3A_320 : i32
      %add3A_322 = arith.addi %add3A_319, %mul3A_321 : i32
      %add3A_323 = vector.broadcast %add3A_322 : i32 to vector<16xi32>
      %add3A_324 = arith.addi %add3A_323, %iota3A : vector<16xi32>
      %shift_right_logical3A = arith.constant 18 : i32
      %shift_right_logical3A_325 = vector.broadcast %shift_right_logical3A : i32 to vector<16xi32>
      %shift_right_logical3A_326 = arith.shrui %add3A_324, %shift_right_logical3A_325 : vector<16xi32>
      %and3A = arith.constant 262143 : i32
      %and3A_327 = vector.broadcast %and3A : i32 to vector<16xi32>
      %and3A_328 = arith.andi %add3A_324, %and3A_327 : vector<16xi32>
      %shift_right_logical3A_329 = arith.constant 10 : i32
      %shift_right_logical3A_330 = vector.broadcast %shift_right_logical3A_329 : i32 to vector<16xi32>
      %shift_right_logical3A_331 = arith.shrui %and3A_328, %shift_right_logical3A_330 : vector<16xi32>
      %shift_right_logical3A_332 = arith.constant 7 : i32
      %shift_right_logical3A_333 = vector.broadcast %shift_right_logical3A_332 : i32 to vector<16xi32>
      %shift_right_logical3A_334 = arith.shrui %and3A_328, %shift_right_logical3A_333 : vector<16xi32>
      %and3A_335 = arith.constant 7 : i32
      %and3A_336 = vector.broadcast %and3A_335 : i32 to vector<16xi32>
      %and3A_337 = arith.andi %shift_right_logical3A_334, %and3A_336 : vector<16xi32>
      %and3A_338 = arith.constant 127 : i32
      %and3A_339 = vector.broadcast %and3A_338 : i32 to vector<16xi32>
      %and3A_340 = arith.andi %and3A_328, %and3A_339 : vector<16xi32>
      %shift_right_logical3A_341 = arith.constant 2 : i32
      %shift_right_logical3A_342 = vector.broadcast %shift_right_logical3A_341 : i32 to vector<16xi32>
      %shift_right_logical3A_343 = arith.shrui %shift_right_logical3A_331, %shift_right_logical3A_342 : vector<16xi32>
      %shift_left3A = arith.constant 3 : i32
      %shift_left3A_344 = vector.broadcast %shift_left3A : i32 to vector<16xi32>
      %shift_left3A_345 = arith.shli %shift_right_logical3A_343, %shift_left3A_344 : vector<16xi32>
      %add3A_346 = arith.addi %shift_left3A_345, %and3A_337 : vector<16xi32>
      %and3A_347 = arith.constant 3 : i32
      %and3A_348 = vector.broadcast %and3A_347 : i32 to vector<16xi32>
      %and3A_349 = arith.andi %shift_right_logical3A_331, %and3A_348 : vector<16xi32>
      %shift_left3A_350 = arith.constant 7 : i32
      %shift_left3A_351 = vector.broadcast %shift_left3A_350 : i32 to vector<16xi32>
      %shift_left3A_352 = arith.shli %and3A_349, %shift_left3A_351 : vector<16xi32>
      %add3A_353 = arith.addi %shift_left3A_352, %and3A_340 : vector<16xi32>
      %sub3A = arith.constant 256 : i32
      %sub3A_354 = vector.broadcast %sub3A : i32 to vector<16xi32>
      %sub3A_355 = arith.subi %sub3A_354, %add3A_346 : vector<16xi32>
      %convert_element_type3A = arith.sitofp %sub3A_355 : vector<16xi32> to vector<16xf32>
      %sub3A_356 = arith.constant 256 : i32
      %sub3A_357 = vector.broadcast %sub3A_356 : i32 to vector<16xi32>
      %sub3A_358 = arith.subi %add3A_353, %sub3A_357 : vector<16xi32>
      %convert_element_type3A_359 = arith.sitofp %sub3A_358 : vector<16xi32> to vector<16xf32>
      %mul3A_360 = arith.mulf %get3A_6, %convert_element_type3A : vector<16xf32>
      %mul3A_361 = arith.mulf %get3A_11, %convert_element_type3A_359 : vector<16xf32>
      %add3A_362 = arith.addf %mul3A_360, %mul3A_361 : vector<16xf32>
      %add3A_363 = arith.addf %add3A_362, %get3A_16 : vector<16xf32>
      %mul3A_364 = arith.mulf %get3A_21, %convert_element_type3A : vector<16xf32>
      %mul3A_365 = arith.mulf %get3A_26, %convert_element_type3A_359 : vector<16xf32>
      %add3A_366 = arith.addf %mul3A_364, %mul3A_365 : vector<16xf32>
      %add3A_367 = arith.addf %add3A_366, %get3A_31 : vector<16xf32>
      %convert_element_type3A_368 = arith.fptosi %add3A_363 : vector<16xf32> to vector<16xi32>
      %jit3A = arith.constant -255 : i32
      %jit3A_369 = arith.constant 256 : i32
      %max3A = vector.broadcast %jit3A : i32 to vector<16xi32>
      %max3A_370 = arith.maxsi %max3A, %convert_element_type3A_368 : vector<16xi32>
      %min3A = vector.broadcast %jit3A_369 : i32 to vector<16xi32>
      %min3A_371 = arith.minsi %min3A, %max3A_370 : vector<16xi32>
      %sub3A_372 = arith.constant 256 : i32
      %sub3A_373 = vector.broadcast %sub3A_372 : i32 to vector<16xi32>
      %sub3A_374 = arith.subi %sub3A_373, %min3A_371 : vector<16xi32>
      %convert_element_type3A_375 = arith.fptosi %add3A_367 : vector<16xf32> to vector<16xi32>
      %jit3A_376 = arith.constant -255 : i32
      %jit3A_377 = arith.constant 256 : i32
      %max3A_378 = vector.broadcast %jit3A_376 : i32 to vector<16xi32>
      %max3A_379 = arith.maxsi %max3A_378, %convert_element_type3A_375 : vector<16xi32>
      %min3A_380 = vector.broadcast %jit3A_377 : i32 to vector<16xi32>
      %min3A_381 = arith.minsi %min3A_380, %max3A_379 : vector<16xi32>
      %add3A_382 = arith.constant 255 : i32
      %add3A_383 = vector.broadcast %add3A_382 : i32 to vector<16xi32>
      %add3A_384 = arith.addi %add3A_383, %min3A_381 : vector<16xi32>
      %shift_left3A_385 = arith.constant 18 : i32
      %shift_left3A_386 = vector.broadcast %shift_left3A_385 : i32 to vector<16xi32>
      %shift_left3A_387 = arith.shli %shift_right_logical3A_326, %shift_left3A_386 : vector<16xi32>
      %shift_right_logical3A_388 = arith.constant 3 : i32
      %shift_right_logical3A_389 = vector.broadcast %shift_right_logical3A_388 : i32 to vector<16xi32>
      %shift_right_logical3A_390 = arith.shrui %sub3A_374, %shift_right_logical3A_389 : vector<16xi32>
      %shift_left3A_391 = arith.constant 12 : i32
      %shift_left3A_392 = vector.broadcast %shift_left3A_391 : i32 to vector<16xi32>
      %shift_left3A_393 = arith.shli %shift_right_logical3A_390, %shift_left3A_392 : vector<16xi32>
      %add3A_394 = arith.addi %shift_left3A_387, %shift_left3A_393 : vector<16xi32>
      %shift_right_logical3A_395 = arith.constant 7 : i32
      %shift_right_logical3A_396 = vector.broadcast %shift_right_logical3A_395 : i32 to vector<16xi32>
      %shift_right_logical3A_397 = arith.shrui %add3A_384, %shift_right_logical3A_396 : vector<16xi32>
      %shift_left3A_398 = arith.constant 10 : i32
      %shift_left3A_399 = vector.broadcast %shift_left3A_398 : i32 to vector<16xi32>
      %shift_left3A_400 = arith.shli %shift_right_logical3A_397, %shift_left3A_399 : vector<16xi32>
      %add3A_401 = arith.addi %add3A_394, %shift_left3A_400 : vector<16xi32>
      %and3A_402 = arith.constant 7 : i32
      %and3A_403 = vector.broadcast %and3A_402 : i32 to vector<16xi32>
      %and3A_404 = arith.andi %sub3A_374, %and3A_403 : vector<16xi32>
      %shift_left3A_405 = arith.constant 7 : i32
      %shift_left3A_406 = vector.broadcast %shift_left3A_405 : i32 to vector<16xi32>
      %shift_left3A_407 = arith.shli %and3A_404, %shift_left3A_406 : vector<16xi32>
      %add3A_408 = arith.addi %add3A_401, %shift_left3A_407 : vector<16xi32>
      %and3A_409 = arith.constant 127 : i32
      %and3A_410 = vector.broadcast %and3A_409 : i32 to vector<16xi32>
      %and3A_411 = arith.andi %add3A_384, %and3A_410 : vector<16xi32>
      %add3A_412 = arith.addi %add3A_408, %and3A_411 : vector<16xi32>
      %mul3A_413 = arith.constant 16 : i32
      %mul3A_414 = arith.muli %scan3A_317, %mul3A_413 : i32
      %add3A_415 = arith.constant 1536 : i32
      %add3A_416 = arith.addi %add3A_415, %mul3A_414 : i32
      %swap3A = arith.index_cast %add3A_416 : i32 to index
      %swap3A_417 = tpu.vector_load %arg5[%swap3A] {strides = array<i32>} : memref<24576xi32, #tpu.memory_space<vmem>>, vector<16xi32>,
      %swap3A_418 = vector.shape_cast %swap3A_417 : vector<16xi32> to vector<16xi32>
      %swap3A_419 = vector.shape_cast %add3A_412 : vector<16xi32> to vector<16xi32>
      tpu.vector_store %arg5[%swap3A], %swap3A_419 {strides = array<i32>} : memref<24576xi32, #tpu.memory_space<vmem>>, vector<16xi32>,
    }
    %scan3A_47 = arith.constant 96 : i32
    %dma_start3A_48 = arith.constant 1536 : i32
    %dma_start3A_49 = tpu.memref_slice %arg6[%dma_start3A_48] : memref<24576xf32, #tpu.memory_space<vmem>> -> memref<1536xf32, #tpu.memory_space<vmem>>
    %dma_start3A_50 = arith.constant 1536 : i32
    %dma_start3A_51 = tpu.memref_slice %arg5[%dma_start3A_50] : memref<24576xi32, #tpu.memory_space<vmem>> -> memref<1536xi32, #tpu.memory_space<vmem>>
    %dma_start3A_52 = arith.constant 0 : i32
    %dma_start3A_53 = tpu.memref_slice %arg2[%dma_start3A_52] : memref<786432xf32, #tpu.memory_space<hbm>> -> memref<786432xf32, #tpu.memory_space<hbm>>
    tpu.enqueue_indirect_dma source(%dma_start3A_53 : memref<786432xf32, #tpu.memory_space<hbm>>) target(%dma_start3A_49 : memref<1536xf32, #tpu.memory_space<vmem>>) offsets(%dma_start3A_51 : memref<1536xi32, #tpu.memory_space<vmem>>) semaphore(%arg8 : memref<!tpu.dma_semaphore, #tpu.memory_space<semaphore_mem>>)
    %scan3A_54 = arith.constant 0 : i32
    %scan3A_55 = arith.constant 0 : i32
    %scan3A_56 = arith.constant 96 : i32
    %scan3A_57 = arith.addi %scan3A_55, %scan3A_56 : i32
    %scan3A_58 = arith.constant 1 : i32
    scf.for %scan3A_317 = %scan3A_55 to %scan3A_57 step %scan3A_58  : i32 {
      %add3A_318 = arith.constant 3072 : i32
      %add3A_319 = arith.addi %mul3A_2, %add3A_318 : i32
      %mul3A_320 = arith.constant 16 : i32
      %mul3A_321 = arith.muli %scan3A_317, %mul3A_320 : i32
      %add3A_322 = arith.addi %add3A_319, %mul3A_321 : i32
      %add3A_323 = vector.broadcast %add3A_322 : i32 to vector<16xi32>
      %add3A_324 = arith.addi %add3A_323, %iota3A : vector<16xi32>
      %shift_right_logical3A = arith.constant 18 : i32
      %shift_right_logical3A_325 = vector.broadcast %shift_right_logical3A : i32 to vector<16xi32>
      %shift_right_logical3A_326 = arith.shrui %add3A_324, %shift_right_logical3A_325 : vector<16xi32>
      %and3A = arith.constant 262143 : i32
      %and3A_327 = vector.broadcast %and3A : i32 to vector<16xi32>
      %and3A_328 = arith.andi %add3A_324, %and3A_327 : vector<16xi32>
      %shift_right_logical3A_329 = arith.constant 10 : i32
      %shift_right_logical3A_330 = vector.broadcast %shift_right_logical3A_329 : i32 to vector<16xi32>
      %shift_right_logical3A_331 = arith.shrui %and3A_328, %shift_right_logical3A_330 : vector<16xi32>
      %shift_right_logical3A_332 = arith.constant 7 : i32
      %shift_right_logical3A_333 = vector.broadcast %shift_right_logical3A_332 : i32 to vector<16xi32>
      %shift_right_logical3A_334 = arith.shrui %and3A_328, %shift_right_logical3A_333 : vector<16xi32>
      %and3A_335 = arith.constant 7 : i32
      %and3A_336 = vector.broadcast %and3A_335 : i32 to vector<16xi32>
      %and3A_337 = arith.andi %shift_right_logical3A_334, %and3A_336 : vector<16xi32>
      %and3A_338 = arith.constant 127 : i32
      %and3A_339 = vector.broadcast %and3A_338 : i32 to vector<16xi32>
      %and3A_340 = arith.andi %and3A_328, %and3A_339 : vector<16xi32>
      %shift_right_logical3A_341 = arith.constant 2 : i32
      %shift_right_logical3A_342 = vector.broadcast %shift_right_logical3A_341 : i32 to vector<16xi32>
      %shift_right_logical3A_343 = arith.shrui %shift_right_logical3A_331, %shift_right_logical3A_342 : vector<16xi32>
      %shift_left3A = arith.constant 3 : i32
      %shift_left3A_344 = vector.broadcast %shift_left3A : i32 to vector<16xi32>
      %shift_left3A_345 = arith.shli %shift_right_logical3A_343, %shift_left3A_344 : vector<16xi32>
      %add3A_346 = arith.addi %shift_left3A_345, %and3A_337 : vector<16xi32>
      %and3A_347 = arith.constant 3 : i32
      %and3A_348 = vector.broadcast %and3A_347 : i32 to vector<16xi32>
      %and3A_349 = arith.andi %shift_right_logical3A_331, %and3A_348 : vector<16xi32>
      %shift_left3A_350 = arith.constant 7 : i32
      %shift_left3A_351 = vector.broadcast %shift_left3A_350 : i32 to vector<16xi32>
      %shift_left3A_352 = arith.shli %and3A_349, %shift_left3A_351 : vector<16xi32>
      %add3A_353 = arith.addi %shift_left3A_352, %and3A_340 : vector<16xi32>
      %sub3A = arith.constant 256 : i32
      %sub3A_354 = vector.broadcast %sub3A : i32 to vector<16xi32>
      %sub3A_355 = arith.subi %sub3A_354, %add3A_346 : vector<16xi32>
      %convert_element_type3A = arith.sitofp %sub3A_355 : vector<16xi32> to vector<16xf32>
      %sub3A_356 = arith.constant 256 : i32
      %sub3A_357 = vector.broadcast %sub3A_356 : i32 to vector<16xi32>
      %sub3A_358 = arith.subi %add3A_353, %sub3A_357 : vector<16xi32>
      %convert_element_type3A_359 = arith.sitofp %sub3A_358 : vector<16xi32> to vector<16xf32>
      %mul3A_360 = arith.mulf %get3A_6, %convert_element_type3A : vector<16xf32>
      %mul3A_361 = arith.mulf %get3A_11, %convert_element_type3A_359 : vector<16xf32>
      %add3A_362 = arith.addf %mul3A_360, %mul3A_361 : vector<16xf32>
      %add3A_363 = arith.addf %add3A_362, %get3A_16 : vector<16xf32>
      %mul3A_364 = arith.mulf %get3A_21, %convert_element_type3A : vector<16xf32>
      %mul3A_365 = arith.mulf %get3A_26, %convert_element_type3A_359 : vector<16xf32>
      %add3A_366 = arith.addf %mul3A_364, %mul3A_365 : vector<16xf32>
      %add3A_367 = arith.addf %add3A_366, %get3A_31 : vector<16xf32>
      %convert_element_type3A_368 = arith.fptosi %add3A_363 : vector<16xf32> to vector<16xi32>
      %jit3A = arith.constant -255 : i32
      %jit3A_369 = arith.constant 256 : i32
      %max3A = vector.broadcast %jit3A : i32 to vector<16xi32>
      %max3A_370 = arith.maxsi %max3A, %convert_element_type3A_368 : vector<16xi32>
      %min3A = vector.broadcast %jit3A_369 : i32 to vector<16xi32>
      %min3A_371 = arith.minsi %min3A, %max3A_370 : vector<16xi32>
      %sub3A_372 = arith.constant 256 : i32
      %sub3A_373 = vector.broadcast %sub3A_372 : i32 to vector<16xi32>
      %sub3A_374 = arith.subi %sub3A_373, %min3A_371 : vector<16xi32>
      %convert_element_type3A_375 = arith.fptosi %add3A_367 : vector<16xf32> to vector<16xi32>
      %jit3A_376 = arith.constant -255 : i32
      %jit3A_377 = arith.constant 256 : i32
      %max3A_378 = vector.broadcast %jit3A_376 : i32 to vector<16xi32>
      %max3A_379 = arith.maxsi %max3A_378, %convert_element_type3A_375 : vector<16xi32>
      %min3A_380 = vector.broadcast %jit3A_377 : i32 to vector<16xi32>
      %min3A_381 = arith.minsi %min3A_380, %max3A_379 : vector<16xi32>
      %add3A_382 = arith.constant 255 : i32
      %add3A_383 = vector.broadcast %add3A_382 : i32 to vector<16xi32>
      %add3A_384 = arith.addi %add3A_383, %min3A_381 : vector<16xi32>
      %shift_left3A_385 = arith.constant 18 : i32
      %shift_left3A_386 = vector.broadcast %shift_left3A_385 : i32 to vector<16xi32>
      %shift_left3A_387 = arith.shli %shift_right_logical3A_326, %shift_left3A_386 : vector<16xi32>
      %shift_right_logical3A_388 = arith.constant 3 : i32
      %shift_right_logical3A_389 = vector.broadcast %shift_right_logical3A_388 : i32 to vector<16xi32>
      %shift_right_logical3A_390 = arith.shrui %sub3A_374, %shift_right_logical3A_389 : vector<16xi32>
      %shift_left3A_391 = arith.constant 12 : i32
      %shift_left3A_392 = vector.broadcast %shift_left3A_391 : i32 to vector<16xi32>
      %shift_left3A_393 = arith.shli %shift_right_logical3A_390, %shift_left3A_392 : vector<16xi32>
      %add3A_394 = arith.addi %shift_left3A_387, %shift_left3A_393 : vector<16xi32>
      %shift_right_logical3A_395 = arith.constant 7 : i32
      %shift_right_logical3A_396 = vector.broadcast %shift_right_logical3A_395 : i32 to vector<16xi32>
      %shift_right_logical3A_397 = arith.shrui %add3A_384, %shift_right_logical3A_396 : vector<16xi32>
      %shift_left3A_398 = arith.constant 10 : i32
      %shift_left3A_399 = vector.broadcast %shift_left3A_398 : i32 to vector<16xi32>
      %shift_left3A_400 = arith.shli %shift_right_logical3A_397, %shift_left3A_399 : vector<16xi32>
      %add3A_401 = arith.addi %add3A_394, %shift_left3A_400 : vector<16xi32>
      %and3A_402 = arith.constant 7 : i32
      %and3A_403 = vector.broadcast %and3A_402 : i32 to vector<16xi32>
      %and3A_404 = arith.andi %sub3A_374, %and3A_403 : vector<16xi32>
      %shift_left3A_405 = arith.constant 7 : i32
      %shift_left3A_406 = vector.broadcast %shift_left3A_405 : i32 to vector<16xi32>
      %shift_left3A_407 = arith.shli %and3A_404, %shift_left3A_406 : vector<16xi32>
      %add3A_408 = arith.addi %add3A_401, %shift_left3A_407 : vector<16xi32>
      %and3A_409 = arith.constant 127 : i32
      %and3A_410 = vector.broadcast %and3A_409 : i32 to vector<16xi32>
      %and3A_411 = arith.andi %add3A_384, %and3A_410 : vector<16xi32>
      %add3A_412 = arith.addi %add3A_408, %and3A_411 : vector<16xi32>
      %mul3A_413 = arith.constant 16 : i32
      %mul3A_414 = arith.muli %scan3A_317, %mul3A_413 : i32
      %add3A_415 = arith.constant 3072 : i32
      %add3A_416 = arith.addi %add3A_415, %mul3A_414 : i32
      %swap3A = arith.index_cast %add3A_416 : i32 to index
      %swap3A_417 = tpu.vector_load %arg5[%swap3A] {strides = array<i32>} : memref<24576xi32, #tpu.memory_space<vmem>>, vector<16xi32>,
      %swap3A_418 = vector.shape_cast %swap3A_417 : vector<16xi32> to vector<16xi32>
      %swap3A_419 = vector.shape_cast %add3A_412 : vector<16xi32> to vector<16xi32>
      tpu.vector_store %arg5[%swap3A], %swap3A_419 {strides = array<i32>} : memref<24576xi32, #tpu.memory_space<vmem>>, vector<16xi32>,
    }
    %scan3A_59 = arith.constant 96 : i32
    %dma_start3A_60 = arith.constant 3072 : i32
    %dma_start3A_61 = tpu.memref_slice %arg6[%dma_start3A_60] : memref<24576xf32, #tpu.memory_space<vmem>> -> memref<1536xf32, #tpu.memory_space<vmem>>
    %dma_start3A_62 = arith.constant 3072 : i32
    %dma_start3A_63 = tpu.memref_slice %arg5[%dma_start3A_62] : memref<24576xi32, #tpu.memory_space<vmem>> -> memref<1536xi32, #tpu.memory_space<vmem>>
    %dma_start3A_64 = arith.constant 0 : i32
    %dma_start3A_65 = tpu.memref_slice %arg2[%dma_start3A_64] : memref<786432xf32, #tpu.memory_space<hbm>> -> memref<786432xf32, #tpu.memory_space<hbm>>
    tpu.enqueue_indirect_dma source(%dma_start3A_65 : memref<786432xf32, #tpu.memory_space<hbm>>) target(%dma_start3A_61 : memref<1536xf32, #tpu.memory_space<vmem>>) offsets(%dma_start3A_63 : memref<1536xi32, #tpu.memory_space<vmem>>) semaphore(%arg8 : memref<!tpu.dma_semaphore, #tpu.memory_space<semaphore_mem>>)
    %scan3A_66 = arith.constant 0 : i32
    %scan3A_67 = arith.constant 0 : i32
    %scan3A_68 = arith.constant 96 : i32
    %scan3A_69 = arith.addi %scan3A_67, %scan3A_68 : i32
    %scan3A_70 = arith.constant 1 : i32
    scf.for %scan3A_317 = %scan3A_67 to %scan3A_69 step %scan3A_70  : i32 {
      %add3A_318 = arith.constant 4608 : i32
      %add3A_319 = arith.addi %mul3A_2, %add3A_318 : i32
      %mul3A_320 = arith.constant 16 : i32
      %mul3A_321 = arith.muli %scan3A_317, %mul3A_320 : i32
      %add3A_322 = arith.addi %add3A_319, %mul3A_321 : i32
      %add3A_323 = vector.broadcast %add3A_322 : i32 to vector<16xi32>
      %add3A_324 = arith.addi %add3A_323, %iota3A : vector<16xi32>
      %shift_right_logical3A = arith.constant 18 : i32
      %shift_right_logical3A_325 = vector.broadcast %shift_right_logical3A : i32 to vector<16xi32>
      %shift_right_logical3A_326 = arith.shrui %add3A_324, %shift_right_logical3A_325 : vector<16xi32>
      %and3A = arith.constant 262143 : i32
      %and3A_327 = vector.broadcast %and3A : i32 to vector<16xi32>
      %and3A_328 = arith.andi %add3A_324, %and3A_327 : vector<16xi32>
      %shift_right_logical3A_329 = arith.constant 10 : i32
      %shift_right_logical3A_330 = vector.broadcast %shift_right_logical3A_329 : i32 to vector<16xi32>
      %shift_right_logical3A_331 = arith.shrui %and3A_328, %shift_right_logical3A_330 : vector<16xi32>
      %shift_right_logical3A_332 = arith.constant 7 : i32
      %shift_right_logical3A_333 = vector.broadcast %shift_right_logical3A_332 : i32 to vector<16xi32>
      %shift_right_logical3A_334 = arith.shrui %and3A_328, %shift_right_logical3A_333 : vector<16xi32>
      %and3A_335 = arith.constant 7 : i32
      %and3A_336 = vector.broadcast %and3A_335 : i32 to vector<16xi32>
      %and3A_337 = arith.andi %shift_right_logical3A_334, %and3A_336 : vector<16xi32>
      %and3A_338 = arith.constant 127 : i32
      %and3A_339 = vector.broadcast %and3A_338 : i32 to vector<16xi32>
      %and3A_340 = arith.andi %and3A_328, %and3A_339 : vector<16xi32>
      %shift_right_logical3A_341 = arith.constant 2 : i32
      %shift_right_logical3A_342 = vector.broadcast %shift_right_logical3A_341 : i32 to vector<16xi32>
      %shift_right_logical3A_343 = arith.shrui %shift_right_logical3A_331, %shift_right_logical3A_342 : vector<16xi32>
      %shift_left3A = arith.constant 3 : i32
      %shift_left3A_344 = vector.broadcast %shift_left3A : i32 to vector<16xi32>
      %shift_left3A_345 = arith.shli %shift_right_logical3A_343, %shift_left3A_344 : vector<16xi32>
      %add3A_346 = arith.addi %shift_left3A_345, %and3A_337 : vector<16xi32>
      %and3A_347 = arith.constant 3 : i32
      %and3A_348 = vector.broadcast %and3A_347 : i32 to vector<16xi32>
      %and3A_349 = arith.andi %shift_right_logical3A_331, %and3A_348 : vector<16xi32>
      %shift_left3A_350 = arith.constant 7 : i32
      %shift_left3A_351 = vector.broadcast %shift_left3A_350 : i32 to vector<16xi32>
      %shift_left3A_352 = arith.shli %and3A_349, %shift_left3A_351 : vector<16xi32>
      %add3A_353 = arith.addi %shift_left3A_352, %and3A_340 : vector<16xi32>
      %sub3A = arith.constant 256 : i32
      %sub3A_354 = vector.broadcast %sub3A : i32 to vector<16xi32>
      %sub3A_355 = arith.subi %sub3A_354, %add3A_346 : vector<16xi32>
      %convert_element_type3A = arith.sitofp %sub3A_355 : vector<16xi32> to vector<16xf32>
      %sub3A_356 = arith.constant 256 : i32
      %sub3A_357 = vector.broadcast %sub3A_356 : i32 to vector<16xi32>
      %sub3A_358 = arith.subi %add3A_353, %sub3A_357 : vector<16xi32>
      %convert_element_type3A_359 = arith.sitofp %sub3A_358 : vector<16xi32> to vector<16xf32>
      %mul3A_360 = arith.mulf %get3A_6, %convert_element_type3A : vector<16xf32>
      %mul3A_361 = arith.mulf %get3A_11, %convert_element_type3A_359 : vector<16xf32>
      %add3A_362 = arith.addf %mul3A_360, %mul3A_361 : vector<16xf32>
      %add3A_363 = arith.addf %add3A_362, %get3A_16 : vector<16xf32>
      %mul3A_364 = arith.mulf %get3A_21, %convert_element_type3A : vector<16xf32>
      %mul3A_365 = arith.mulf %get3A_26, %convert_element_type3A_359 : vector<16xf32>
      %add3A_366 = arith.addf %mul3A_364, %mul3A_365 : vector<16xf32>
      %add3A_367 = arith.addf %add3A_366, %get3A_31 : vector<16xf32>
      %convert_element_type3A_368 = arith.fptosi %add3A_363 : vector<16xf32> to vector<16xi32>
      %jit3A = arith.constant -255 : i32
      %jit3A_369 = arith.constant 256 : i32
      %max3A = vector.broadcast %jit3A : i32 to vector<16xi32>
      %max3A_370 = arith.maxsi %max3A, %convert_element_type3A_368 : vector<16xi32>
      %min3A = vector.broadcast %jit3A_369 : i32 to vector<16xi32>
      %min3A_371 = arith.minsi %min3A, %max3A_370 : vector<16xi32>
      %sub3A_372 = arith.constant 256 : i32
      %sub3A_373 = vector.broadcast %sub3A_372 : i32 to vector<16xi32>
      %sub3A_374 = arith.subi %sub3A_373, %min3A_371 : vector<16xi32>
      %convert_element_type3A_375 = arith.fptosi %add3A_367 : vector<16xf32> to vector<16xi32>
      %jit3A_376 = arith.constant -255 : i32
      %jit3A_377 = arith.constant 256 : i32
      %max3A_378 = vector.broadcast %jit3A_376 : i32 to vector<16xi32>
      %max3A_379 = arith.maxsi %max3A_378, %convert_element_type3A_375 : vector<16xi32>
      %min3A_380 = vector.broadcast %jit3A_377 : i32 to vector<16xi32>
      %min3A_381 = arith.minsi %min3A_380, %max3A_379 : vector<16xi32>
      %add3A_382 = arith.constant 255 : i32
      %add3A_383 = vector.broadcast %add3A_382 : i32 to vector<16xi32>
      %add3A_384 = arith.addi %add3A_383, %min3A_381 : vector<16xi32>
      %shift_left3A_385 = arith.constant 18 : i32
      %shift_left3A_386 = vector.broadcast %shift_left3A_385 : i32 to vector<16xi32>
      %shift_left3A_387 = arith.shli %shift_right_logical3A_326, %shift_left3A_386 : vector<16xi32>
      %shift_right_logical3A_388 = arith.constant 3 : i32
      %shift_right_logical3A_389 = vector.broadcast %shift_right_logical3A_388 : i32 to vector<16xi32>
      %shift_right_logical3A_390 = arith.shrui %sub3A_374, %shift_right_logical3A_389 : vector<16xi32>
      %shift_left3A_391 = arith.constant 12 : i32
      %shift_left3A_392 = vector.broadcast %shift_left3A_391 : i32 to vector<16xi32>
      %shift_left3A_393 = arith.shli %shift_right_logical3A_390, %shift_left3A_392 : vector<16xi32>
      %add3A_394 = arith.addi %shift_left3A_387, %shift_left3A_393 : vector<16xi32>
      %shift_right_logical3A_395 = arith.constant 7 : i32
      %shift_right_logical3A_396 = vector.broadcast %shift_right_logical3A_395 : i32 to vector<16xi32>
      %shift_right_logical3A_397 = arith.shrui %add3A_384, %shift_right_logical3A_396 : vector<16xi32>
      %shift_left3A_398 = arith.constant 10 : i32
      %shift_left3A_399 = vector.broadcast %shift_left3A_398 : i32 to vector<16xi32>
      %shift_left3A_400 = arith.shli %shift_right_logical3A_397, %shift_left3A_399 : vector<16xi32>
      %add3A_401 = arith.addi %add3A_394, %shift_left3A_400 : vector<16xi32>
      %and3A_402 = arith.constant 7 : i32
      %and3A_403 = vector.broadcast %and3A_402 : i32 to vector<16xi32>
      %and3A_404 = arith.andi %sub3A_374, %and3A_403 : vector<16xi32>
      %shift_left3A_405 = arith.constant 7 : i32
      %shift_left3A_406 = vector.broadcast %shift_left3A_405 : i32 to vector<16xi32>
      %shift_left3A_407 = arith.shli %and3A_404, %shift_left3A_406 : vector<16xi32>
      %add3A_408 = arith.addi %add3A_401, %shift_left3A_407 : vector<16xi32>
      %and3A_409 = arith.constant 127 : i32
      %and3A_410 = vector.broadcast %and3A_409 : i32 to vector<16xi32>
      %and3A_411 = arith.andi %add3A_384, %and3A_410 : vector<16xi32>
      %add3A_412 = arith.addi %add3A_408, %and3A_411 : vector<16xi32>
      %mul3A_413 = arith.constant 16 : i32
      %mul3A_414 = arith.muli %scan3A_317, %mul3A_413 : i32
      %add3A_415 = arith.constant 4608 : i32
      %add3A_416 = arith.addi %add3A_415, %mul3A_414 : i32
      %swap3A = arith.index_cast %add3A_416 : i32 to index
      %swap3A_417 = tpu.vector_load %arg5[%swap3A] {strides = array<i32>} : memref<24576xi32, #tpu.memory_space<vmem>>, vector<16xi32>,
      %swap3A_418 = vector.shape_cast %swap3A_417 : vector<16xi32> to vector<16xi32>
      %swap3A_419 = vector.shape_cast %add3A_412 : vector<16xi32> to vector<16xi32>
      tpu.vector_store %arg5[%swap3A], %swap3A_419 {strides = array<i32>} : memref<24576xi32, #tpu.memory_space<vmem>>, vector<16xi32>,
    }
    %scan3A_71 = arith.constant 96 : i32
    %dma_start3A_72 = arith.constant 4608 : i32
    %dma_start3A_73 = tpu.memref_slice %arg6[%dma_start3A_72] : memref<24576xf32, #tpu.memory_space<vmem>> -> memref<1536xf32, #tpu.memory_space<vmem>>
    %dma_start3A_74 = arith.constant 4608 : i32
    %dma_start3A_75 = tpu.memref_slice %arg5[%dma_start3A_74] : memref<24576xi32, #tpu.memory_space<vmem>> -> memref<1536xi32, #tpu.memory_space<vmem>>
    %dma_start3A_76 = arith.constant 0 : i32
    %dma_start3A_77 = tpu.memref_slice %arg2[%dma_start3A_76] : memref<786432xf32, #tpu.memory_space<hbm>> -> memref<786432xf32, #tpu.memory_space<hbm>>
    tpu.enqueue_indirect_dma source(%dma_start3A_77 : memref<786432xf32, #tpu.memory_space<hbm>>) target(%dma_start3A_73 : memref<1536xf32, #tpu.memory_space<vmem>>) offsets(%dma_start3A_75 : memref<1536xi32, #tpu.memory_space<vmem>>) semaphore(%arg8 : memref<!tpu.dma_semaphore, #tpu.memory_space<semaphore_mem>>)
    %scan3A_78 = arith.constant 0 : i32
    %scan3A_79 = arith.constant 0 : i32
    %scan3A_80 = arith.constant 96 : i32
    %scan3A_81 = arith.addi %scan3A_79, %scan3A_80 : i32
    %scan3A_82 = arith.constant 1 : i32
    scf.for %scan3A_317 = %scan3A_79 to %scan3A_81 step %scan3A_82  : i32 {
      %add3A_318 = arith.constant 6144 : i32
      %add3A_319 = arith.addi %mul3A_2, %add3A_318 : i32
      %mul3A_320 = arith.constant 16 : i32
      %mul3A_321 = arith.muli %scan3A_317, %mul3A_320 : i32
      %add3A_322 = arith.addi %add3A_319, %mul3A_321 : i32
      %add3A_323 = vector.broadcast %add3A_322 : i32 to vector<16xi32>
      %add3A_324 = arith.addi %add3A_323, %iota3A : vector<16xi32>
      %shift_right_logical3A = arith.constant 18 : i32
      %shift_right_logical3A_325 = vector.broadcast %shift_right_logical3A : i32 to vector<16xi32>
      %shift_right_logical3A_326 = arith.shrui %add3A_324, %shift_right_logical3A_325 : vector<16xi32>
      %and3A = arith.constant 262143 : i32
      %and3A_327 = vector.broadcast %and3A : i32 to vector<16xi32>
      %and3A_328 = arith.andi %add3A_324, %and3A_327 : vector<16xi32>
      %shift_right_logical3A_329 = arith.constant 10 : i32
      %shift_right_logical3A_330 = vector.broadcast %shift_right_logical3A_329 : i32 to vector<16xi32>
      %shift_right_logical3A_331 = arith.shrui %and3A_328, %shift_right_logical3A_330 : vector<16xi32>
      %shift_right_logical3A_332 = arith.constant 7 : i32
      %shift_right_logical3A_333 = vector.broadcast %shift_right_logical3A_332 : i32 to vector<16xi32>
      %shift_right_logical3A_334 = arith.shrui %and3A_328, %shift_right_logical3A_333 : vector<16xi32>
      %and3A_335 = arith.constant 7 : i32
      %and3A_336 = vector.broadcast %and3A_335 : i32 to vector<16xi32>
      %and3A_337 = arith.andi %shift_right_logical3A_334, %and3A_336 : vector<16xi32>
      %and3A_338 = arith.constant 127 : i32
      %and3A_339 = vector.broadcast %and3A_338 : i32 to vector<16xi32>
      %and3A_340 = arith.andi %and3A_328, %and3A_339 : vector<16xi32>
      %shift_right_logical3A_341 = arith.constant 2 : i32
      %shift_right_logical3A_342 = vector.broadcast %shift_right_logical3A_341 : i32 to vector<16xi32>
      %shift_right_logical3A_343 = arith.shrui %shift_right_logical3A_331, %shift_right_logical3A_342 : vector<16xi32>
      %shift_left3A = arith.constant 3 : i32
      %shift_left3A_344 = vector.broadcast %shift_left3A : i32 to vector<16xi32>
      %shift_left3A_345 = arith.shli %shift_right_logical3A_343, %shift_left3A_344 : vector<16xi32>
      %add3A_346 = arith.addi %shift_left3A_345, %and3A_337 : vector<16xi32>
      %and3A_347 = arith.constant 3 : i32
      %and3A_348 = vector.broadcast %and3A_347 : i32 to vector<16xi32>
      %and3A_349 = arith.andi %shift_right_logical3A_331, %and3A_348 : vector<16xi32>
      %shift_left3A_350 = arith.constant 7 : i32
      %shift_left3A_351 = vector.broadcast %shift_left3A_350 : i32 to vector<16xi32>
      %shift_left3A_352 = arith.shli %and3A_349, %shift_left3A_351 : vector<16xi32>
      %add3A_353 = arith.addi %shift_left3A_352, %and3A_340 : vector<16xi32>
      %sub3A = arith.constant 256 : i32
      %sub3A_354 = vector.broadcast %sub3A : i32 to vector<16xi32>
      %sub3A_355 = arith.subi %sub3A_354, %add3A_346 : vector<16xi32>
      %convert_element_type3A = arith.sitofp %sub3A_355 : vector<16xi32> to vector<16xf32>
      %sub3A_356 = arith.constant 256 : i32
      %sub3A_357 = vector.broadcast %sub3A_356 : i32 to vector<16xi32>
      %sub3A_358 = arith.subi %add3A_353, %sub3A_357 : vector<16xi32>
      %convert_element_type3A_359 = arith.sitofp %sub3A_358 : vector<16xi32> to vector<16xf32>
      %mul3A_360 = arith.mulf %get3A_6, %convert_element_type3A : vector<16xf32>
      %mul3A_361 = arith.mulf %get3A_11, %convert_element_type3A_359 : vector<16xf32>
      %add3A_362 = arith.addf %mul3A_360, %mul3A_361 : vector<16xf32>
      %add3A_363 = arith.addf %add3A_362, %get3A_16 : vector<16xf32>
      %mul3A_364 = arith.mulf %get3A_21, %convert_element_type3A : vector<16xf32>
      %mul3A_365 = arith.mulf %get3A_26, %convert_element_type3A_359 : vector<16xf32>
      %add3A_366 = arith.addf %mul3A_364, %mul3A_365 : vector<16xf32>
      %add3A_367 = arith.addf %add3A_366, %get3A_31 : vector<16xf32>
      %convert_element_type3A_368 = arith.fptosi %add3A_363 : vector<16xf32> to vector<16xi32>
      %jit3A = arith.constant -255 : i32
      %jit3A_369 = arith.constant 256 : i32
      %max3A = vector.broadcast %jit3A : i32 to vector<16xi32>
      %max3A_370 = arith.maxsi %max3A, %convert_element_type3A_368 : vector<16xi32>
      %min3A = vector.broadcast %jit3A_369 : i32 to vector<16xi32>
      %min3A_371 = arith.minsi %min3A, %max3A_370 : vector<16xi32>
      %sub3A_372 = arith.constant 256 : i32
      %sub3A_373 = vector.broadcast %sub3A_372 : i32 to vector<16xi32>
      %sub3A_374 = arith.subi %sub3A_373, %min3A_371 : vector<16xi32>
      %convert_element_type3A_375 = arith.fptosi %add3A_367 : vector<16xf32> to vector<16xi32>
      %jit3A_376 = arith.constant -255 : i32
      %jit3A_377 = arith.constant 256 : i32
      %max3A_378 = vector.broadcast %jit3A_376 : i32 to vector<16xi32>
      %max3A_379 = arith.maxsi %max3A_378, %convert_element_type3A_375 : vector<16xi32>
      %min3A_380 = vector.broadcast %jit3A_377 : i32 to vector<16xi32>
      %min3A_381 = arith.minsi %min3A_380, %max3A_379 : vector<16xi32>
      %add3A_382 = arith.constant 255 : i32
      %add3A_383 = vector.broadcast %add3A_382 : i32 to vector<16xi32>
      %add3A_384 = arith.addi %add3A_383, %min3A_381 : vector<16xi32>
      %shift_left3A_385 = arith.constant 18 : i32
      %shift_left3A_386 = vector.broadcast %shift_left3A_385 : i32 to vector<16xi32>
      %shift_left3A_387 = arith.shli %shift_right_logical3A_326, %shift_left3A_386 : vector<16xi32>
      %shift_right_logical3A_388 = arith.constant 3 : i32
      %shift_right_logical3A_389 = vector.broadcast %shift_right_logical3A_388 : i32 to vector<16xi32>
      %shift_right_logical3A_390 = arith.shrui %sub3A_374, %shift_right_logical3A_389 : vector<16xi32>
      %shift_left3A_391 = arith.constant 12 : i32
      %shift_left3A_392 = vector.broadcast %shift_left3A_391 : i32 to vector<16xi32>
      %shift_left3A_393 = arith.shli %shift_right_logical3A_390, %shift_left3A_392 : vector<16xi32>
      %add3A_394 = arith.addi %shift_left3A_387, %shift_left3A_393 : vector<16xi32>
      %shift_right_logical3A_395 = arith.constant 7 : i32
      %shift_right_logical3A_396 = vector.broadcast %shift_right_logical3A_395 : i32 to vector<16xi32>
      %shift_right_logical3A_397 = arith.shrui %add3A_384, %shift_right_logical3A_396 : vector<16xi32>
      %shift_left3A_398 = arith.constant 10 : i32
      %shift_left3A_399 = vector.broadcast %shift_left3A_398 : i32 to vector<16xi32>
      %shift_left3A_400 = arith.shli %shift_right_logical3A_397, %shift_left3A_399 : vector<16xi32>
      %add3A_401 = arith.addi %add3A_394, %shift_left3A_400 : vector<16xi32>
      %and3A_402 = arith.constant 7 : i32
      %and3A_403 = vector.broadcast %and3A_402 : i32 to vector<16xi32>
      %and3A_404 = arith.andi %sub3A_374, %and3A_403 : vector<16xi32>
      %shift_left3A_405 = arith.constant 7 : i32
      %shift_left3A_406 = vector.broadcast %shift_left3A_405 : i32 to vector<16xi32>
      %shift_left3A_407 = arith.shli %and3A_404, %shift_left3A_406 : vector<16xi32>
      %add3A_408 = arith.addi %add3A_401, %shift_left3A_407 : vector<16xi32>
      %and3A_409 = arith.constant 127 : i32
      %and3A_410 = vector.broadcast %and3A_409 : i32 to vector<16xi32>
      %and3A_411 = arith.andi %add3A_384, %and3A_410 : vector<16xi32>
      %add3A_412 = arith.addi %add3A_408, %and3A_411 : vector<16xi32>
      %mul3A_413 = arith.constant 16 : i32
      %mul3A_414 = arith.muli %scan3A_317, %mul3A_413 : i32
      %add3A_415 = arith.constant 6144 : i32
      %add3A_416 = arith.addi %add3A_415, %mul3A_414 : i32
      %swap3A = arith.index_cast %add3A_416 : i32 to index
      %swap3A_417 = tpu.vector_load %arg5[%swap3A] {strides = array<i32>} : memref<24576xi32, #tpu.memory_space<vmem>>, vector<16xi32>,
      %swap3A_418 = vector.shape_cast %swap3A_417 : vector<16xi32> to vector<16xi32>
      %swap3A_419 = vector.shape_cast %add3A_412 : vector<16xi32> to vector<16xi32>
      tpu.vector_store %arg5[%swap3A], %swap3A_419 {strides = array<i32>} : memref<24576xi32, #tpu.memory_space<vmem>>, vector<16xi32>,
    }
    %scan3A_83 = arith.constant 96 : i32
    %dma_start3A_84 = arith.constant 6144 : i32
    %dma_start3A_85 = tpu.memref_slice %arg6[%dma_start3A_84] : memref<24576xf32, #tpu.memory_space<vmem>> -> memref<1536xf32, #tpu.memory_space<vmem>>
    %dma_start3A_86 = arith.constant 6144 : i32
    %dma_start3A_87 = tpu.memref_slice %arg5[%dma_start3A_86] : memref<24576xi32, #tpu.memory_space<vmem>> -> memref<1536xi32, #tpu.memory_space<vmem>>
    %dma_start3A_88 = arith.constant 0 : i32
    %dma_start3A_89 = tpu.memref_slice %arg2[%dma_start3A_88] : memref<786432xf32, #tpu.memory_space<hbm>> -> memref<786432xf32, #tpu.memory_space<hbm>>
    tpu.enqueue_indirect_dma source(%dma_start3A_89 : memref<786432xf32, #tpu.memory_space<hbm>>) target(%dma_start3A_85 : memref<1536xf32, #tpu.memory_space<vmem>>) offsets(%dma_start3A_87 : memref<1536xi32, #tpu.memory_space<vmem>>) semaphore(%arg8 : memref<!tpu.dma_semaphore, #tpu.memory_space<semaphore_mem>>)
    %scan3A_90 = arith.constant 0 : i32
    %scan3A_91 = arith.constant 0 : i32
    %scan3A_92 = arith.constant 96 : i32
    %scan3A_93 = arith.addi %scan3A_91, %scan3A_92 : i32
    %scan3A_94 = arith.constant 1 : i32
    scf.for %scan3A_317 = %scan3A_91 to %scan3A_93 step %scan3A_94  : i32 {
      %add3A_318 = arith.constant 7680 : i32
      %add3A_319 = arith.addi %mul3A_2, %add3A_318 : i32
      %mul3A_320 = arith.constant 16 : i32
      %mul3A_321 = arith.muli %scan3A_317, %mul3A_320 : i32
      %add3A_322 = arith.addi %add3A_319, %mul3A_321 : i32
      %add3A_323 = vector.broadcast %add3A_322 : i32 to vector<16xi32>
      %add3A_324 = arith.addi %add3A_323, %iota3A : vector<16xi32>
      %shift_right_logical3A = arith.constant 18 : i32
      %shift_right_logical3A_325 = vector.broadcast %shift_right_logical3A : i32 to vector<16xi32>
      %shift_right_logical3A_326 = arith.shrui %add3A_324, %shift_right_logical3A_325 : vector<16xi32>
      %and3A = arith.constant 262143 : i32
      %and3A_327 = vector.broadcast %and3A : i32 to vector<16xi32>
      %and3A_328 = arith.andi %add3A_324, %and3A_327 : vector<16xi32>
      %shift_right_logical3A_329 = arith.constant 10 : i32
      %shift_right_logical3A_330 = vector.broadcast %shift_right_logical3A_329 : i32 to vector<16xi32>
      %shift_right_logical3A_331 = arith.shrui %and3A_328, %shift_right_logical3A_330 : vector<16xi32>
      %shift_right_logical3A_332 = arith.constant 7 : i32
      %shift_right_logical3A_333 = vector.broadcast %shift_right_logical3A_332 : i32 to vector<16xi32>
      %shift_right_logical3A_334 = arith.shrui %and3A_328, %shift_right_logical3A_333 : vector<16xi32>
      %and3A_335 = arith.constant 7 : i32
      %and3A_336 = vector.broadcast %and3A_335 : i32 to vector<16xi32>
      %and3A_337 = arith.andi %shift_right_logical3A_334, %and3A_336 : vector<16xi32>
      %and3A_338 = arith.constant 127 : i32
      %and3A_339 = vector.broadcast %and3A_338 : i32 to vector<16xi32>
      %and3A_340 = arith.andi %and3A_328, %and3A_339 : vector<16xi32>
      %shift_right_logical3A_341 = arith.constant 2 : i32
      %shift_right_logical3A_342 = vector.broadcast %shift_right_logical3A_341 : i32 to vector<16xi32>
      %shift_right_logical3A_343 = arith.shrui %shift_right_logical3A_331, %shift_right_logical3A_342 : vector<16xi32>
      %shift_left3A = arith.constant 3 : i32
      %shift_left3A_344 = vector.broadcast %shift_left3A : i32 to vector<16xi32>
      %shift_left3A_345 = arith.shli %shift_right_logical3A_343, %shift_left3A_344 : vector<16xi32>
      %add3A_346 = arith.addi %shift_left3A_345, %and3A_337 : vector<16xi32>
      %and3A_347 = arith.constant 3 : i32
      %and3A_348 = vector.broadcast %and3A_347 : i32 to vector<16xi32>
      %and3A_349 = arith.andi %shift_right_logical3A_331, %and3A_348 : vector<16xi32>
      %shift_left3A_350 = arith.constant 7 : i32
      %shift_left3A_351 = vector.broadcast %shift_left3A_350 : i32 to vector<16xi32>
      %shift_left3A_352 = arith.shli %and3A_349, %shift_left3A_351 : vector<16xi32>
      %add3A_353 = arith.addi %shift_left3A_352, %and3A_340 : vector<16xi32>
      %sub3A = arith.constant 256 : i32
      %sub3A_354 = vector.broadcast %sub3A : i32 to vector<16xi32>
      %sub3A_355 = arith.subi %sub3A_354, %add3A_346 : vector<16xi32>
      %convert_element_type3A = arith.sitofp %sub3A_355 : vector<16xi32> to vector<16xf32>
      %sub3A_356 = arith.constant 256 : i32
      %sub3A_357 = vector.broadcast %sub3A_356 : i32 to vector<16xi32>
      %sub3A_358 = arith.subi %add3A_353, %sub3A_357 : vector<16xi32>
      %convert_element_type3A_359 = arith.sitofp %sub3A_358 : vector<16xi32> to vector<16xf32>
      %mul3A_360 = arith.mulf %get3A_6, %convert_element_type3A : vector<16xf32>
      %mul3A_361 = arith.mulf %get3A_11, %convert_element_type3A_359 : vector<16xf32>
      %add3A_362 = arith.addf %mul3A_360, %mul3A_361 : vector<16xf32>
      %add3A_363 = arith.addf %add3A_362, %get3A_16 : vector<16xf32>
      %mul3A_364 = arith.mulf %get3A_21, %convert_element_type3A : vector<16xf32>
      %mul3A_365 = arith.mulf %get3A_26, %convert_element_type3A_359 : vector<16xf32>
      %add3A_366 = arith.addf %mul3A_364, %mul3A_365 : vector<16xf32>
      %add3A_367 = arith.addf %add3A_366, %get3A_31 : vector<16xf32>
      %convert_element_type3A_368 = arith.fptosi %add3A_363 : vector<16xf32> to vector<16xi32>
      %jit3A = arith.constant -255 : i32
      %jit3A_369 = arith.constant 256 : i32
      %max3A = vector.broadcast %jit3A : i32 to vector<16xi32>
      %max3A_370 = arith.maxsi %max3A, %convert_element_type3A_368 : vector<16xi32>
      %min3A = vector.broadcast %jit3A_369 : i32 to vector<16xi32>
      %min3A_371 = arith.minsi %min3A, %max3A_370 : vector<16xi32>
      %sub3A_372 = arith.constant 256 : i32
      %sub3A_373 = vector.broadcast %sub3A_372 : i32 to vector<16xi32>
      %sub3A_374 = arith.subi %sub3A_373, %min3A_371 : vector<16xi32>
      %convert_element_type3A_375 = arith.fptosi %add3A_367 : vector<16xf32> to vector<16xi32>
      %jit3A_376 = arith.constant -255 : i32
      %jit3A_377 = arith.constant 256 : i32
      %max3A_378 = vector.broadcast %jit3A_376 : i32 to vector<16xi32>
      %max3A_379 = arith.maxsi %max3A_378, %convert_element_type3A_375 : vector<16xi32>
      %min3A_380 = vector.broadcast %jit3A_377 : i32 to vector<16xi32>
      %min3A_381 = arith.minsi %min3A_380, %max3A_379 : vector<16xi32>
      %add3A_382 = arith.constant 255 : i32
      %add3A_383 = vector.broadcast %add3A_382 : i32 to vector<16xi32>
      %add3A_384 = arith.addi %add3A_383, %min3A_381 : vector<16xi32>
      %shift_left3A_385 = arith.constant 18 : i32
      %shift_left3A_386 = vector.broadcast %shift_left3A_385 : i32 to vector<16xi32>
      %shift_left3A_387 = arith.shli %shift_right_logical3A_326, %shift_left3A_386 : vector<16xi32>
      %shift_right_logical3A_388 = arith.constant 3 : i32
      %shift_right_logical3A_389 = vector.broadcast %shift_right_logical3A_388 : i32 to vector<16xi32>
      %shift_right_logical3A_390 = arith.shrui %sub3A_374, %shift_right_logical3A_389 : vector<16xi32>
      %shift_left3A_391 = arith.constant 12 : i32
      %shift_left3A_392 = vector.broadcast %shift_left3A_391 : i32 to vector<16xi32>
      %shift_left3A_393 = arith.shli %shift_right_logical3A_390, %shift_left3A_392 : vector<16xi32>
      %add3A_394 = arith.addi %shift_left3A_387, %shift_left3A_393 : vector<16xi32>
      %shift_right_logical3A_395 = arith.constant 7 : i32
      %shift_right_logical3A_396 = vector.broadcast %shift_right_logical3A_395 : i32 to vector<16xi32>
      %shift_right_logical3A_397 = arith.shrui %add3A_384, %shift_right_logical3A_396 : vector<16xi32>
      %shift_left3A_398 = arith.constant 10 : i32
      %shift_left3A_399 = vector.broadcast %shift_left3A_398 : i32 to vector<16xi32>
      %shift_left3A_400 = arith.shli %shift_right_logical3A_397, %shift_left3A_399 : vector<16xi32>
      %add3A_401 = arith.addi %add3A_394, %shift_left3A_400 : vector<16xi32>
      %and3A_402 = arith.constant 7 : i32
      %and3A_403 = vector.broadcast %and3A_402 : i32 to vector<16xi32>
      %and3A_404 = arith.andi %sub3A_374, %and3A_403 : vector<16xi32>
      %shift_left3A_405 = arith.constant 7 : i32
      %shift_left3A_406 = vector.broadcast %shift_left3A_405 : i32 to vector<16xi32>
      %shift_left3A_407 = arith.shli %and3A_404, %shift_left3A_406 : vector<16xi32>
      %add3A_408 = arith.addi %add3A_401, %shift_left3A_407 : vector<16xi32>
      %and3A_409 = arith.constant 127 : i32
      %and3A_410 = vector.broadcast %and3A_409 : i32 to vector<16xi32>
      %and3A_411 = arith.andi %add3A_384, %and3A_410 : vector<16xi32>
      %add3A_412 = arith.addi %add3A_408, %and3A_411 : vector<16xi32>
      %mul3A_413 = arith.constant 16 : i32
      %mul3A_414 = arith.muli %scan3A_317, %mul3A_413 : i32
      %add3A_415 = arith.constant 7680 : i32
      %add3A_416 = arith.addi %add3A_415, %mul3A_414 : i32
      %swap3A = arith.index_cast %add3A_416 : i32 to index
      %swap3A_417 = tpu.vector_load %arg5[%swap3A] {strides = array<i32>} : memref<24576xi32, #tpu.memory_space<vmem>>, vector<16xi32>,
      %swap3A_418 = vector.shape_cast %swap3A_417 : vector<16xi32> to vector<16xi32>
      %swap3A_419 = vector.shape_cast %add3A_412 : vector<16xi32> to vector<16xi32>
      tpu.vector_store %arg5[%swap3A], %swap3A_419 {strides = array<i32>} : memref<24576xi32, #tpu.memory_space<vmem>>, vector<16xi32>,
    }
    %scan3A_95 = arith.constant 96 : i32
    %dma_start3A_96 = arith.constant 7680 : i32
    %dma_start3A_97 = tpu.memref_slice %arg6[%dma_start3A_96] : memref<24576xf32, #tpu.memory_space<vmem>> -> memref<1536xf32, #tpu.memory_space<vmem>>
    %dma_start3A_98 = arith.constant 7680 : i32
    %dma_start3A_99 = tpu.memref_slice %arg5[%dma_start3A_98] : memref<24576xi32, #tpu.memory_space<vmem>> -> memref<1536xi32, #tpu.memory_space<vmem>>
    %dma_start3A_100 = arith.constant 0 : i32
    %dma_start3A_101 = tpu.memref_slice %arg2[%dma_start3A_100] : memref<786432xf32, #tpu.memory_space<hbm>> -> memref<786432xf32, #tpu.memory_space<hbm>>
    tpu.enqueue_indirect_dma source(%dma_start3A_101 : memref<786432xf32, #tpu.memory_space<hbm>>) target(%dma_start3A_97 : memref<1536xf32, #tpu.memory_space<vmem>>) offsets(%dma_start3A_99 : memref<1536xi32, #tpu.memory_space<vmem>>) semaphore(%arg8 : memref<!tpu.dma_semaphore, #tpu.memory_space<semaphore_mem>>)
    %scan3A_102 = arith.constant 0 : i32
    %scan3A_103 = arith.constant 0 : i32
    %scan3A_104 = arith.constant 96 : i32
    %scan3A_105 = arith.addi %scan3A_103, %scan3A_104 : i32
    %scan3A_106 = arith.constant 1 : i32
    scf.for %scan3A_317 = %scan3A_103 to %scan3A_105 step %scan3A_106  : i32 {
      %add3A_318 = arith.constant 9216 : i32
      %add3A_319 = arith.addi %mul3A_2, %add3A_318 : i32
      %mul3A_320 = arith.constant 16 : i32
      %mul3A_321 = arith.muli %scan3A_317, %mul3A_320 : i32
      %add3A_322 = arith.addi %add3A_319, %mul3A_321 : i32
      %add3A_323 = vector.broadcast %add3A_322 : i32 to vector<16xi32>
      %add3A_324 = arith.addi %add3A_323, %iota3A : vector<16xi32>
      %shift_right_logical3A = arith.constant 18 : i32
      %shift_right_logical3A_325 = vector.broadcast %shift_right_logical3A : i32 to vector<16xi32>
      %shift_right_logical3A_326 = arith.shrui %add3A_324, %shift_right_logical3A_325 : vector<16xi32>
      %and3A = arith.constant 262143 : i32
      %and3A_327 = vector.broadcast %and3A : i32 to vector<16xi32>
      %and3A_328 = arith.andi %add3A_324, %and3A_327 : vector<16xi32>
      %shift_right_logical3A_329 = arith.constant 10 : i32
      %shift_right_logical3A_330 = vector.broadcast %shift_right_logical3A_329 : i32 to vector<16xi32>
      %shift_right_logical3A_331 = arith.shrui %and3A_328, %shift_right_logical3A_330 : vector<16xi32>
      %shift_right_logical3A_332 = arith.constant 7 : i32
      %shift_right_logical3A_333 = vector.broadcast %shift_right_logical3A_332 : i32 to vector<16xi32>
      %shift_right_logical3A_334 = arith.shrui %and3A_328, %shift_right_logical3A_333 : vector<16xi32>
      %and3A_335 = arith.constant 7 : i32
      %and3A_336 = vector.broadcast %and3A_335 : i32 to vector<16xi32>
      %and3A_337 = arith.andi %shift_right_logical3A_334, %and3A_336 : vector<16xi32>
      %and3A_338 = arith.constant 127 : i32
      %and3A_339 = vector.broadcast %and3A_338 : i32 to vector<16xi32>
      %and3A_340 = arith.andi %and3A_328, %and3A_339 : vector<16xi32>
      %shift_right_logical3A_341 = arith.constant 2 : i32
      %shift_right_logical3A_342 = vector.broadcast %shift_right_logical3A_341 : i32 to vector<16xi32>
      %shift_right_logical3A_343 = arith.shrui %shift_right_logical3A_331, %shift_right_logical3A_342 : vector<16xi32>
      %shift_left3A = arith.constant 3 : i32
      %shift_left3A_344 = vector.broadcast %shift_left3A : i32 to vector<16xi32>
      %shift_left3A_345 = arith.shli %shift_right_logical3A_343, %shift_left3A_344 : vector<16xi32>
      %add3A_346 = arith.addi %shift_left3A_345, %and3A_337 : vector<16xi32>
      %and3A_347 = arith.constant 3 : i32
      %and3A_348 = vector.broadcast %and3A_347 : i32 to vector<16xi32>
      %and3A_349 = arith.andi %shift_right_logical3A_331, %and3A_348 : vector<16xi32>
      %shift_left3A_350 = arith.constant 7 : i32
      %shift_left3A_351 = vector.broadcast %shift_left3A_350 : i32 to vector<16xi32>
      %shift_left3A_352 = arith.shli %and3A_349, %shift_left3A_351 : vector<16xi32>
      %add3A_353 = arith.addi %shift_left3A_352, %and3A_340 : vector<16xi32>
      %sub3A = arith.constant 256 : i32
      %sub3A_354 = vector.broadcast %sub3A : i32 to vector<16xi32>
      %sub3A_355 = arith.subi %sub3A_354, %add3A_346 : vector<16xi32>
      %convert_element_type3A = arith.sitofp %sub3A_355 : vector<16xi32> to vector<16xf32>
      %sub3A_356 = arith.constant 256 : i32
      %sub3A_357 = vector.broadcast %sub3A_356 : i32 to vector<16xi32>
      %sub3A_358 = arith.subi %add3A_353, %sub3A_357 : vector<16xi32>
      %convert_element_type3A_359 = arith.sitofp %sub3A_358 : vector<16xi32> to vector<16xf32>
      %mul3A_360 = arith.mulf %get3A_6, %convert_element_type3A : vector<16xf32>
      %mul3A_361 = arith.mulf %get3A_11, %convert_element_type3A_359 : vector<16xf32>
      %add3A_362 = arith.addf %mul3A_360, %mul3A_361 : vector<16xf32>
      %add3A_363 = arith.addf %add3A_362, %get3A_16 : vector<16xf32>
      %mul3A_364 = arith.mulf %get3A_21, %convert_element_type3A : vector<16xf32>
      %mul3A_365 = arith.mulf %get3A_26, %convert_element_type3A_359 : vector<16xf32>
      %add3A_366 = arith.addf %mul3A_364, %mul3A_365 : vector<16xf32>
      %add3A_367 = arith.addf %add3A_366, %get3A_31 : vector<16xf32>
      %convert_element_type3A_368 = arith.fptosi %add3A_363 : vector<16xf32> to vector<16xi32>
      %jit3A = arith.constant -255 : i32
      %jit3A_369 = arith.constant 256 : i32
      %max3A = vector.broadcast %jit3A : i32 to vector<16xi32>
      %max3A_370 = arith.maxsi %max3A, %convert_element_type3A_368 : vector<16xi32>
      %min3A = vector.broadcast %jit3A_369 : i32 to vector<16xi32>
      %min3A_371 = arith.minsi %min3A, %max3A_370 : vector<16xi32>
      %sub3A_372 = arith.constant 256 : i32
      %sub3A_373 = vector.broadcast %sub3A_372 : i32 to vector<16xi32>
      %sub3A_374 = arith.subi %sub3A_373, %min3A_371 : vector<16xi32>
      %convert_element_type3A_375 = arith.fptosi %add3A_367 : vector<16xf32> to vector<16xi32>
      %jit3A_376 = arith.constant -255 : i32
      %jit3A_377 = arith.constant 256 : i32
      %max3A_378 = vector.broadcast %jit3A_376 : i32 to vector<16xi32>
      %max3A_379 = arith.maxsi %max3A_378, %convert_element_type3A_375 : vector<16xi32>
      %min3A_380 = vector.broadcast %jit3A_377 : i32 to vector<16xi32>
      %min3A_381 = arith.minsi %min3A_380, %max3A_379 : vector<16xi32>
      %add3A_382 = arith.constant 255 : i32
      %add3A_383 = vector.broadcast %add3A_382 : i32 to vector<16xi32>
      %add3A_384 = arith.addi %add3A_383, %min3A_381 : vector<16xi32>
      %shift_left3A_385 = arith.constant 18 : i32
      %shift_left3A_386 = vector.broadcast %shift_left3A_385 : i32 to vector<16xi32>
      %shift_left3A_387 = arith.shli %shift_right_logical3A_326, %shift_left3A_386 : vector<16xi32>
      %shift_right_logical3A_388 = arith.constant 3 : i32
      %shift_right_logical3A_389 = vector.broadcast %shift_right_logical3A_388 : i32 to vector<16xi32>
      %shift_right_logical3A_390 = arith.shrui %sub3A_374, %shift_right_logical3A_389 : vector<16xi32>
      %shift_left3A_391 = arith.constant 12 : i32
      %shift_left3A_392 = vector.broadcast %shift_left3A_391 : i32 to vector<16xi32>
      %shift_left3A_393 = arith.shli %shift_right_logical3A_390, %shift_left3A_392 : vector<16xi32>
      %add3A_394 = arith.addi %shift_left3A_387, %shift_left3A_393 : vector<16xi32>
      %shift_right_logical3A_395 = arith.constant 7 : i32
      %shift_right_logical3A_396 = vector.broadcast %shift_right_logical3A_395 : i32 to vector<16xi32>
      %shift_right_logical3A_397 = arith.shrui %add3A_384, %shift_right_logical3A_396 : vector<16xi32>
      %shift_left3A_398 = arith.constant 10 : i32
      %shift_left3A_399 = vector.broadcast %shift_left3A_398 : i32 to vector<16xi32>
      %shift_left3A_400 = arith.shli %shift_right_logical3A_397, %shift_left3A_399 : vector<16xi32>
      %add3A_401 = arith.addi %add3A_394, %shift_left3A_400 : vector<16xi32>
      %and3A_402 = arith.constant 7 : i32
      %and3A_403 = vector.broadcast %and3A_402 : i32 to vector<16xi32>
      %and3A_404 = arith.andi %sub3A_374, %and3A_403 : vector<16xi32>
      %shift_left3A_405 = arith.constant 7 : i32
      %shift_left3A_406 = vector.broadcast %shift_left3A_405 : i32 to vector<16xi32>
      %shift_left3A_407 = arith.shli %and3A_404, %shift_left3A_406 : vector<16xi32>
      %add3A_408 = arith.addi %add3A_401, %shift_left3A_407 : vector<16xi32>
      %and3A_409 = arith.constant 127 : i32
      %and3A_410 = vector.broadcast %and3A_409 : i32 to vector<16xi32>
      %and3A_411 = arith.andi %add3A_384, %and3A_410 : vector<16xi32>
      %add3A_412 = arith.addi %add3A_408, %and3A_411 : vector<16xi32>
      %mul3A_413 = arith.constant 16 : i32
      %mul3A_414 = arith.muli %scan3A_317, %mul3A_413 : i32
      %add3A_415 = arith.constant 9216 : i32
      %add3A_416 = arith.addi %add3A_415, %mul3A_414 : i32
      %swap3A = arith.index_cast %add3A_416 : i32 to index
      %swap3A_417 = tpu.vector_load %arg5[%swap3A] {strides = array<i32>} : memref<24576xi32, #tpu.memory_space<vmem>>, vector<16xi32>,
      %swap3A_418 = vector.shape_cast %swap3A_417 : vector<16xi32> to vector<16xi32>
      %swap3A_419 = vector.shape_cast %add3A_412 : vector<16xi32> to vector<16xi32>
      tpu.vector_store %arg5[%swap3A], %swap3A_419 {strides = array<i32>} : memref<24576xi32, #tpu.memory_space<vmem>>, vector<16xi32>,
    }
    %scan3A_107 = arith.constant 96 : i32
    %dma_start3A_108 = arith.constant 9216 : i32
    %dma_start3A_109 = tpu.memref_slice %arg6[%dma_start3A_108] : memref<24576xf32, #tpu.memory_space<vmem>> -> memref<1536xf32, #tpu.memory_space<vmem>>
    %dma_start3A_110 = arith.constant 9216 : i32
    %dma_start3A_111 = tpu.memref_slice %arg5[%dma_start3A_110] : memref<24576xi32, #tpu.memory_space<vmem>> -> memref<1536xi32, #tpu.memory_space<vmem>>
    %dma_start3A_112 = arith.constant 0 : i32
    %dma_start3A_113 = tpu.memref_slice %arg2[%dma_start3A_112] : memref<786432xf32, #tpu.memory_space<hbm>> -> memref<786432xf32, #tpu.memory_space<hbm>>
    tpu.enqueue_indirect_dma source(%dma_start3A_113 : memref<786432xf32, #tpu.memory_space<hbm>>) target(%dma_start3A_109 : memref<1536xf32, #tpu.memory_space<vmem>>) offsets(%dma_start3A_111 : memref<1536xi32, #tpu.memory_space<vmem>>) semaphore(%arg8 : memref<!tpu.dma_semaphore, #tpu.memory_space<semaphore_mem>>)
    %scan3A_114 = arith.constant 0 : i32
    %scan3A_115 = arith.constant 0 : i32
    %scan3A_116 = arith.constant 96 : i32
    %scan3A_117 = arith.addi %scan3A_115, %scan3A_116 : i32
    %scan3A_118 = arith.constant 1 : i32
    scf.for %scan3A_317 = %scan3A_115 to %scan3A_117 step %scan3A_118  : i32 {
      %add3A_318 = arith.constant 10752 : i32
      %add3A_319 = arith.addi %mul3A_2, %add3A_318 : i32
      %mul3A_320 = arith.constant 16 : i32
      %mul3A_321 = arith.muli %scan3A_317, %mul3A_320 : i32
      %add3A_322 = arith.addi %add3A_319, %mul3A_321 : i32
      %add3A_323 = vector.broadcast %add3A_322 : i32 to vector<16xi32>
      %add3A_324 = arith.addi %add3A_323, %iota3A : vector<16xi32>
      %shift_right_logical3A = arith.constant 18 : i32
      %shift_right_logical3A_325 = vector.broadcast %shift_right_logical3A : i32 to vector<16xi32>
      %shift_right_logical3A_326 = arith.shrui %add3A_324, %shift_right_logical3A_325 : vector<16xi32>
      %and3A = arith.constant 262143 : i32
      %and3A_327 = vector.broadcast %and3A : i32 to vector<16xi32>
      %and3A_328 = arith.andi %add3A_324, %and3A_327 : vector<16xi32>
      %shift_right_logical3A_329 = arith.constant 10 : i32
      %shift_right_logical3A_330 = vector.broadcast %shift_right_logical3A_329 : i32 to vector<16xi32>
      %shift_right_logical3A_331 = arith.shrui %and3A_328, %shift_right_logical3A_330 : vector<16xi32>
      %shift_right_logical3A_332 = arith.constant 7 : i32
      %shift_right_logical3A_333 = vector.broadcast %shift_right_logical3A_332 : i32 to vector<16xi32>
      %shift_right_logical3A_334 = arith.shrui %and3A_328, %shift_right_logical3A_333 : vector<16xi32>
      %and3A_335 = arith.constant 7 : i32
      %and3A_336 = vector.broadcast %and3A_335 : i32 to vector<16xi32>
      %and3A_337 = arith.andi %shift_right_logical3A_334, %and3A_336 : vector<16xi32>
      %and3A_338 = arith.constant 127 : i32
      %and3A_339 = vector.broadcast %and3A_338 : i32 to vector<16xi32>
      %and3A_340 = arith.andi %and3A_328, %and3A_339 : vector<16xi32>
      %shift_right_logical3A_341 = arith.constant 2 : i32
      %shift_right_logical3A_342 = vector.broadcast %shift_right_logical3A_341 : i32 to vector<16xi32>
      %shift_right_logical3A_343 = arith.shrui %shift_right_logical3A_331, %shift_right_logical3A_342 : vector<16xi32>
      %shift_left3A = arith.constant 3 : i32
      %shift_left3A_344 = vector.broadcast %shift_left3A : i32 to vector<16xi32>
      %shift_left3A_345 = arith.shli %shift_right_logical3A_343, %shift_left3A_344 : vector<16xi32>
      %add3A_346 = arith.addi %shift_left3A_345, %and3A_337 : vector<16xi32>
      %and3A_347 = arith.constant 3 : i32
      %and3A_348 = vector.broadcast %and3A_347 : i32 to vector<16xi32>
      %and3A_349 = arith.andi %shift_right_logical3A_331, %and3A_348 : vector<16xi32>
      %shift_left3A_350 = arith.constant 7 : i32
      %shift_left3A_351 = vector.broadcast %shift_left3A_350 : i32 to vector<16xi32>
      %shift_left3A_352 = arith.shli %and3A_349, %shift_left3A_351 : vector<16xi32>
      %add3A_353 = arith.addi %shift_left3A_352, %and3A_340 : vector<16xi32>
      %sub3A = arith.constant 256 : i32
      %sub3A_354 = vector.broadcast %sub3A : i32 to vector<16xi32>
      %sub3A_355 = arith.subi %sub3A_354, %add3A_346 : vector<16xi32>
      %convert_element_type3A = arith.sitofp %sub3A_355 : vector<16xi32> to vector<16xf32>
      %sub3A_356 = arith.constant 256 : i32
      %sub3A_357 = vector.broadcast %sub3A_356 : i32 to vector<16xi32>
      %sub3A_358 = arith.subi %add3A_353, %sub3A_357 : vector<16xi32>
      %convert_element_type3A_359 = arith.sitofp %sub3A_358 : vector<16xi32> to vector<16xf32>
      %mul3A_360 = arith.mulf %get3A_6, %convert_element_type3A : vector<16xf32>
      %mul3A_361 = arith.mulf %get3A_11, %convert_element_type3A_359 : vector<16xf32>
      %add3A_362 = arith.addf %mul3A_360, %mul3A_361 : vector<16xf32>
      %add3A_363 = arith.addf %add3A_362, %get3A_16 : vector<16xf32>
      %mul3A_364 = arith.mulf %get3A_21, %convert_element_type3A : vector<16xf32>
      %mul3A_365 = arith.mulf %get3A_26, %convert_element_type3A_359 : vector<16xf32>
      %add3A_366 = arith.addf %mul3A_364, %mul3A_365 : vector<16xf32>
      %add3A_367 = arith.addf %add3A_366, %get3A_31 : vector<16xf32>
      %convert_element_type3A_368 = arith.fptosi %add3A_363 : vector<16xf32> to vector<16xi32>
      %jit3A = arith.constant -255 : i32
      %jit3A_369 = arith.constant 256 : i32
      %max3A = vector.broadcast %jit3A : i32 to vector<16xi32>
      %max3A_370 = arith.maxsi %max3A, %convert_element_type3A_368 : vector<16xi32>
      %min3A = vector.broadcast %jit3A_369 : i32 to vector<16xi32>
      %min3A_371 = arith.minsi %min3A, %max3A_370 : vector<16xi32>
      %sub3A_372 = arith.constant 256 : i32
      %sub3A_373 = vector.broadcast %sub3A_372 : i32 to vector<16xi32>
      %sub3A_374 = arith.subi %sub3A_373, %min3A_371 : vector<16xi32>
      %convert_element_type3A_375 = arith.fptosi %add3A_367 : vector<16xf32> to vector<16xi32>
      %jit3A_376 = arith.constant -255 : i32
      %jit3A_377 = arith.constant 256 : i32
      %max3A_378 = vector.broadcast %jit3A_376 : i32 to vector<16xi32>
      %max3A_379 = arith.maxsi %max3A_378, %convert_element_type3A_375 : vector<16xi32>
      %min3A_380 = vector.broadcast %jit3A_377 : i32 to vector<16xi32>
      %min3A_381 = arith.minsi %min3A_380, %max3A_379 : vector<16xi32>
      %add3A_382 = arith.constant 255 : i32
      %add3A_383 = vector.broadcast %add3A_382 : i32 to vector<16xi32>
      %add3A_384 = arith.addi %add3A_383, %min3A_381 : vector<16xi32>
      %shift_left3A_385 = arith.constant 18 : i32
      %shift_left3A_386 = vector.broadcast %shift_left3A_385 : i32 to vector<16xi32>
      %shift_left3A_387 = arith.shli %shift_right_logical3A_326, %shift_left3A_386 : vector<16xi32>
      %shift_right_logical3A_388 = arith.constant 3 : i32
      %shift_right_logical3A_389 = vector.broadcast %shift_right_logical3A_388 : i32 to vector<16xi32>
      %shift_right_logical3A_390 = arith.shrui %sub3A_374, %shift_right_logical3A_389 : vector<16xi32>
      %shift_left3A_391 = arith.constant 12 : i32
      %shift_left3A_392 = vector.broadcast %shift_left3A_391 : i32 to vector<16xi32>
      %shift_left3A_393 = arith.shli %shift_right_logical3A_390, %shift_left3A_392 : vector<16xi32>
      %add3A_394 = arith.addi %shift_left3A_387, %shift_left3A_393 : vector<16xi32>
      %shift_right_logical3A_395 = arith.constant 7 : i32
      %shift_right_logical3A_396 = vector.broadcast %shift_right_logical3A_395 : i32 to vector<16xi32>
      %shift_right_logical3A_397 = arith.shrui %add3A_384, %shift_right_logical3A_396 : vector<16xi32>
      %shift_left3A_398 = arith.constant 10 : i32
      %shift_left3A_399 = vector.broadcast %shift_left3A_398 : i32 to vector<16xi32>
      %shift_left3A_400 = arith.shli %shift_right_logical3A_397, %shift_left3A_399 : vector<16xi32>
      %add3A_401 = arith.addi %add3A_394, %shift_left3A_400 : vector<16xi32>
      %and3A_402 = arith.constant 7 : i32
      %and3A_403 = vector.broadcast %and3A_402 : i32 to vector<16xi32>
      %and3A_404 = arith.andi %sub3A_374, %and3A_403 : vector<16xi32>
      %shift_left3A_405 = arith.constant 7 : i32
      %shift_left3A_406 = vector.broadcast %shift_left3A_405 : i32 to vector<16xi32>
      %shift_left3A_407 = arith.shli %and3A_404, %shift_left3A_406 : vector<16xi32>
      %add3A_408 = arith.addi %add3A_401, %shift_left3A_407 : vector<16xi32>
      %and3A_409 = arith.constant 127 : i32
      %and3A_410 = vector.broadcast %and3A_409 : i32 to vector<16xi32>
      %and3A_411 = arith.andi %add3A_384, %and3A_410 : vector<16xi32>
      %add3A_412 = arith.addi %add3A_408, %and3A_411 : vector<16xi32>
      %mul3A_413 = arith.constant 16 : i32
      %mul3A_414 = arith.muli %scan3A_317, %mul3A_413 : i32
      %add3A_415 = arith.constant 10752 : i32
      %add3A_416 = arith.addi %add3A_415, %mul3A_414 : i32
      %swap3A = arith.index_cast %add3A_416 : i32 to index
      %swap3A_417 = tpu.vector_load %arg5[%swap3A] {strides = array<i32>} : memref<24576xi32, #tpu.memory_space<vmem>>, vector<16xi32>,
      %swap3A_418 = vector.shape_cast %swap3A_417 : vector<16xi32> to vector<16xi32>
      %swap3A_419 = vector.shape_cast %add3A_412 : vector<16xi32> to vector<16xi32>
      tpu.vector_store %arg5[%swap3A], %swap3A_419 {strides = array<i32>} : memref<24576xi32, #tpu.memory_space<vmem>>, vector<16xi32>,
    }
    %scan3A_119 = arith.constant 96 : i32
    %dma_start3A_120 = arith.constant 10752 : i32
    %dma_start3A_121 = tpu.memref_slice %arg6[%dma_start3A_120] : memref<24576xf32, #tpu.memory_space<vmem>> -> memref<1536xf32, #tpu.memory_space<vmem>>
    %dma_start3A_122 = arith.constant 10752 : i32
    %dma_start3A_123 = tpu.memref_slice %arg5[%dma_start3A_122] : memref<24576xi32, #tpu.memory_space<vmem>> -> memref<1536xi32, #tpu.memory_space<vmem>>
    %dma_start3A_124 = arith.constant 0 : i32
    %dma_start3A_125 = tpu.memref_slice %arg2[%dma_start3A_124] : memref<786432xf32, #tpu.memory_space<hbm>> -> memref<786432xf32, #tpu.memory_space<hbm>>
    tpu.enqueue_indirect_dma source(%dma_start3A_125 : memref<786432xf32, #tpu.memory_space<hbm>>) target(%dma_start3A_121 : memref<1536xf32, #tpu.memory_space<vmem>>) offsets(%dma_start3A_123 : memref<1536xi32, #tpu.memory_space<vmem>>) semaphore(%arg8 : memref<!tpu.dma_semaphore, #tpu.memory_space<semaphore_mem>>)
    %scan3A_126 = arith.constant 0 : i32
    %scan3A_127 = arith.constant 0 : i32
    %scan3A_128 = arith.constant 96 : i32
    %scan3A_129 = arith.addi %scan3A_127, %scan3A_128 : i32
    %scan3A_130 = arith.constant 1 : i32
    scf.for %scan3A_317 = %scan3A_127 to %scan3A_129 step %scan3A_130  : i32 {
      %add3A_318 = arith.constant 12288 : i32
      %add3A_319 = arith.addi %mul3A_2, %add3A_318 : i32
      %mul3A_320 = arith.constant 16 : i32
      %mul3A_321 = arith.muli %scan3A_317, %mul3A_320 : i32
      %add3A_322 = arith.addi %add3A_319, %mul3A_321 : i32
      %add3A_323 = vector.broadcast %add3A_322 : i32 to vector<16xi32>
      %add3A_324 = arith.addi %add3A_323, %iota3A : vector<16xi32>
      %shift_right_logical3A = arith.constant 18 : i32
      %shift_right_logical3A_325 = vector.broadcast %shift_right_logical3A : i32 to vector<16xi32>
      %shift_right_logical3A_326 = arith.shrui %add3A_324, %shift_right_logical3A_325 : vector<16xi32>
      %and3A = arith.constant 262143 : i32
      %and3A_327 = vector.broadcast %and3A : i32 to vector<16xi32>
      %and3A_328 = arith.andi %add3A_324, %and3A_327 : vector<16xi32>
      %shift_right_logical3A_329 = arith.constant 10 : i32
      %shift_right_logical3A_330 = vector.broadcast %shift_right_logical3A_329 : i32 to vector<16xi32>
      %shift_right_logical3A_331 = arith.shrui %and3A_328, %shift_right_logical3A_330 : vector<16xi32>
      %shift_right_logical3A_332 = arith.constant 7 : i32
      %shift_right_logical3A_333 = vector.broadcast %shift_right_logical3A_332 : i32 to vector<16xi32>
      %shift_right_logical3A_334 = arith.shrui %and3A_328, %shift_right_logical3A_333 : vector<16xi32>
      %and3A_335 = arith.constant 7 : i32
      %and3A_336 = vector.broadcast %and3A_335 : i32 to vector<16xi32>
      %and3A_337 = arith.andi %shift_right_logical3A_334, %and3A_336 : vector<16xi32>
      %and3A_338 = arith.constant 127 : i32
      %and3A_339 = vector.broadcast %and3A_338 : i32 to vector<16xi32>
      %and3A_340 = arith.andi %and3A_328, %and3A_339 : vector<16xi32>
      %shift_right_logical3A_341 = arith.constant 2 : i32
      %shift_right_logical3A_342 = vector.broadcast %shift_right_logical3A_341 : i32 to vector<16xi32>
      %shift_right_logical3A_343 = arith.shrui %shift_right_logical3A_331, %shift_right_logical3A_342 : vector<16xi32>
      %shift_left3A = arith.constant 3 : i32
      %shift_left3A_344 = vector.broadcast %shift_left3A : i32 to vector<16xi32>
      %shift_left3A_345 = arith.shli %shift_right_logical3A_343, %shift_left3A_344 : vector<16xi32>
      %add3A_346 = arith.addi %shift_left3A_345, %and3A_337 : vector<16xi32>
      %and3A_347 = arith.constant 3 : i32
      %and3A_348 = vector.broadcast %and3A_347 : i32 to vector<16xi32>
      %and3A_349 = arith.andi %shift_right_logical3A_331, %and3A_348 : vector<16xi32>
      %shift_left3A_350 = arith.constant 7 : i32
      %shift_left3A_351 = vector.broadcast %shift_left3A_350 : i32 to vector<16xi32>
      %shift_left3A_352 = arith.shli %and3A_349, %shift_left3A_351 : vector<16xi32>
      %add3A_353 = arith.addi %shift_left3A_352, %and3A_340 : vector<16xi32>
      %sub3A = arith.constant 256 : i32
      %sub3A_354 = vector.broadcast %sub3A : i32 to vector<16xi32>
      %sub3A_355 = arith.subi %sub3A_354, %add3A_346 : vector<16xi32>
      %convert_element_type3A = arith.sitofp %sub3A_355 : vector<16xi32> to vector<16xf32>
      %sub3A_356 = arith.constant 256 : i32
      %sub3A_357 = vector.broadcast %sub3A_356 : i32 to vector<16xi32>
      %sub3A_358 = arith.subi %add3A_353, %sub3A_357 : vector<16xi32>
      %convert_element_type3A_359 = arith.sitofp %sub3A_358 : vector<16xi32> to vector<16xf32>
      %mul3A_360 = arith.mulf %get3A_6, %convert_element_type3A : vector<16xf32>
      %mul3A_361 = arith.mulf %get3A_11, %convert_element_type3A_359 : vector<16xf32>
      %add3A_362 = arith.addf %mul3A_360, %mul3A_361 : vector<16xf32>
      %add3A_363 = arith.addf %add3A_362, %get3A_16 : vector<16xf32>
      %mul3A_364 = arith.mulf %get3A_21, %convert_element_type3A : vector<16xf32>
      %mul3A_365 = arith.mulf %get3A_26, %convert_element_type3A_359 : vector<16xf32>
      %add3A_366 = arith.addf %mul3A_364, %mul3A_365 : vector<16xf32>
      %add3A_367 = arith.addf %add3A_366, %get3A_31 : vector<16xf32>
      %convert_element_type3A_368 = arith.fptosi %add3A_363 : vector<16xf32> to vector<16xi32>
      %jit3A = arith.constant -255 : i32
      %jit3A_369 = arith.constant 256 : i32
      %max3A = vector.broadcast %jit3A : i32 to vector<16xi32>
      %max3A_370 = arith.maxsi %max3A, %convert_element_type3A_368 : vector<16xi32>
      %min3A = vector.broadcast %jit3A_369 : i32 to vector<16xi32>
      %min3A_371 = arith.minsi %min3A, %max3A_370 : vector<16xi32>
      %sub3A_372 = arith.constant 256 : i32
      %sub3A_373 = vector.broadcast %sub3A_372 : i32 to vector<16xi32>
      %sub3A_374 = arith.subi %sub3A_373, %min3A_371 : vector<16xi32>
      %convert_element_type3A_375 = arith.fptosi %add3A_367 : vector<16xf32> to vector<16xi32>
      %jit3A_376 = arith.constant -255 : i32
      %jit3A_377 = arith.constant 256 : i32
      %max3A_378 = vector.broadcast %jit3A_376 : i32 to vector<16xi32>
      %max3A_379 = arith.maxsi %max3A_378, %convert_element_type3A_375 : vector<16xi32>
      %min3A_380 = vector.broadcast %jit3A_377 : i32 to vector<16xi32>
      %min3A_381 = arith.minsi %min3A_380, %max3A_379 : vector<16xi32>
      %add3A_382 = arith.constant 255 : i32
      %add3A_383 = vector.broadcast %add3A_382 : i32 to vector<16xi32>
      %add3A_384 = arith.addi %add3A_383, %min3A_381 : vector<16xi32>
      %shift_left3A_385 = arith.constant 18 : i32
      %shift_left3A_386 = vector.broadcast %shift_left3A_385 : i32 to vector<16xi32>
      %shift_left3A_387 = arith.shli %shift_right_logical3A_326, %shift_left3A_386 : vector<16xi32>
      %shift_right_logical3A_388 = arith.constant 3 : i32
      %shift_right_logical3A_389 = vector.broadcast %shift_right_logical3A_388 : i32 to vector<16xi32>
      %shift_right_logical3A_390 = arith.shrui %sub3A_374, %shift_right_logical3A_389 : vector<16xi32>
      %shift_left3A_391 = arith.constant 12 : i32
      %shift_left3A_392 = vector.broadcast %shift_left3A_391 : i32 to vector<16xi32>
      %shift_left3A_393 = arith.shli %shift_right_logical3A_390, %shift_left3A_392 : vector<16xi32>
      %add3A_394 = arith.addi %shift_left3A_387, %shift_left3A_393 : vector<16xi32>
      %shift_right_logical3A_395 = arith.constant 7 : i32
      %shift_right_logical3A_396 = vector.broadcast %shift_right_logical3A_395 : i32 to vector<16xi32>
      %shift_right_logical3A_397 = arith.shrui %add3A_384, %shift_right_logical3A_396 : vector<16xi32>
      %shift_left3A_398 = arith.constant 10 : i32
      %shift_left3A_399 = vector.broadcast %shift_left3A_398 : i32 to vector<16xi32>
      %shift_left3A_400 = arith.shli %shift_right_logical3A_397, %shift_left3A_399 : vector<16xi32>
      %add3A_401 = arith.addi %add3A_394, %shift_left3A_400 : vector<16xi32>
      %and3A_402 = arith.constant 7 : i32
      %and3A_403 = vector.broadcast %and3A_402 : i32 to vector<16xi32>
      %and3A_404 = arith.andi %sub3A_374, %and3A_403 : vector<16xi32>
      %shift_left3A_405 = arith.constant 7 : i32
      %shift_left3A_406 = vector.broadcast %shift_left3A_405 : i32 to vector<16xi32>
      %shift_left3A_407 = arith.shli %and3A_404, %shift_left3A_406 : vector<16xi32>
      %add3A_408 = arith.addi %add3A_401, %shift_left3A_407 : vector<16xi32>
      %and3A_409 = arith.constant 127 : i32
      %and3A_410 = vector.broadcast %and3A_409 : i32 to vector<16xi32>
      %and3A_411 = arith.andi %add3A_384, %and3A_410 : vector<16xi32>
      %add3A_412 = arith.addi %add3A_408, %and3A_411 : vector<16xi32>
      %mul3A_413 = arith.constant 16 : i32
      %mul3A_414 = arith.muli %scan3A_317, %mul3A_413 : i32
      %add3A_415 = arith.constant 12288 : i32
      %add3A_416 = arith.addi %add3A_415, %mul3A_414 : i32
      %swap3A = arith.index_cast %add3A_416 : i32 to index
      %swap3A_417 = tpu.vector_load %arg5[%swap3A] {strides = array<i32>} : memref<24576xi32, #tpu.memory_space<vmem>>, vector<16xi32>,
      %swap3A_418 = vector.shape_cast %swap3A_417 : vector<16xi32> to vector<16xi32>
      %swap3A_419 = vector.shape_cast %add3A_412 : vector<16xi32> to vector<16xi32>
      tpu.vector_store %arg5[%swap3A], %swap3A_419 {strides = array<i32>} : memref<24576xi32, #tpu.memory_space<vmem>>, vector<16xi32>,
    }
    %scan3A_131 = arith.constant 96 : i32
    %dma_start3A_132 = arith.constant 12288 : i32
    %dma_start3A_133 = tpu.memref_slice %arg6[%dma_start3A_132] : memref<24576xf32, #tpu.memory_space<vmem>> -> memref<1536xf32, #tpu.memory_space<vmem>>
    %dma_start3A_134 = arith.constant 12288 : i32
    %dma_start3A_135 = tpu.memref_slice %arg5[%dma_start3A_134] : memref<24576xi32, #tpu.memory_space<vmem>> -> memref<1536xi32, #tpu.memory_space<vmem>>
    %dma_start3A_136 = arith.constant 0 : i32
    %dma_start3A_137 = tpu.memref_slice %arg2[%dma_start3A_136] : memref<786432xf32, #tpu.memory_space<hbm>> -> memref<786432xf32, #tpu.memory_space<hbm>>
    tpu.enqueue_indirect_dma source(%dma_start3A_137 : memref<786432xf32, #tpu.memory_space<hbm>>) target(%dma_start3A_133 : memref<1536xf32, #tpu.memory_space<vmem>>) offsets(%dma_start3A_135 : memref<1536xi32, #tpu.memory_space<vmem>>) semaphore(%arg8 : memref<!tpu.dma_semaphore, #tpu.memory_space<semaphore_mem>>)
    %scan3A_138 = arith.constant 0 : i32
    %scan3A_139 = arith.constant 0 : i32
    %scan3A_140 = arith.constant 96 : i32
    %scan3A_141 = arith.addi %scan3A_139, %scan3A_140 : i32
    %scan3A_142 = arith.constant 1 : i32
    scf.for %scan3A_317 = %scan3A_139 to %scan3A_141 step %scan3A_142  : i32 {
      %add3A_318 = arith.constant 13824 : i32
      %add3A_319 = arith.addi %mul3A_2, %add3A_318 : i32
      %mul3A_320 = arith.constant 16 : i32
      %mul3A_321 = arith.muli %scan3A_317, %mul3A_320 : i32
      %add3A_322 = arith.addi %add3A_319, %mul3A_321 : i32
      %add3A_323 = vector.broadcast %add3A_322 : i32 to vector<16xi32>
      %add3A_324 = arith.addi %add3A_323, %iota3A : vector<16xi32>
      %shift_right_logical3A = arith.constant 18 : i32
      %shift_right_logical3A_325 = vector.broadcast %shift_right_logical3A : i32 to vector<16xi32>
      %shift_right_logical3A_326 = arith.shrui %add3A_324, %shift_right_logical3A_325 : vector<16xi32>
      %and3A = arith.constant 262143 : i32
      %and3A_327 = vector.broadcast %and3A : i32 to vector<16xi32>
      %and3A_328 = arith.andi %add3A_324, %and3A_327 : vector<16xi32>
      %shift_right_logical3A_329 = arith.constant 10 : i32
      %shift_right_logical3A_330 = vector.broadcast %shift_right_logical3A_329 : i32 to vector<16xi32>
      %shift_right_logical3A_331 = arith.shrui %and3A_328, %shift_right_logical3A_330 : vector<16xi32>
      %shift_right_logical3A_332 = arith.constant 7 : i32
      %shift_right_logical3A_333 = vector.broadcast %shift_right_logical3A_332 : i32 to vector<16xi32>
      %shift_right_logical3A_334 = arith.shrui %and3A_328, %shift_right_logical3A_333 : vector<16xi32>
      %and3A_335 = arith.constant 7 : i32
      %and3A_336 = vector.broadcast %and3A_335 : i32 to vector<16xi32>
      %and3A_337 = arith.andi %shift_right_logical3A_334, %and3A_336 : vector<16xi32>
      %and3A_338 = arith.constant 127 : i32
      %and3A_339 = vector.broadcast %and3A_338 : i32 to vector<16xi32>
      %and3A_340 = arith.andi %and3A_328, %and3A_339 : vector<16xi32>
      %shift_right_logical3A_341 = arith.constant 2 : i32
      %shift_right_logical3A_342 = vector.broadcast %shift_right_logical3A_341 : i32 to vector<16xi32>
      %shift_right_logical3A_343 = arith.shrui %shift_right_logical3A_331, %shift_right_logical3A_342 : vector<16xi32>
      %shift_left3A = arith.constant 3 : i32
      %shift_left3A_344 = vector.broadcast %shift_left3A : i32 to vector<16xi32>
      %shift_left3A_345 = arith.shli %shift_right_logical3A_343, %shift_left3A_344 : vector<16xi32>
      %add3A_346 = arith.addi %shift_left3A_345, %and3A_337 : vector<16xi32>
      %and3A_347 = arith.constant 3 : i32
      %and3A_348 = vector.broadcast %and3A_347 : i32 to vector<16xi32>
      %and3A_349 = arith.andi %shift_right_logical3A_331, %and3A_348 : vector<16xi32>
      %shift_left3A_350 = arith.constant 7 : i32
      %shift_left3A_351 = vector.broadcast %shift_left3A_350 : i32 to vector<16xi32>
      %shift_left3A_352 = arith.shli %and3A_349, %shift_left3A_351 : vector<16xi32>
      %add3A_353 = arith.addi %shift_left3A_352, %and3A_340 : vector<16xi32>
      %sub3A = arith.constant 256 : i32
      %sub3A_354 = vector.broadcast %sub3A : i32 to vector<16xi32>
      %sub3A_355 = arith.subi %sub3A_354, %add3A_346 : vector<16xi32>
      %convert_element_type3A = arith.sitofp %sub3A_355 : vector<16xi32> to vector<16xf32>
      %sub3A_356 = arith.constant 256 : i32
      %sub3A_357 = vector.broadcast %sub3A_356 : i32 to vector<16xi32>
      %sub3A_358 = arith.subi %add3A_353, %sub3A_357 : vector<16xi32>
      %convert_element_type3A_359 = arith.sitofp %sub3A_358 : vector<16xi32> to vector<16xf32>
      %mul3A_360 = arith.mulf %get3A_6, %convert_element_type3A : vector<16xf32>
      %mul3A_361 = arith.mulf %get3A_11, %convert_element_type3A_359 : vector<16xf32>
      %add3A_362 = arith.addf %mul3A_360, %mul3A_361 : vector<16xf32>
      %add3A_363 = arith.addf %add3A_362, %get3A_16 : vector<16xf32>
      %mul3A_364 = arith.mulf %get3A_21, %convert_element_type3A : vector<16xf32>
      %mul3A_365 = arith.mulf %get3A_26, %convert_element_type3A_359 : vector<16xf32>
      %add3A_366 = arith.addf %mul3A_364, %mul3A_365 : vector<16xf32>
      %add3A_367 = arith.addf %add3A_366, %get3A_31 : vector<16xf32>
      %convert_element_type3A_368 = arith.fptosi %add3A_363 : vector<16xf32> to vector<16xi32>
      %jit3A = arith.constant -255 : i32
      %jit3A_369 = arith.constant 256 : i32
      %max3A = vector.broadcast %jit3A : i32 to vector<16xi32>
      %max3A_370 = arith.maxsi %max3A, %convert_element_type3A_368 : vector<16xi32>
      %min3A = vector.broadcast %jit3A_369 : i32 to vector<16xi32>
      %min3A_371 = arith.minsi %min3A, %max3A_370 : vector<16xi32>
      %sub3A_372 = arith.constant 256 : i32
      %sub3A_373 = vector.broadcast %sub3A_372 : i32 to vector<16xi32>
      %sub3A_374 = arith.subi %sub3A_373, %min3A_371 : vector<16xi32>
      %convert_element_type3A_375 = arith.fptosi %add3A_367 : vector<16xf32> to vector<16xi32>
      %jit3A_376 = arith.constant -255 : i32
      %jit3A_377 = arith.constant 256 : i32
      %max3A_378 = vector.broadcast %jit3A_376 : i32 to vector<16xi32>
      %max3A_379 = arith.maxsi %max3A_378, %convert_element_type3A_375 : vector<16xi32>
      %min3A_380 = vector.broadcast %jit3A_377 : i32 to vector<16xi32>
      %min3A_381 = arith.minsi %min3A_380, %max3A_379 : vector<16xi32>
      %add3A_382 = arith.constant 255 : i32
      %add3A_383 = vector.broadcast %add3A_382 : i32 to vector<16xi32>
      %add3A_384 = arith.addi %add3A_383, %min3A_381 : vector<16xi32>
      %shift_left3A_385 = arith.constant 18 : i32
      %shift_left3A_386 = vector.broadcast %shift_left3A_385 : i32 to vector<16xi32>
      %shift_left3A_387 = arith.shli %shift_right_logical3A_326, %shift_left3A_386 : vector<16xi32>
      %shift_right_logical3A_388 = arith.constant 3 : i32
      %shift_right_logical3A_389 = vector.broadcast %shift_right_logical3A_388 : i32 to vector<16xi32>
      %shift_right_logical3A_390 = arith.shrui %sub3A_374, %shift_right_logical3A_389 : vector<16xi32>
      %shift_left3A_391 = arith.constant 12 : i32
      %shift_left3A_392 = vector.broadcast %shift_left3A_391 : i32 to vector<16xi32>
      %shift_left3A_393 = arith.shli %shift_right_logical3A_390, %shift_left3A_392 : vector<16xi32>
      %add3A_394 = arith.addi %shift_left3A_387, %shift_left3A_393 : vector<16xi32>
      %shift_right_logical3A_395 = arith.constant 7 : i32
      %shift_right_logical3A_396 = vector.broadcast %shift_right_logical3A_395 : i32 to vector<16xi32>
      %shift_right_logical3A_397 = arith.shrui %add3A_384, %shift_right_logical3A_396 : vector<16xi32>
      %shift_left3A_398 = arith.constant 10 : i32
      %shift_left3A_399 = vector.broadcast %shift_left3A_398 : i32 to vector<16xi32>
      %shift_left3A_400 = arith.shli %shift_right_logical3A_397, %shift_left3A_399 : vector<16xi32>
      %add3A_401 = arith.addi %add3A_394, %shift_left3A_400 : vector<16xi32>
      %and3A_402 = arith.constant 7 : i32
      %and3A_403 = vector.broadcast %and3A_402 : i32 to vector<16xi32>
      %and3A_404 = arith.andi %sub3A_374, %and3A_403 : vector<16xi32>
      %shift_left3A_405 = arith.constant 7 : i32
      %shift_left3A_406 = vector.broadcast %shift_left3A_405 : i32 to vector<16xi32>
      %shift_left3A_407 = arith.shli %and3A_404, %shift_left3A_406 : vector<16xi32>
      %add3A_408 = arith.addi %add3A_401, %shift_left3A_407 : vector<16xi32>
      %and3A_409 = arith.constant 127 : i32
      %and3A_410 = vector.broadcast %and3A_409 : i32 to vector<16xi32>
      %and3A_411 = arith.andi %add3A_384, %and3A_410 : vector<16xi32>
      %add3A_412 = arith.addi %add3A_408, %and3A_411 : vector<16xi32>
      %mul3A_413 = arith.constant 16 : i32
      %mul3A_414 = arith.muli %scan3A_317, %mul3A_413 : i32
      %add3A_415 = arith.constant 13824 : i32
      %add3A_416 = arith.addi %add3A_415, %mul3A_414 : i32
      %swap3A = arith.index_cast %add3A_416 : i32 to index
      %swap3A_417 = tpu.vector_load %arg5[%swap3A] {strides = array<i32>} : memref<24576xi32, #tpu.memory_space<vmem>>, vector<16xi32>,
      %swap3A_418 = vector.shape_cast %swap3A_417 : vector<16xi32> to vector<16xi32>
      %swap3A_419 = vector.shape_cast %add3A_412 : vector<16xi32> to vector<16xi32>
      tpu.vector_store %arg5[%swap3A], %swap3A_419 {strides = array<i32>} : memref<24576xi32, #tpu.memory_space<vmem>>, vector<16xi32>,
    }
    %scan3A_143 = arith.constant 96 : i32
    %dma_start3A_144 = arith.constant 13824 : i32
    %dma_start3A_145 = tpu.memref_slice %arg6[%dma_start3A_144] : memref<24576xf32, #tpu.memory_space<vmem>> -> memref<1536xf32, #tpu.memory_space<vmem>>
    %dma_start3A_146 = arith.constant 13824 : i32
    %dma_start3A_147 = tpu.memref_slice %arg5[%dma_start3A_146] : memref<24576xi32, #tpu.memory_space<vmem>> -> memref<1536xi32, #tpu.memory_space<vmem>>
    %dma_start3A_148 = arith.constant 0 : i32
    %dma_start3A_149 = tpu.memref_slice %arg2[%dma_start3A_148] : memref<786432xf32, #tpu.memory_space<hbm>> -> memref<786432xf32, #tpu.memory_space<hbm>>
    tpu.enqueue_indirect_dma source(%dma_start3A_149 : memref<786432xf32, #tpu.memory_space<hbm>>) target(%dma_start3A_145 : memref<1536xf32, #tpu.memory_space<vmem>>) offsets(%dma_start3A_147 : memref<1536xi32, #tpu.memory_space<vmem>>) semaphore(%arg8 : memref<!tpu.dma_semaphore, #tpu.memory_space<semaphore_mem>>)
    %scan3A_150 = arith.constant 0 : i32
    %scan3A_151 = arith.constant 0 : i32
    %scan3A_152 = arith.constant 96 : i32
    %scan3A_153 = arith.addi %scan3A_151, %scan3A_152 : i32
    %scan3A_154 = arith.constant 1 : i32
    scf.for %scan3A_317 = %scan3A_151 to %scan3A_153 step %scan3A_154  : i32 {
      %add3A_318 = arith.constant 15360 : i32
      %add3A_319 = arith.addi %mul3A_2, %add3A_318 : i32
      %mul3A_320 = arith.constant 16 : i32
      %mul3A_321 = arith.muli %scan3A_317, %mul3A_320 : i32
      %add3A_322 = arith.addi %add3A_319, %mul3A_321 : i32
      %add3A_323 = vector.broadcast %add3A_322 : i32 to vector<16xi32>
      %add3A_324 = arith.addi %add3A_323, %iota3A : vector<16xi32>
      %shift_right_logical3A = arith.constant 18 : i32
      %shift_right_logical3A_325 = vector.broadcast %shift_right_logical3A : i32 to vector<16xi32>
      %shift_right_logical3A_326 = arith.shrui %add3A_324, %shift_right_logical3A_325 : vector<16xi32>
      %and3A = arith.constant 262143 : i32
      %and3A_327 = vector.broadcast %and3A : i32 to vector<16xi32>
      %and3A_328 = arith.andi %add3A_324, %and3A_327 : vector<16xi32>
      %shift_right_logical3A_329 = arith.constant 10 : i32
      %shift_right_logical3A_330 = vector.broadcast %shift_right_logical3A_329 : i32 to vector<16xi32>
      %shift_right_logical3A_331 = arith.shrui %and3A_328, %shift_right_logical3A_330 : vector<16xi32>
      %shift_right_logical3A_332 = arith.constant 7 : i32
      %shift_right_logical3A_333 = vector.broadcast %shift_right_logical3A_332 : i32 to vector<16xi32>
      %shift_right_logical3A_334 = arith.shrui %and3A_328, %shift_right_logical3A_333 : vector<16xi32>
      %and3A_335 = arith.constant 7 : i32
      %and3A_336 = vector.broadcast %and3A_335 : i32 to vector<16xi32>
      %and3A_337 = arith.andi %shift_right_logical3A_334, %and3A_336 : vector<16xi32>
      %and3A_338 = arith.constant 127 : i32
      %and3A_339 = vector.broadcast %and3A_338 : i32 to vector<16xi32>
      %and3A_340 = arith.andi %and3A_328, %and3A_339 : vector<16xi32>
      %shift_right_logical3A_341 = arith.constant 2 : i32
      %shift_right_logical3A_342 = vector.broadcast %shift_right_logical3A_341 : i32 to vector<16xi32>
      %shift_right_logical3A_343 = arith.shrui %shift_right_logical3A_331, %shift_right_logical3A_342 : vector<16xi32>
      %shift_left3A = arith.constant 3 : i32
      %shift_left3A_344 = vector.broadcast %shift_left3A : i32 to vector<16xi32>
      %shift_left3A_345 = arith.shli %shift_right_logical3A_343, %shift_left3A_344 : vector<16xi32>
      %add3A_346 = arith.addi %shift_left3A_345, %and3A_337 : vector<16xi32>
      %and3A_347 = arith.constant 3 : i32
      %and3A_348 = vector.broadcast %and3A_347 : i32 to vector<16xi32>
      %and3A_349 = arith.andi %shift_right_logical3A_331, %and3A_348 : vector<16xi32>
      %shift_left3A_350 = arith.constant 7 : i32
      %shift_left3A_351 = vector.broadcast %shift_left3A_350 : i32 to vector<16xi32>
      %shift_left3A_352 = arith.shli %and3A_349, %shift_left3A_351 : vector<16xi32>
      %add3A_353 = arith.addi %shift_left3A_352, %and3A_340 : vector<16xi32>
      %sub3A = arith.constant 256 : i32
      %sub3A_354 = vector.broadcast %sub3A : i32 to vector<16xi32>
      %sub3A_355 = arith.subi %sub3A_354, %add3A_346 : vector<16xi32>
      %convert_element_type3A = arith.sitofp %sub3A_355 : vector<16xi32> to vector<16xf32>
      %sub3A_356 = arith.constant 256 : i32
      %sub3A_357 = vector.broadcast %sub3A_356 : i32 to vector<16xi32>
      %sub3A_358 = arith.subi %add3A_353, %sub3A_357 : vector<16xi32>
      %convert_element_type3A_359 = arith.sitofp %sub3A_358 : vector<16xi32> to vector<16xf32>
      %mul3A_360 = arith.mulf %get3A_6, %convert_element_type3A : vector<16xf32>
      %mul3A_361 = arith.mulf %get3A_11, %convert_element_type3A_359 : vector<16xf32>
      %add3A_362 = arith.addf %mul3A_360, %mul3A_361 : vector<16xf32>
      %add3A_363 = arith.addf %add3A_362, %get3A_16 : vector<16xf32>
      %mul3A_364 = arith.mulf %get3A_21, %convert_element_type3A : vector<16xf32>
      %mul3A_365 = arith.mulf %get3A_26, %convert_element_type3A_359 : vector<16xf32>
      %add3A_366 = arith.addf %mul3A_364, %mul3A_365 : vector<16xf32>
      %add3A_367 = arith.addf %add3A_366, %get3A_31 : vector<16xf32>
      %convert_element_type3A_368 = arith.fptosi %add3A_363 : vector<16xf32> to vector<16xi32>
      %jit3A = arith.constant -255 : i32
      %jit3A_369 = arith.constant 256 : i32
      %max3A = vector.broadcast %jit3A : i32 to vector<16xi32>
      %max3A_370 = arith.maxsi %max3A, %convert_element_type3A_368 : vector<16xi32>
      %min3A = vector.broadcast %jit3A_369 : i32 to vector<16xi32>
      %min3A_371 = arith.minsi %min3A, %max3A_370 : vector<16xi32>
      %sub3A_372 = arith.constant 256 : i32
      %sub3A_373 = vector.broadcast %sub3A_372 : i32 to vector<16xi32>
      %sub3A_374 = arith.subi %sub3A_373, %min3A_371 : vector<16xi32>
      %convert_element_type3A_375 = arith.fptosi %add3A_367 : vector<16xf32> to vector<16xi32>
      %jit3A_376 = arith.constant -255 : i32
      %jit3A_377 = arith.constant 256 : i32
      %max3A_378 = vector.broadcast %jit3A_376 : i32 to vector<16xi32>
      %max3A_379 = arith.maxsi %max3A_378, %convert_element_type3A_375 : vector<16xi32>
      %min3A_380 = vector.broadcast %jit3A_377 : i32 to vector<16xi32>
      %min3A_381 = arith.minsi %min3A_380, %max3A_379 : vector<16xi32>
      %add3A_382 = arith.constant 255 : i32
      %add3A_383 = vector.broadcast %add3A_382 : i32 to vector<16xi32>
      %add3A_384 = arith.addi %add3A_383, %min3A_381 : vector<16xi32>
      %shift_left3A_385 = arith.constant 18 : i32
      %shift_left3A_386 = vector.broadcast %shift_left3A_385 : i32 to vector<16xi32>
      %shift_left3A_387 = arith.shli %shift_right_logical3A_326, %shift_left3A_386 : vector<16xi32>
      %shift_right_logical3A_388 = arith.constant 3 : i32
      %shift_right_logical3A_389 = vector.broadcast %shift_right_logical3A_388 : i32 to vector<16xi32>
      %shift_right_logical3A_390 = arith.shrui %sub3A_374, %shift_right_logical3A_389 : vector<16xi32>
      %shift_left3A_391 = arith.constant 12 : i32
      %shift_left3A_392 = vector.broadcast %shift_left3A_391 : i32 to vector<16xi32>
      %shift_left3A_393 = arith.shli %shift_right_logical3A_390, %shift_left3A_392 : vector<16xi32>
      %add3A_394 = arith.addi %shift_left3A_387, %shift_left3A_393 : vector<16xi32>
      %shift_right_logical3A_395 = arith.constant 7 : i32
      %shift_right_logical3A_396 = vector.broadcast %shift_right_logical3A_395 : i32 to vector<16xi32>
      %shift_right_logical3A_397 = arith.shrui %add3A_384, %shift_right_logical3A_396 : vector<16xi32>
      %shift_left3A_398 = arith.constant 10 : i32
      %shift_left3A_399 = vector.broadcast %shift_left3A_398 : i32 to vector<16xi32>
      %shift_left3A_400 = arith.shli %shift_right_logical3A_397, %shift_left3A_399 : vector<16xi32>
      %add3A_401 = arith.addi %add3A_394, %shift_left3A_400 : vector<16xi32>
      %and3A_402 = arith.constant 7 : i32
      %and3A_403 = vector.broadcast %and3A_402 : i32 to vector<16xi32>
      %and3A_404 = arith.andi %sub3A_374, %and3A_403 : vector<16xi32>
      %shift_left3A_405 = arith.constant 7 : i32
      %shift_left3A_406 = vector.broadcast %shift_left3A_405 : i32 to vector<16xi32>
      %shift_left3A_407 = arith.shli %and3A_404, %shift_left3A_406 : vector<16xi32>
      %add3A_408 = arith.addi %add3A_401, %shift_left3A_407 : vector<16xi32>
      %and3A_409 = arith.constant 127 : i32
      %and3A_410 = vector.broadcast %and3A_409 : i32 to vector<16xi32>
      %and3A_411 = arith.andi %add3A_384, %and3A_410 : vector<16xi32>
      %add3A_412 = arith.addi %add3A_408, %and3A_411 : vector<16xi32>
      %mul3A_413 = arith.constant 16 : i32
      %mul3A_414 = arith.muli %scan3A_317, %mul3A_413 : i32
      %add3A_415 = arith.constant 15360 : i32
      %add3A_416 = arith.addi %add3A_415, %mul3A_414 : i32
      %swap3A = arith.index_cast %add3A_416 : i32 to index
      %swap3A_417 = tpu.vector_load %arg5[%swap3A] {strides = array<i32>} : memref<24576xi32, #tpu.memory_space<vmem>>, vector<16xi32>,
      %swap3A_418 = vector.shape_cast %swap3A_417 : vector<16xi32> to vector<16xi32>
      %swap3A_419 = vector.shape_cast %add3A_412 : vector<16xi32> to vector<16xi32>
      tpu.vector_store %arg5[%swap3A], %swap3A_419 {strides = array<i32>} : memref<24576xi32, #tpu.memory_space<vmem>>, vector<16xi32>,
    }
    %scan3A_155 = arith.constant 96 : i32
    %dma_start3A_156 = arith.constant 15360 : i32
    %dma_start3A_157 = tpu.memref_slice %arg6[%dma_start3A_156] : memref<24576xf32, #tpu.memory_space<vmem>> -> memref<1536xf32, #tpu.memory_space<vmem>>
    %dma_start3A_158 = arith.constant 15360 : i32
    %dma_start3A_159 = tpu.memref_slice %arg5[%dma_start3A_158] : memref<24576xi32, #tpu.memory_space<vmem>> -> memref<1536xi32, #tpu.memory_space<vmem>>
    %dma_start3A_160 = arith.constant 0 : i32
    %dma_start3A_161 = tpu.memref_slice %arg2[%dma_start3A_160] : memref<786432xf32, #tpu.memory_space<hbm>> -> memref<786432xf32, #tpu.memory_space<hbm>>
    tpu.enqueue_indirect_dma source(%dma_start3A_161 : memref<786432xf32, #tpu.memory_space<hbm>>) target(%dma_start3A_157 : memref<1536xf32, #tpu.memory_space<vmem>>) offsets(%dma_start3A_159 : memref<1536xi32, #tpu.memory_space<vmem>>) semaphore(%arg8 : memref<!tpu.dma_semaphore, #tpu.memory_space<semaphore_mem>>)
    %scan3A_162 = arith.constant 0 : i32
    %scan3A_163 = arith.constant 0 : i32
    %scan3A_164 = arith.constant 96 : i32
    %scan3A_165 = arith.addi %scan3A_163, %scan3A_164 : i32
    %scan3A_166 = arith.constant 1 : i32
    scf.for %scan3A_317 = %scan3A_163 to %scan3A_165 step %scan3A_166  : i32 {
      %add3A_318 = arith.constant 16896 : i32
      %add3A_319 = arith.addi %mul3A_2, %add3A_318 : i32
      %mul3A_320 = arith.constant 16 : i32
      %mul3A_321 = arith.muli %scan3A_317, %mul3A_320 : i32
      %add3A_322 = arith.addi %add3A_319, %mul3A_321 : i32
      %add3A_323 = vector.broadcast %add3A_322 : i32 to vector<16xi32>
      %add3A_324 = arith.addi %add3A_323, %iota3A : vector<16xi32>
      %shift_right_logical3A = arith.constant 18 : i32
      %shift_right_logical3A_325 = vector.broadcast %shift_right_logical3A : i32 to vector<16xi32>
      %shift_right_logical3A_326 = arith.shrui %add3A_324, %shift_right_logical3A_325 : vector<16xi32>
      %and3A = arith.constant 262143 : i32
      %and3A_327 = vector.broadcast %and3A : i32 to vector<16xi32>
      %and3A_328 = arith.andi %add3A_324, %and3A_327 : vector<16xi32>
      %shift_right_logical3A_329 = arith.constant 10 : i32
      %shift_right_logical3A_330 = vector.broadcast %shift_right_logical3A_329 : i32 to vector<16xi32>
      %shift_right_logical3A_331 = arith.shrui %and3A_328, %shift_right_logical3A_330 : vector<16xi32>
      %shift_right_logical3A_332 = arith.constant 7 : i32
      %shift_right_logical3A_333 = vector.broadcast %shift_right_logical3A_332 : i32 to vector<16xi32>
      %shift_right_logical3A_334 = arith.shrui %and3A_328, %shift_right_logical3A_333 : vector<16xi32>
      %and3A_335 = arith.constant 7 : i32
      %and3A_336 = vector.broadcast %and3A_335 : i32 to vector<16xi32>
      %and3A_337 = arith.andi %shift_right_logical3A_334, %and3A_336 : vector<16xi32>
      %and3A_338 = arith.constant 127 : i32
      %and3A_339 = vector.broadcast %and3A_338 : i32 to vector<16xi32>
      %and3A_340 = arith.andi %and3A_328, %and3A_339 : vector<16xi32>
      %shift_right_logical3A_341 = arith.constant 2 : i32
      %shift_right_logical3A_342 = vector.broadcast %shift_right_logical3A_341 : i32 to vector<16xi32>
      %shift_right_logical3A_343 = arith.shrui %shift_right_logical3A_331, %shift_right_logical3A_342 : vector<16xi32>
      %shift_left3A = arith.constant 3 : i32
      %shift_left3A_344 = vector.broadcast %shift_left3A : i32 to vector<16xi32>
      %shift_left3A_345 = arith.shli %shift_right_logical3A_343, %shift_left3A_344 : vector<16xi32>
      %add3A_346 = arith.addi %shift_left3A_345, %and3A_337 : vector<16xi32>
      %and3A_347 = arith.constant 3 : i32
      %and3A_348 = vector.broadcast %and3A_347 : i32 to vector<16xi32>
      %and3A_349 = arith.andi %shift_right_logical3A_331, %and3A_348 : vector<16xi32>
      %shift_left3A_350 = arith.constant 7 : i32
      %shift_left3A_351 = vector.broadcast %shift_left3A_350 : i32 to vector<16xi32>
      %shift_left3A_352 = arith.shli %and3A_349, %shift_left3A_351 : vector<16xi32>
      %add3A_353 = arith.addi %shift_left3A_352, %and3A_340 : vector<16xi32>
      %sub3A = arith.constant 256 : i32
      %sub3A_354 = vector.broadcast %sub3A : i32 to vector<16xi32>
      %sub3A_355 = arith.subi %sub3A_354, %add3A_346 : vector<16xi32>
      %convert_element_type3A = arith.sitofp %sub3A_355 : vector<16xi32> to vector<16xf32>
      %sub3A_356 = arith.constant 256 : i32
      %sub3A_357 = vector.broadcast %sub3A_356 : i32 to vector<16xi32>
      %sub3A_358 = arith.subi %add3A_353, %sub3A_357 : vector<16xi32>
      %convert_element_type3A_359 = arith.sitofp %sub3A_358 : vector<16xi32> to vector<16xf32>
      %mul3A_360 = arith.mulf %get3A_6, %convert_element_type3A : vector<16xf32>
      %mul3A_361 = arith.mulf %get3A_11, %convert_element_type3A_359 : vector<16xf32>
      %add3A_362 = arith.addf %mul3A_360, %mul3A_361 : vector<16xf32>
      %add3A_363 = arith.addf %add3A_362, %get3A_16 : vector<16xf32>
      %mul3A_364 = arith.mulf %get3A_21, %convert_element_type3A : vector<16xf32>
      %mul3A_365 = arith.mulf %get3A_26, %convert_element_type3A_359 : vector<16xf32>
      %add3A_366 = arith.addf %mul3A_364, %mul3A_365 : vector<16xf32>
      %add3A_367 = arith.addf %add3A_366, %get3A_31 : vector<16xf32>
      %convert_element_type3A_368 = arith.fptosi %add3A_363 : vector<16xf32> to vector<16xi32>
      %jit3A = arith.constant -255 : i32
      %jit3A_369 = arith.constant 256 : i32
      %max3A = vector.broadcast %jit3A : i32 to vector<16xi32>
      %max3A_370 = arith.maxsi %max3A, %convert_element_type3A_368 : vector<16xi32>
      %min3A = vector.broadcast %jit3A_369 : i32 to vector<16xi32>
      %min3A_371 = arith.minsi %min3A, %max3A_370 : vector<16xi32>
      %sub3A_372 = arith.constant 256 : i32
      %sub3A_373 = vector.broadcast %sub3A_372 : i32 to vector<16xi32>
      %sub3A_374 = arith.subi %sub3A_373, %min3A_371 : vector<16xi32>
      %convert_element_type3A_375 = arith.fptosi %add3A_367 : vector<16xf32> to vector<16xi32>
      %jit3A_376 = arith.constant -255 : i32
      %jit3A_377 = arith.constant 256 : i32
      %max3A_378 = vector.broadcast %jit3A_376 : i32 to vector<16xi32>
      %max3A_379 = arith.maxsi %max3A_378, %convert_element_type3A_375 : vector<16xi32>
      %min3A_380 = vector.broadcast %jit3A_377 : i32 to vector<16xi32>
      %min3A_381 = arith.minsi %min3A_380, %max3A_379 : vector<16xi32>
      %add3A_382 = arith.constant 255 : i32
      %add3A_383 = vector.broadcast %add3A_382 : i32 to vector<16xi32>
      %add3A_384 = arith.addi %add3A_383, %min3A_381 : vector<16xi32>
      %shift_left3A_385 = arith.constant 18 : i32
      %shift_left3A_386 = vector.broadcast %shift_left3A_385 : i32 to vector<16xi32>
      %shift_left3A_387 = arith.shli %shift_right_logical3A_326, %shift_left3A_386 : vector<16xi32>
      %shift_right_logical3A_388 = arith.constant 3 : i32
      %shift_right_logical3A_389 = vector.broadcast %shift_right_logical3A_388 : i32 to vector<16xi32>
      %shift_right_logical3A_390 = arith.shrui %sub3A_374, %shift_right_logical3A_389 : vector<16xi32>
      %shift_left3A_391 = arith.constant 12 : i32
      %shift_left3A_392 = vector.broadcast %shift_left3A_391 : i32 to vector<16xi32>
      %shift_left3A_393 = arith.shli %shift_right_logical3A_390, %shift_left3A_392 : vector<16xi32>
      %add3A_394 = arith.addi %shift_left3A_387, %shift_left3A_393 : vector<16xi32>
      %shift_right_logical3A_395 = arith.constant 7 : i32
      %shift_right_logical3A_396 = vector.broadcast %shift_right_logical3A_395 : i32 to vector<16xi32>
      %shift_right_logical3A_397 = arith.shrui %add3A_384, %shift_right_logical3A_396 : vector<16xi32>
      %shift_left3A_398 = arith.constant 10 : i32
      %shift_left3A_399 = vector.broadcast %shift_left3A_398 : i32 to vector<16xi32>
      %shift_left3A_400 = arith.shli %shift_right_logical3A_397, %shift_left3A_399 : vector<16xi32>
      %add3A_401 = arith.addi %add3A_394, %shift_left3A_400 : vector<16xi32>
      %and3A_402 = arith.constant 7 : i32
      %and3A_403 = vector.broadcast %and3A_402 : i32 to vector<16xi32>
      %and3A_404 = arith.andi %sub3A_374, %and3A_403 : vector<16xi32>
      %shift_left3A_405 = arith.constant 7 : i32
      %shift_left3A_406 = vector.broadcast %shift_left3A_405 : i32 to vector<16xi32>
      %shift_left3A_407 = arith.shli %and3A_404, %shift_left3A_406 : vector<16xi32>
      %add3A_408 = arith.addi %add3A_401, %shift_left3A_407 : vector<16xi32>
      %and3A_409 = arith.constant 127 : i32
      %and3A_410 = vector.broadcast %and3A_409 : i32 to vector<16xi32>
      %and3A_411 = arith.andi %add3A_384, %and3A_410 : vector<16xi32>
      %add3A_412 = arith.addi %add3A_408, %and3A_411 : vector<16xi32>
      %mul3A_413 = arith.constant 16 : i32
      %mul3A_414 = arith.muli %scan3A_317, %mul3A_413 : i32
      %add3A_415 = arith.constant 16896 : i32
      %add3A_416 = arith.addi %add3A_415, %mul3A_414 : i32
      %swap3A = arith.index_cast %add3A_416 : i32 to index
      %swap3A_417 = tpu.vector_load %arg5[%swap3A] {strides = array<i32>} : memref<24576xi32, #tpu.memory_space<vmem>>, vector<16xi32>,
      %swap3A_418 = vector.shape_cast %swap3A_417 : vector<16xi32> to vector<16xi32>
      %swap3A_419 = vector.shape_cast %add3A_412 : vector<16xi32> to vector<16xi32>
      tpu.vector_store %arg5[%swap3A], %swap3A_419 {strides = array<i32>} : memref<24576xi32, #tpu.memory_space<vmem>>, vector<16xi32>,
    }
    %scan3A_167 = arith.constant 96 : i32
    %dma_start3A_168 = arith.constant 16896 : i32
    %dma_start3A_169 = tpu.memref_slice %arg6[%dma_start3A_168] : memref<24576xf32, #tpu.memory_space<vmem>> -> memref<1536xf32, #tpu.memory_space<vmem>>
    %dma_start3A_170 = arith.constant 16896 : i32
    %dma_start3A_171 = tpu.memref_slice %arg5[%dma_start3A_170] : memref<24576xi32, #tpu.memory_space<vmem>> -> memref<1536xi32, #tpu.memory_space<vmem>>
    %dma_start3A_172 = arith.constant 0 : i32
    %dma_start3A_173 = tpu.memref_slice %arg2[%dma_start3A_172] : memref<786432xf32, #tpu.memory_space<hbm>> -> memref<786432xf32, #tpu.memory_space<hbm>>
    tpu.enqueue_indirect_dma source(%dma_start3A_173 : memref<786432xf32, #tpu.memory_space<hbm>>) target(%dma_start3A_169 : memref<1536xf32, #tpu.memory_space<vmem>>) offsets(%dma_start3A_171 : memref<1536xi32, #tpu.memory_space<vmem>>) semaphore(%arg8 : memref<!tpu.dma_semaphore, #tpu.memory_space<semaphore_mem>>)
    %scan3A_174 = arith.constant 0 : i32
    %scan3A_175 = arith.constant 0 : i32
    %scan3A_176 = arith.constant 96 : i32
    %scan3A_177 = arith.addi %scan3A_175, %scan3A_176 : i32
    %scan3A_178 = arith.constant 1 : i32
    scf.for %scan3A_317 = %scan3A_175 to %scan3A_177 step %scan3A_178  : i32 {
      %add3A_318 = arith.constant 18432 : i32
      %add3A_319 = arith.addi %mul3A_2, %add3A_318 : i32
      %mul3A_320 = arith.constant 16 : i32
      %mul3A_321 = arith.muli %scan3A_317, %mul3A_320 : i32
      %add3A_322 = arith.addi %add3A_319, %mul3A_321 : i32
      %add3A_323 = vector.broadcast %add3A_322 : i32 to vector<16xi32>
      %add3A_324 = arith.addi %add3A_323, %iota3A : vector<16xi32>
      %shift_right_logical3A = arith.constant 18 : i32
      %shift_right_logical3A_325 = vector.broadcast %shift_right_logical3A : i32 to vector<16xi32>
      %shift_right_logical3A_326 = arith.shrui %add3A_324, %shift_right_logical3A_325 : vector<16xi32>
      %and3A = arith.constant 262143 : i32
      %and3A_327 = vector.broadcast %and3A : i32 to vector<16xi32>
      %and3A_328 = arith.andi %add3A_324, %and3A_327 : vector<16xi32>
      %shift_right_logical3A_329 = arith.constant 10 : i32
      %shift_right_logical3A_330 = vector.broadcast %shift_right_logical3A_329 : i32 to vector<16xi32>
      %shift_right_logical3A_331 = arith.shrui %and3A_328, %shift_right_logical3A_330 : vector<16xi32>
      %shift_right_logical3A_332 = arith.constant 7 : i32
      %shift_right_logical3A_333 = vector.broadcast %shift_right_logical3A_332 : i32 to vector<16xi32>
      %shift_right_logical3A_334 = arith.shrui %and3A_328, %shift_right_logical3A_333 : vector<16xi32>
      %and3A_335 = arith.constant 7 : i32
      %and3A_336 = vector.broadcast %and3A_335 : i32 to vector<16xi32>
      %and3A_337 = arith.andi %shift_right_logical3A_334, %and3A_336 : vector<16xi32>
      %and3A_338 = arith.constant 127 : i32
      %and3A_339 = vector.broadcast %and3A_338 : i32 to vector<16xi32>
      %and3A_340 = arith.andi %and3A_328, %and3A_339 : vector<16xi32>
      %shift_right_logical3A_341 = arith.constant 2 : i32
      %shift_right_logical3A_342 = vector.broadcast %shift_right_logical3A_341 : i32 to vector<16xi32>
      %shift_right_logical3A_343 = arith.shrui %shift_right_logical3A_331, %shift_right_logical3A_342 : vector<16xi32>
      %shift_left3A = arith.constant 3 : i32
      %shift_left3A_344 = vector.broadcast %shift_left3A : i32 to vector<16xi32>
      %shift_left3A_345 = arith.shli %shift_right_logical3A_343, %shift_left3A_344 : vector<16xi32>
      %add3A_346 = arith.addi %shift_left3A_345, %and3A_337 : vector<16xi32>
      %and3A_347 = arith.constant 3 : i32
      %and3A_348 = vector.broadcast %and3A_347 : i32 to vector<16xi32>
      %and3A_349 = arith.andi %shift_right_logical3A_331, %and3A_348 : vector<16xi32>
      %shift_left3A_350 = arith.constant 7 : i32
      %shift_left3A_351 = vector.broadcast %shift_left3A_350 : i32 to vector<16xi32>
      %shift_left3A_352 = arith.shli %and3A_349, %shift_left3A_351 : vector<16xi32>
      %add3A_353 = arith.addi %shift_left3A_352, %and3A_340 : vector<16xi32>
      %sub3A = arith.constant 256 : i32
      %sub3A_354 = vector.broadcast %sub3A : i32 to vector<16xi32>
      %sub3A_355 = arith.subi %sub3A_354, %add3A_346 : vector<16xi32>
      %convert_element_type3A = arith.sitofp %sub3A_355 : vector<16xi32> to vector<16xf32>
      %sub3A_356 = arith.constant 256 : i32
      %sub3A_357 = vector.broadcast %sub3A_356 : i32 to vector<16xi32>
      %sub3A_358 = arith.subi %add3A_353, %sub3A_357 : vector<16xi32>
      %convert_element_type3A_359 = arith.sitofp %sub3A_358 : vector<16xi32> to vector<16xf32>
      %mul3A_360 = arith.mulf %get3A_6, %convert_element_type3A : vector<16xf32>
      %mul3A_361 = arith.mulf %get3A_11, %convert_element_type3A_359 : vector<16xf32>
      %add3A_362 = arith.addf %mul3A_360, %mul3A_361 : vector<16xf32>
      %add3A_363 = arith.addf %add3A_362, %get3A_16 : vector<16xf32>
      %mul3A_364 = arith.mulf %get3A_21, %convert_element_type3A : vector<16xf32>
      %mul3A_365 = arith.mulf %get3A_26, %convert_element_type3A_359 : vector<16xf32>
      %add3A_366 = arith.addf %mul3A_364, %mul3A_365 : vector<16xf32>
      %add3A_367 = arith.addf %add3A_366, %get3A_31 : vector<16xf32>
      %convert_element_type3A_368 = arith.fptosi %add3A_363 : vector<16xf32> to vector<16xi32>
      %jit3A = arith.constant -255 : i32
      %jit3A_369 = arith.constant 256 : i32
      %max3A = vector.broadcast %jit3A : i32 to vector<16xi32>
      %max3A_370 = arith.maxsi %max3A, %convert_element_type3A_368 : vector<16xi32>
      %min3A = vector.broadcast %jit3A_369 : i32 to vector<16xi32>
      %min3A_371 = arith.minsi %min3A, %max3A_370 : vector<16xi32>
      %sub3A_372 = arith.constant 256 : i32
      %sub3A_373 = vector.broadcast %sub3A_372 : i32 to vector<16xi32>
      %sub3A_374 = arith.subi %sub3A_373, %min3A_371 : vector<16xi32>
      %convert_element_type3A_375 = arith.fptosi %add3A_367 : vector<16xf32> to vector<16xi32>
      %jit3A_376 = arith.constant -255 : i32
      %jit3A_377 = arith.constant 256 : i32
      %max3A_378 = vector.broadcast %jit3A_376 : i32 to vector<16xi32>
      %max3A_379 = arith.maxsi %max3A_378, %convert_element_type3A_375 : vector<16xi32>
      %min3A_380 = vector.broadcast %jit3A_377 : i32 to vector<16xi32>
      %min3A_381 = arith.minsi %min3A_380, %max3A_379 : vector<16xi32>
      %add3A_382 = arith.constant 255 : i32
      %add3A_383 = vector.broadcast %add3A_382 : i32 to vector<16xi32>
      %add3A_384 = arith.addi %add3A_383, %min3A_381 : vector<16xi32>
      %shift_left3A_385 = arith.constant 18 : i32
      %shift_left3A_386 = vector.broadcast %shift_left3A_385 : i32 to vector<16xi32>
      %shift_left3A_387 = arith.shli %shift_right_logical3A_326, %shift_left3A_386 : vector<16xi32>
      %shift_right_logical3A_388 = arith.constant 3 : i32
      %shift_right_logical3A_389 = vector.broadcast %shift_right_logical3A_388 : i32 to vector<16xi32>
      %shift_right_logical3A_390 = arith.shrui %sub3A_374, %shift_right_logical3A_389 : vector<16xi32>
      %shift_left3A_391 = arith.constant 12 : i32
      %shift_left3A_392 = vector.broadcast %shift_left3A_391 : i32 to vector<16xi32>
      %shift_left3A_393 = arith.shli %shift_right_logical3A_390, %shift_left3A_392 : vector<16xi32>
      %add3A_394 = arith.addi %shift_left3A_387, %shift_left3A_393 : vector<16xi32>
      %shift_right_logical3A_395 = arith.constant 7 : i32
      %shift_right_logical3A_396 = vector.broadcast %shift_right_logical3A_395 : i32 to vector<16xi32>
      %shift_right_logical3A_397 = arith.shrui %add3A_384, %shift_right_logical3A_396 : vector<16xi32>
      %shift_left3A_398 = arith.constant 10 : i32
      %shift_left3A_399 = vector.broadcast %shift_left3A_398 : i32 to vector<16xi32>
      %shift_left3A_400 = arith.shli %shift_right_logical3A_397, %shift_left3A_399 : vector<16xi32>
      %add3A_401 = arith.addi %add3A_394, %shift_left3A_400 : vector<16xi32>
      %and3A_402 = arith.constant 7 : i32
      %and3A_403 = vector.broadcast %and3A_402 : i32 to vector<16xi32>
      %and3A_404 = arith.andi %sub3A_374, %and3A_403 : vector<16xi32>
      %shift_left3A_405 = arith.constant 7 : i32
      %shift_left3A_406 = vector.broadcast %shift_left3A_405 : i32 to vector<16xi32>
      %shift_left3A_407 = arith.shli %and3A_404, %shift_left3A_406 : vector<16xi32>
      %add3A_408 = arith.addi %add3A_401, %shift_left3A_407 : vector<16xi32>
      %and3A_409 = arith.constant 127 : i32
      %and3A_410 = vector.broadcast %and3A_409 : i32 to vector<16xi32>
      %and3A_411 = arith.andi %add3A_384, %and3A_410 : vector<16xi32>
      %add3A_412 = arith.addi %add3A_408, %and3A_411 : vector<16xi32>
      %mul3A_413 = arith.constant 16 : i32
      %mul3A_414 = arith.muli %scan3A_317, %mul3A_413 : i32
      %add3A_415 = arith.constant 18432 : i32
      %add3A_416 = arith.addi %add3A_415, %mul3A_414 : i32
      %swap3A = arith.index_cast %add3A_416 : i32 to index
      %swap3A_417 = tpu.vector_load %arg5[%swap3A] {strides = array<i32>} : memref<24576xi32, #tpu.memory_space<vmem>>, vector<16xi32>,
      %swap3A_418 = vector.shape_cast %swap3A_417 : vector<16xi32> to vector<16xi32>
      %swap3A_419 = vector.shape_cast %add3A_412 : vector<16xi32> to vector<16xi32>
      tpu.vector_store %arg5[%swap3A], %swap3A_419 {strides = array<i32>} : memref<24576xi32, #tpu.memory_space<vmem>>, vector<16xi32>,
    }
    %scan3A_179 = arith.constant 96 : i32
    %dma_start3A_180 = arith.constant 18432 : i32
    %dma_start3A_181 = tpu.memref_slice %arg6[%dma_start3A_180] : memref<24576xf32, #tpu.memory_space<vmem>> -> memref<1536xf32, #tpu.memory_space<vmem>>
    %dma_start3A_182 = arith.constant 18432 : i32
    %dma_start3A_183 = tpu.memref_slice %arg5[%dma_start3A_182] : memref<24576xi32, #tpu.memory_space<vmem>> -> memref<1536xi32, #tpu.memory_space<vmem>>
    %dma_start3A_184 = arith.constant 0 : i32
    %dma_start3A_185 = tpu.memref_slice %arg2[%dma_start3A_184] : memref<786432xf32, #tpu.memory_space<hbm>> -> memref<786432xf32, #tpu.memory_space<hbm>>
    tpu.enqueue_indirect_dma source(%dma_start3A_185 : memref<786432xf32, #tpu.memory_space<hbm>>) target(%dma_start3A_181 : memref<1536xf32, #tpu.memory_space<vmem>>) offsets(%dma_start3A_183 : memref<1536xi32, #tpu.memory_space<vmem>>) semaphore(%arg8 : memref<!tpu.dma_semaphore, #tpu.memory_space<semaphore_mem>>)
    %scan3A_186 = arith.constant 0 : i32
    %scan3A_187 = arith.constant 0 : i32
    %scan3A_188 = arith.constant 96 : i32
    %scan3A_189 = arith.addi %scan3A_187, %scan3A_188 : i32
    %scan3A_190 = arith.constant 1 : i32
    scf.for %scan3A_317 = %scan3A_187 to %scan3A_189 step %scan3A_190  : i32 {
      %add3A_318 = arith.constant 19968 : i32
      %add3A_319 = arith.addi %mul3A_2, %add3A_318 : i32
      %mul3A_320 = arith.constant 16 : i32
      %mul3A_321 = arith.muli %scan3A_317, %mul3A_320 : i32
      %add3A_322 = arith.addi %add3A_319, %mul3A_321 : i32
      %add3A_323 = vector.broadcast %add3A_322 : i32 to vector<16xi32>
      %add3A_324 = arith.addi %add3A_323, %iota3A : vector<16xi32>
      %shift_right_logical3A = arith.constant 18 : i32
      %shift_right_logical3A_325 = vector.broadcast %shift_right_logical3A : i32 to vector<16xi32>
      %shift_right_logical3A_326 = arith.shrui %add3A_324, %shift_right_logical3A_325 : vector<16xi32>
      %and3A = arith.constant 262143 : i32
      %and3A_327 = vector.broadcast %and3A : i32 to vector<16xi32>
      %and3A_328 = arith.andi %add3A_324, %and3A_327 : vector<16xi32>
      %shift_right_logical3A_329 = arith.constant 10 : i32
      %shift_right_logical3A_330 = vector.broadcast %shift_right_logical3A_329 : i32 to vector<16xi32>
      %shift_right_logical3A_331 = arith.shrui %and3A_328, %shift_right_logical3A_330 : vector<16xi32>
      %shift_right_logical3A_332 = arith.constant 7 : i32
      %shift_right_logical3A_333 = vector.broadcast %shift_right_logical3A_332 : i32 to vector<16xi32>
      %shift_right_logical3A_334 = arith.shrui %and3A_328, %shift_right_logical3A_333 : vector<16xi32>
      %and3A_335 = arith.constant 7 : i32
      %and3A_336 = vector.broadcast %and3A_335 : i32 to vector<16xi32>
      %and3A_337 = arith.andi %shift_right_logical3A_334, %and3A_336 : vector<16xi32>
      %and3A_338 = arith.constant 127 : i32
      %and3A_339 = vector.broadcast %and3A_338 : i32 to vector<16xi32>
      %and3A_340 = arith.andi %and3A_328, %and3A_339 : vector<16xi32>
      %shift_right_logical3A_341 = arith.constant 2 : i32
      %shift_right_logical3A_342 = vector.broadcast %shift_right_logical3A_341 : i32 to vector<16xi32>
      %shift_right_logical3A_343 = arith.shrui %shift_right_logical3A_331, %shift_right_logical3A_342 : vector<16xi32>
      %shift_left3A = arith.constant 3 : i32
      %shift_left3A_344 = vector.broadcast %shift_left3A : i32 to vector<16xi32>
      %shift_left3A_345 = arith.shli %shift_right_logical3A_343, %shift_left3A_344 : vector<16xi32>
      %add3A_346 = arith.addi %shift_left3A_345, %and3A_337 : vector<16xi32>
      %and3A_347 = arith.constant 3 : i32
      %and3A_348 = vector.broadcast %and3A_347 : i32 to vector<16xi32>
      %and3A_349 = arith.andi %shift_right_logical3A_331, %and3A_348 : vector<16xi32>
      %shift_left3A_350 = arith.constant 7 : i32
      %shift_left3A_351 = vector.broadcast %shift_left3A_350 : i32 to vector<16xi32>
      %shift_left3A_352 = arith.shli %and3A_349, %shift_left3A_351 : vector<16xi32>
      %add3A_353 = arith.addi %shift_left3A_352, %and3A_340 : vector<16xi32>
      %sub3A = arith.constant 256 : i32
      %sub3A_354 = vector.broadcast %sub3A : i32 to vector<16xi32>
      %sub3A_355 = arith.subi %sub3A_354, %add3A_346 : vector<16xi32>
      %convert_element_type3A = arith.sitofp %sub3A_355 : vector<16xi32> to vector<16xf32>
      %sub3A_356 = arith.constant 256 : i32
      %sub3A_357 = vector.broadcast %sub3A_356 : i32 to vector<16xi32>
      %sub3A_358 = arith.subi %add3A_353, %sub3A_357 : vector<16xi32>
      %convert_element_type3A_359 = arith.sitofp %sub3A_358 : vector<16xi32> to vector<16xf32>
      %mul3A_360 = arith.mulf %get3A_6, %convert_element_type3A : vector<16xf32>
      %mul3A_361 = arith.mulf %get3A_11, %convert_element_type3A_359 : vector<16xf32>
      %add3A_362 = arith.addf %mul3A_360, %mul3A_361 : vector<16xf32>
      %add3A_363 = arith.addf %add3A_362, %get3A_16 : vector<16xf32>
      %mul3A_364 = arith.mulf %get3A_21, %convert_element_type3A : vector<16xf32>
      %mul3A_365 = arith.mulf %get3A_26, %convert_element_type3A_359 : vector<16xf32>
      %add3A_366 = arith.addf %mul3A_364, %mul3A_365 : vector<16xf32>
      %add3A_367 = arith.addf %add3A_366, %get3A_31 : vector<16xf32>
      %convert_element_type3A_368 = arith.fptosi %add3A_363 : vector<16xf32> to vector<16xi32>
      %jit3A = arith.constant -255 : i32
      %jit3A_369 = arith.constant 256 : i32
      %max3A = vector.broadcast %jit3A : i32 to vector<16xi32>
      %max3A_370 = arith.maxsi %max3A, %convert_element_type3A_368 : vector<16xi32>
      %min3A = vector.broadcast %jit3A_369 : i32 to vector<16xi32>
      %min3A_371 = arith.minsi %min3A, %max3A_370 : vector<16xi32>
      %sub3A_372 = arith.constant 256 : i32
      %sub3A_373 = vector.broadcast %sub3A_372 : i32 to vector<16xi32>
      %sub3A_374 = arith.subi %sub3A_373, %min3A_371 : vector<16xi32>
      %convert_element_type3A_375 = arith.fptosi %add3A_367 : vector<16xf32> to vector<16xi32>
      %jit3A_376 = arith.constant -255 : i32
      %jit3A_377 = arith.constant 256 : i32
      %max3A_378 = vector.broadcast %jit3A_376 : i32 to vector<16xi32>
      %max3A_379 = arith.maxsi %max3A_378, %convert_element_type3A_375 : vector<16xi32>
      %min3A_380 = vector.broadcast %jit3A_377 : i32 to vector<16xi32>
      %min3A_381 = arith.minsi %min3A_380, %max3A_379 : vector<16xi32>
      %add3A_382 = arith.constant 255 : i32
      %add3A_383 = vector.broadcast %add3A_382 : i32 to vector<16xi32>
      %add3A_384 = arith.addi %add3A_383, %min3A_381 : vector<16xi32>
      %shift_left3A_385 = arith.constant 18 : i32
      %shift_left3A_386 = vector.broadcast %shift_left3A_385 : i32 to vector<16xi32>
      %shift_left3A_387 = arith.shli %shift_right_logical3A_326, %shift_left3A_386 : vector<16xi32>
      %shift_right_logical3A_388 = arith.constant 3 : i32
      %shift_right_logical3A_389 = vector.broadcast %shift_right_logical3A_388 : i32 to vector<16xi32>
      %shift_right_logical3A_390 = arith.shrui %sub3A_374, %shift_right_logical3A_389 : vector<16xi32>
      %shift_left3A_391 = arith.constant 12 : i32
      %shift_left3A_392 = vector.broadcast %shift_left3A_391 : i32 to vector<16xi32>
      %shift_left3A_393 = arith.shli %shift_right_logical3A_390, %shift_left3A_392 : vector<16xi32>
      %add3A_394 = arith.addi %shift_left3A_387, %shift_left3A_393 : vector<16xi32>
      %shift_right_logical3A_395 = arith.constant 7 : i32
      %shift_right_logical3A_396 = vector.broadcast %shift_right_logical3A_395 : i32 to vector<16xi32>
      %shift_right_logical3A_397 = arith.shrui %add3A_384, %shift_right_logical3A_396 : vector<16xi32>
      %shift_left3A_398 = arith.constant 10 : i32
      %shift_left3A_399 = vector.broadcast %shift_left3A_398 : i32 to vector<16xi32>
      %shift_left3A_400 = arith.shli %shift_right_logical3A_397, %shift_left3A_399 : vector<16xi32>
      %add3A_401 = arith.addi %add3A_394, %shift_left3A_400 : vector<16xi32>
      %and3A_402 = arith.constant 7 : i32
      %and3A_403 = vector.broadcast %and3A_402 : i32 to vector<16xi32>
      %and3A_404 = arith.andi %sub3A_374, %and3A_403 : vector<16xi32>
      %shift_left3A_405 = arith.constant 7 : i32
      %shift_left3A_406 = vector.broadcast %shift_left3A_405 : i32 to vector<16xi32>
      %shift_left3A_407 = arith.shli %and3A_404, %shift_left3A_406 : vector<16xi32>
      %add3A_408 = arith.addi %add3A_401, %shift_left3A_407 : vector<16xi32>
      %and3A_409 = arith.constant 127 : i32
      %and3A_410 = vector.broadcast %and3A_409 : i32 to vector<16xi32>
      %and3A_411 = arith.andi %add3A_384, %and3A_410 : vector<16xi32>
      %add3A_412 = arith.addi %add3A_408, %and3A_411 : vector<16xi32>
      %mul3A_413 = arith.constant 16 : i32
      %mul3A_414 = arith.muli %scan3A_317, %mul3A_413 : i32
      %add3A_415 = arith.constant 19968 : i32
      %add3A_416 = arith.addi %add3A_415, %mul3A_414 : i32
      %swap3A = arith.index_cast %add3A_416 : i32 to index
      %swap3A_417 = tpu.vector_load %arg5[%swap3A] {strides = array<i32>} : memref<24576xi32, #tpu.memory_space<vmem>>, vector<16xi32>,
      %swap3A_418 = vector.shape_cast %swap3A_417 : vector<16xi32> to vector<16xi32>
      %swap3A_419 = vector.shape_cast %add3A_412 : vector<16xi32> to vector<16xi32>
      tpu.vector_store %arg5[%swap3A], %swap3A_419 {strides = array<i32>} : memref<24576xi32, #tpu.memory_space<vmem>>, vector<16xi32>,
    }
    %scan3A_191 = arith.constant 96 : i32
    %dma_start3A_192 = arith.constant 19968 : i32
    %dma_start3A_193 = tpu.memref_slice %arg6[%dma_start3A_192] : memref<24576xf32, #tpu.memory_space<vmem>> -> memref<1536xf32, #tpu.memory_space<vmem>>
    %dma_start3A_194 = arith.constant 19968 : i32
    %dma_start3A_195 = tpu.memref_slice %arg5[%dma_start3A_194] : memref<24576xi32, #tpu.memory_space<vmem>> -> memref<1536xi32, #tpu.memory_space<vmem>>
    %dma_start3A_196 = arith.constant 0 : i32
    %dma_start3A_197 = tpu.memref_slice %arg2[%dma_start3A_196] : memref<786432xf32, #tpu.memory_space<hbm>> -> memref<786432xf32, #tpu.memory_space<hbm>>
    tpu.enqueue_indirect_dma source(%dma_start3A_197 : memref<786432xf32, #tpu.memory_space<hbm>>) target(%dma_start3A_193 : memref<1536xf32, #tpu.memory_space<vmem>>) offsets(%dma_start3A_195 : memref<1536xi32, #tpu.memory_space<vmem>>) semaphore(%arg8 : memref<!tpu.dma_semaphore, #tpu.memory_space<semaphore_mem>>)
    %scan3A_198 = arith.constant 0 : i32
    %scan3A_199 = arith.constant 0 : i32
    %scan3A_200 = arith.constant 96 : i32
    %scan3A_201 = arith.addi %scan3A_199, %scan3A_200 : i32
    %scan3A_202 = arith.constant 1 : i32
    scf.for %scan3A_317 = %scan3A_199 to %scan3A_201 step %scan3A_202  : i32 {
      %add3A_318 = arith.constant 21504 : i32
      %add3A_319 = arith.addi %mul3A_2, %add3A_318 : i32
      %mul3A_320 = arith.constant 16 : i32
      %mul3A_321 = arith.muli %scan3A_317, %mul3A_320 : i32
      %add3A_322 = arith.addi %add3A_319, %mul3A_321 : i32
      %add3A_323 = vector.broadcast %add3A_322 : i32 to vector<16xi32>
      %add3A_324 = arith.addi %add3A_323, %iota3A : vector<16xi32>
      %shift_right_logical3A = arith.constant 18 : i32
      %shift_right_logical3A_325 = vector.broadcast %shift_right_logical3A : i32 to vector<16xi32>
      %shift_right_logical3A_326 = arith.shrui %add3A_324, %shift_right_logical3A_325 : vector<16xi32>
      %and3A = arith.constant 262143 : i32
      %and3A_327 = vector.broadcast %and3A : i32 to vector<16xi32>
      %and3A_328 = arith.andi %add3A_324, %and3A_327 : vector<16xi32>
      %shift_right_logical3A_329 = arith.constant 10 : i32
      %shift_right_logical3A_330 = vector.broadcast %shift_right_logical3A_329 : i32 to vector<16xi32>
      %shift_right_logical3A_331 = arith.shrui %and3A_328, %shift_right_logical3A_330 : vector<16xi32>
      %shift_right_logical3A_332 = arith.constant 7 : i32
      %shift_right_logical3A_333 = vector.broadcast %shift_right_logical3A_332 : i32 to vector<16xi32>
      %shift_right_logical3A_334 = arith.shrui %and3A_328, %shift_right_logical3A_333 : vector<16xi32>
      %and3A_335 = arith.constant 7 : i32
      %and3A_336 = vector.broadcast %and3A_335 : i32 to vector<16xi32>
      %and3A_337 = arith.andi %shift_right_logical3A_334, %and3A_336 : vector<16xi32>
      %and3A_338 = arith.constant 127 : i32
      %and3A_339 = vector.broadcast %and3A_338 : i32 to vector<16xi32>
      %and3A_340 = arith.andi %and3A_328, %and3A_339 : vector<16xi32>
      %shift_right_logical3A_341 = arith.constant 2 : i32
      %shift_right_logical3A_342 = vector.broadcast %shift_right_logical3A_341 : i32 to vector<16xi32>
      %shift_right_logical3A_343 = arith.shrui %shift_right_logical3A_331, %shift_right_logical3A_342 : vector<16xi32>
      %shift_left3A = arith.constant 3 : i32
      %shift_left3A_344 = vector.broadcast %shift_left3A : i32 to vector<16xi32>
      %shift_left3A_345 = arith.shli %shift_right_logical3A_343, %shift_left3A_344 : vector<16xi32>
      %add3A_346 = arith.addi %shift_left3A_345, %and3A_337 : vector<16xi32>
      %and3A_347 = arith.constant 3 : i32
      %and3A_348 = vector.broadcast %and3A_347 : i32 to vector<16xi32>
      %and3A_349 = arith.andi %shift_right_logical3A_331, %and3A_348 : vector<16xi32>
      %shift_left3A_350 = arith.constant 7 : i32
      %shift_left3A_351 = vector.broadcast %shift_left3A_350 : i32 to vector<16xi32>
      %shift_left3A_352 = arith.shli %and3A_349, %shift_left3A_351 : vector<16xi32>
      %add3A_353 = arith.addi %shift_left3A_352, %and3A_340 : vector<16xi32>
      %sub3A = arith.constant 256 : i32
      %sub3A_354 = vector.broadcast %sub3A : i32 to vector<16xi32>
      %sub3A_355 = arith.subi %sub3A_354, %add3A_346 : vector<16xi32>
      %convert_element_type3A = arith.sitofp %sub3A_355 : vector<16xi32> to vector<16xf32>
      %sub3A_356 = arith.constant 256 : i32
      %sub3A_357 = vector.broadcast %sub3A_356 : i32 to vector<16xi32>
      %sub3A_358 = arith.subi %add3A_353, %sub3A_357 : vector<16xi32>
      %convert_element_type3A_359 = arith.sitofp %sub3A_358 : vector<16xi32> to vector<16xf32>
      %mul3A_360 = arith.mulf %get3A_6, %convert_element_type3A : vector<16xf32>
      %mul3A_361 = arith.mulf %get3A_11, %convert_element_type3A_359 : vector<16xf32>
      %add3A_362 = arith.addf %mul3A_360, %mul3A_361 : vector<16xf32>
      %add3A_363 = arith.addf %add3A_362, %get3A_16 : vector<16xf32>
      %mul3A_364 = arith.mulf %get3A_21, %convert_element_type3A : vector<16xf32>
      %mul3A_365 = arith.mulf %get3A_26, %convert_element_type3A_359 : vector<16xf32>
      %add3A_366 = arith.addf %mul3A_364, %mul3A_365 : vector<16xf32>
      %add3A_367 = arith.addf %add3A_366, %get3A_31 : vector<16xf32>
      %convert_element_type3A_368 = arith.fptosi %add3A_363 : vector<16xf32> to vector<16xi32>
      %jit3A = arith.constant -255 : i32
      %jit3A_369 = arith.constant 256 : i32
      %max3A = vector.broadcast %jit3A : i32 to vector<16xi32>
      %max3A_370 = arith.maxsi %max3A, %convert_element_type3A_368 : vector<16xi32>
      %min3A = vector.broadcast %jit3A_369 : i32 to vector<16xi32>
      %min3A_371 = arith.minsi %min3A, %max3A_370 : vector<16xi32>
      %sub3A_372 = arith.constant 256 : i32
      %sub3A_373 = vector.broadcast %sub3A_372 : i32 to vector<16xi32>
      %sub3A_374 = arith.subi %sub3A_373, %min3A_371 : vector<16xi32>
      %convert_element_type3A_375 = arith.fptosi %add3A_367 : vector<16xf32> to vector<16xi32>
      %jit3A_376 = arith.constant -255 : i32
      %jit3A_377 = arith.constant 256 : i32
      %max3A_378 = vector.broadcast %jit3A_376 : i32 to vector<16xi32>
      %max3A_379 = arith.maxsi %max3A_378, %convert_element_type3A_375 : vector<16xi32>
      %min3A_380 = vector.broadcast %jit3A_377 : i32 to vector<16xi32>
      %min3A_381 = arith.minsi %min3A_380, %max3A_379 : vector<16xi32>
      %add3A_382 = arith.constant 255 : i32
      %add3A_383 = vector.broadcast %add3A_382 : i32 to vector<16xi32>
      %add3A_384 = arith.addi %add3A_383, %min3A_381 : vector<16xi32>
      %shift_left3A_385 = arith.constant 18 : i32
      %shift_left3A_386 = vector.broadcast %shift_left3A_385 : i32 to vector<16xi32>
      %shift_left3A_387 = arith.shli %shift_right_logical3A_326, %shift_left3A_386 : vector<16xi32>
      %shift_right_logical3A_388 = arith.constant 3 : i32
      %shift_right_logical3A_389 = vector.broadcast %shift_right_logical3A_388 : i32 to vector<16xi32>
      %shift_right_logical3A_390 = arith.shrui %sub3A_374, %shift_right_logical3A_389 : vector<16xi32>
      %shift_left3A_391 = arith.constant 12 : i32
      %shift_left3A_392 = vector.broadcast %shift_left3A_391 : i32 to vector<16xi32>
      %shift_left3A_393 = arith.shli %shift_right_logical3A_390, %shift_left3A_392 : vector<16xi32>
      %add3A_394 = arith.addi %shift_left3A_387, %shift_left3A_393 : vector<16xi32>
      %shift_right_logical3A_395 = arith.constant 7 : i32
      %shift_right_logical3A_396 = vector.broadcast %shift_right_logical3A_395 : i32 to vector<16xi32>
      %shift_right_logical3A_397 = arith.shrui %add3A_384, %shift_right_logical3A_396 : vector<16xi32>
      %shift_left3A_398 = arith.constant 10 : i32
      %shift_left3A_399 = vector.broadcast %shift_left3A_398 : i32 to vector<16xi32>
      %shift_left3A_400 = arith.shli %shift_right_logical3A_397, %shift_left3A_399 : vector<16xi32>
      %add3A_401 = arith.addi %add3A_394, %shift_left3A_400 : vector<16xi32>
      %and3A_402 = arith.constant 7 : i32
      %and3A_403 = vector.broadcast %and3A_402 : i32 to vector<16xi32>
      %and3A_404 = arith.andi %sub3A_374, %and3A_403 : vector<16xi32>
      %shift_left3A_405 = arith.constant 7 : i32
      %shift_left3A_406 = vector.broadcast %shift_left3A_405 : i32 to vector<16xi32>
      %shift_left3A_407 = arith.shli %and3A_404, %shift_left3A_406 : vector<16xi32>
      %add3A_408 = arith.addi %add3A_401, %shift_left3A_407 : vector<16xi32>
      %and3A_409 = arith.constant 127 : i32
      %and3A_410 = vector.broadcast %and3A_409 : i32 to vector<16xi32>
      %and3A_411 = arith.andi %add3A_384, %and3A_410 : vector<16xi32>
      %add3A_412 = arith.addi %add3A_408, %and3A_411 : vector<16xi32>
      %mul3A_413 = arith.constant 16 : i32
      %mul3A_414 = arith.muli %scan3A_317, %mul3A_413 : i32
      %add3A_415 = arith.constant 21504 : i32
      %add3A_416 = arith.addi %add3A_415, %mul3A_414 : i32
      %swap3A = arith.index_cast %add3A_416 : i32 to index
      %swap3A_417 = tpu.vector_load %arg5[%swap3A] {strides = array<i32>} : memref<24576xi32, #tpu.memory_space<vmem>>, vector<16xi32>,
      %swap3A_418 = vector.shape_cast %swap3A_417 : vector<16xi32> to vector<16xi32>
      %swap3A_419 = vector.shape_cast %add3A_412 : vector<16xi32> to vector<16xi32>
      tpu.vector_store %arg5[%swap3A], %swap3A_419 {strides = array<i32>} : memref<24576xi32, #tpu.memory_space<vmem>>, vector<16xi32>,
    }
    %scan3A_203 = arith.constant 96 : i32
    %dma_start3A_204 = arith.constant 21504 : i32
    %dma_start3A_205 = tpu.memref_slice %arg6[%dma_start3A_204] : memref<24576xf32, #tpu.memory_space<vmem>> -> memref<1536xf32, #tpu.memory_space<vmem>>
    %dma_start3A_206 = arith.constant 21504 : i32
    %dma_start3A_207 = tpu.memref_slice %arg5[%dma_start3A_206] : memref<24576xi32, #tpu.memory_space<vmem>> -> memref<1536xi32, #tpu.memory_space<vmem>>
    %dma_start3A_208 = arith.constant 0 : i32
    %dma_start3A_209 = tpu.memref_slice %arg2[%dma_start3A_208] : memref<786432xf32, #tpu.memory_space<hbm>> -> memref<786432xf32, #tpu.memory_space<hbm>>
    tpu.enqueue_indirect_dma source(%dma_start3A_209 : memref<786432xf32, #tpu.memory_space<hbm>>) target(%dma_start3A_205 : memref<1536xf32, #tpu.memory_space<vmem>>) offsets(%dma_start3A_207 : memref<1536xi32, #tpu.memory_space<vmem>>) semaphore(%arg8 : memref<!tpu.dma_semaphore, #tpu.memory_space<semaphore_mem>>)
    %scan3A_210 = arith.constant 0 : i32
    %scan3A_211 = arith.constant 0 : i32
    %scan3A_212 = arith.constant 96 : i32
    %scan3A_213 = arith.addi %scan3A_211, %scan3A_212 : i32
    %scan3A_214 = arith.constant 1 : i32
    scf.for %scan3A_317 = %scan3A_211 to %scan3A_213 step %scan3A_214  : i32 {
      %add3A_318 = arith.constant 23040 : i32
      %add3A_319 = arith.addi %mul3A_2, %add3A_318 : i32
      %mul3A_320 = arith.constant 16 : i32
      %mul3A_321 = arith.muli %scan3A_317, %mul3A_320 : i32
      %add3A_322 = arith.addi %add3A_319, %mul3A_321 : i32
      %add3A_323 = vector.broadcast %add3A_322 : i32 to vector<16xi32>
      %add3A_324 = arith.addi %add3A_323, %iota3A : vector<16xi32>
      %shift_right_logical3A = arith.constant 18 : i32
      %shift_right_logical3A_325 = vector.broadcast %shift_right_logical3A : i32 to vector<16xi32>
      %shift_right_logical3A_326 = arith.shrui %add3A_324, %shift_right_logical3A_325 : vector<16xi32>
      %and3A = arith.constant 262143 : i32
      %and3A_327 = vector.broadcast %and3A : i32 to vector<16xi32>
      %and3A_328 = arith.andi %add3A_324, %and3A_327 : vector<16xi32>
      %shift_right_logical3A_329 = arith.constant 10 : i32
      %shift_right_logical3A_330 = vector.broadcast %shift_right_logical3A_329 : i32 to vector<16xi32>
      %shift_right_logical3A_331 = arith.shrui %and3A_328, %shift_right_logical3A_330 : vector<16xi32>
      %shift_right_logical3A_332 = arith.constant 7 : i32
      %shift_right_logical3A_333 = vector.broadcast %shift_right_logical3A_332 : i32 to vector<16xi32>
      %shift_right_logical3A_334 = arith.shrui %and3A_328, %shift_right_logical3A_333 : vector<16xi32>
      %and3A_335 = arith.constant 7 : i32
      %and3A_336 = vector.broadcast %and3A_335 : i32 to vector<16xi32>
      %and3A_337 = arith.andi %shift_right_logical3A_334, %and3A_336 : vector<16xi32>
      %and3A_338 = arith.constant 127 : i32
      %and3A_339 = vector.broadcast %and3A_338 : i32 to vector<16xi32>
      %and3A_340 = arith.andi %and3A_328, %and3A_339 : vector<16xi32>
      %shift_right_logical3A_341 = arith.constant 2 : i32
      %shift_right_logical3A_342 = vector.broadcast %shift_right_logical3A_341 : i32 to vector<16xi32>
      %shift_right_logical3A_343 = arith.shrui %shift_right_logical3A_331, %shift_right_logical3A_342 : vector<16xi32>
      %shift_left3A = arith.constant 3 : i32
      %shift_left3A_344 = vector.broadcast %shift_left3A : i32 to vector<16xi32>
      %shift_left3A_345 = arith.shli %shift_right_logical3A_343, %shift_left3A_344 : vector<16xi32>
      %add3A_346 = arith.addi %shift_left3A_345, %and3A_337 : vector<16xi32>
      %and3A_347 = arith.constant 3 : i32
      %and3A_348 = vector.broadcast %and3A_347 : i32 to vector<16xi32>
      %and3A_349 = arith.andi %shift_right_logical3A_331, %and3A_348 : vector<16xi32>
      %shift_left3A_350 = arith.constant 7 : i32
      %shift_left3A_351 = vector.broadcast %shift_left3A_350 : i32 to vector<16xi32>
      %shift_left3A_352 = arith.shli %and3A_349, %shift_left3A_351 : vector<16xi32>
      %add3A_353 = arith.addi %shift_left3A_352, %and3A_340 : vector<16xi32>
      %sub3A = arith.constant 256 : i32
      %sub3A_354 = vector.broadcast %sub3A : i32 to vector<16xi32>
      %sub3A_355 = arith.subi %sub3A_354, %add3A_346 : vector<16xi32>
      %convert_element_type3A = arith.sitofp %sub3A_355 : vector<16xi32> to vector<16xf32>
      %sub3A_356 = arith.constant 256 : i32
      %sub3A_357 = vector.broadcast %sub3A_356 : i32 to vector<16xi32>
      %sub3A_358 = arith.subi %add3A_353, %sub3A_357 : vector<16xi32>
      %convert_element_type3A_359 = arith.sitofp %sub3A_358 : vector<16xi32> to vector<16xf32>
      %mul3A_360 = arith.mulf %get3A_6, %convert_element_type3A : vector<16xf32>
      %mul3A_361 = arith.mulf %get3A_11, %convert_element_type3A_359 : vector<16xf32>
      %add3A_362 = arith.addf %mul3A_360, %mul3A_361 : vector<16xf32>
      %add3A_363 = arith.addf %add3A_362, %get3A_16 : vector<16xf32>
      %mul3A_364 = arith.mulf %get3A_21, %convert_element_type3A : vector<16xf32>
      %mul3A_365 = arith.mulf %get3A_26, %convert_element_type3A_359 : vector<16xf32>
      %add3A_366 = arith.addf %mul3A_364, %mul3A_365 : vector<16xf32>
      %add3A_367 = arith.addf %add3A_366, %get3A_31 : vector<16xf32>
      %convert_element_type3A_368 = arith.fptosi %add3A_363 : vector<16xf32> to vector<16xi32>
      %jit3A = arith.constant -255 : i32
      %jit3A_369 = arith.constant 256 : i32
      %max3A = vector.broadcast %jit3A : i32 to vector<16xi32>
      %max3A_370 = arith.maxsi %max3A, %convert_element_type3A_368 : vector<16xi32>
      %min3A = vector.broadcast %jit3A_369 : i32 to vector<16xi32>
      %min3A_371 = arith.minsi %min3A, %max3A_370 : vector<16xi32>
      %sub3A_372 = arith.constant 256 : i32
      %sub3A_373 = vector.broadcast %sub3A_372 : i32 to vector<16xi32>
      %sub3A_374 = arith.subi %sub3A_373, %min3A_371 : vector<16xi32>
      %convert_element_type3A_375 = arith.fptosi %add3A_367 : vector<16xf32> to vector<16xi32>
      %jit3A_376 = arith.constant -255 : i32
      %jit3A_377 = arith.constant 256 : i32
      %max3A_378 = vector.broadcast %jit3A_376 : i32 to vector<16xi32>
      %max3A_379 = arith.maxsi %max3A_378, %convert_element_type3A_375 : vector<16xi32>
      %min3A_380 = vector.broadcast %jit3A_377 : i32 to vector<16xi32>
      %min3A_381 = arith.minsi %min3A_380, %max3A_379 : vector<16xi32>
      %add3A_382 = arith.constant 255 : i32
      %add3A_383 = vector.broadcast %add3A_382 : i32 to vector<16xi32>
      %add3A_384 = arith.addi %add3A_383, %min3A_381 : vector<16xi32>
      %shift_left3A_385 = arith.constant 18 : i32
      %shift_left3A_386 = vector.broadcast %shift_left3A_385 : i32 to vector<16xi32>
      %shift_left3A_387 = arith.shli %shift_right_logical3A_326, %shift_left3A_386 : vector<16xi32>
      %shift_right_logical3A_388 = arith.constant 3 : i32
      %shift_right_logical3A_389 = vector.broadcast %shift_right_logical3A_388 : i32 to vector<16xi32>
      %shift_right_logical3A_390 = arith.shrui %sub3A_374, %shift_right_logical3A_389 : vector<16xi32>
      %shift_left3A_391 = arith.constant 12 : i32
      %shift_left3A_392 = vector.broadcast %shift_left3A_391 : i32 to vector<16xi32>
      %shift_left3A_393 = arith.shli %shift_right_logical3A_390, %shift_left3A_392 : vector<16xi32>
      %add3A_394 = arith.addi %shift_left3A_387, %shift_left3A_393 : vector<16xi32>
      %shift_right_logical3A_395 = arith.constant 7 : i32
      %shift_right_logical3A_396 = vector.broadcast %shift_right_logical3A_395 : i32 to vector<16xi32>
      %shift_right_logical3A_397 = arith.shrui %add3A_384, %shift_right_logical3A_396 : vector<16xi32>
      %shift_left3A_398 = arith.constant 10 : i32
      %shift_left3A_399 = vector.broadcast %shift_left3A_398 : i32 to vector<16xi32>
      %shift_left3A_400 = arith.shli %shift_right_logical3A_397, %shift_left3A_399 : vector<16xi32>
      %add3A_401 = arith.addi %add3A_394, %shift_left3A_400 : vector<16xi32>
      %and3A_402 = arith.constant 7 : i32
      %and3A_403 = vector.broadcast %and3A_402 : i32 to vector<16xi32>
      %and3A_404 = arith.andi %sub3A_374, %and3A_403 : vector<16xi32>
      %shift_left3A_405 = arith.constant 7 : i32
      %shift_left3A_406 = vector.broadcast %shift_left3A_405 : i32 to vector<16xi32>
      %shift_left3A_407 = arith.shli %and3A_404, %shift_left3A_406 : vector<16xi32>
      %add3A_408 = arith.addi %add3A_401, %shift_left3A_407 : vector<16xi32>
      %and3A_409 = arith.constant 127 : i32
      %and3A_410 = vector.broadcast %and3A_409 : i32 to vector<16xi32>
      %and3A_411 = arith.andi %add3A_384, %and3A_410 : vector<16xi32>
      %add3A_412 = arith.addi %add3A_408, %and3A_411 : vector<16xi32>
      %mul3A_413 = arith.constant 16 : i32
      %mul3A_414 = arith.muli %scan3A_317, %mul3A_413 : i32
      %add3A_415 = arith.constant 23040 : i32
      %add3A_416 = arith.addi %add3A_415, %mul3A_414 : i32
      %swap3A = arith.index_cast %add3A_416 : i32 to index
      %swap3A_417 = tpu.vector_load %arg5[%swap3A] {strides = array<i32>} : memref<24576xi32, #tpu.memory_space<vmem>>, vector<16xi32>,
      %swap3A_418 = vector.shape_cast %swap3A_417 : vector<16xi32> to vector<16xi32>
      %swap3A_419 = vector.shape_cast %add3A_412 : vector<16xi32> to vector<16xi32>
      tpu.vector_store %arg5[%swap3A], %swap3A_419 {strides = array<i32>} : memref<24576xi32, #tpu.memory_space<vmem>>, vector<16xi32>,
    }
    %scan3A_215 = arith.constant 96 : i32
    %dma_start3A_216 = arith.constant 23040 : i32
    %dma_start3A_217 = tpu.memref_slice %arg6[%dma_start3A_216] : memref<24576xf32, #tpu.memory_space<vmem>> -> memref<1536xf32, #tpu.memory_space<vmem>>
    %dma_start3A_218 = arith.constant 23040 : i32
    %dma_start3A_219 = tpu.memref_slice %arg5[%dma_start3A_218] : memref<24576xi32, #tpu.memory_space<vmem>> -> memref<1536xi32, #tpu.memory_space<vmem>>
    %dma_start3A_220 = arith.constant 0 : i32
    %dma_start3A_221 = tpu.memref_slice %arg2[%dma_start3A_220] : memref<786432xf32, #tpu.memory_space<hbm>> -> memref<786432xf32, #tpu.memory_space<hbm>>
    tpu.enqueue_indirect_dma source(%dma_start3A_221 : memref<786432xf32, #tpu.memory_space<hbm>>) target(%dma_start3A_217 : memref<1536xf32, #tpu.memory_space<vmem>>) offsets(%dma_start3A_219 : memref<1536xi32, #tpu.memory_space<vmem>>) semaphore(%arg8 : memref<!tpu.dma_semaphore, #tpu.memory_space<semaphore_mem>>)
    %dma_wait3A = arith.constant 0 : i32
    %dma_wait3A_222 = tpu.memref_slice %arg6[%dma_wait3A] : memref<24576xf32, #tpu.memory_space<vmem>> -> memref<1536xf32, #tpu.memory_space<vmem>>
    %dma_wait3A_223 = arith.constant 0 : i32
    %dma_wait3A_224 = tpu.memref_slice %arg5[%dma_wait3A_223] : memref<24576xi32, #tpu.memory_space<vmem>> -> memref<1536xi32, #tpu.memory_space<vmem>>
    %dma_wait3A_225 = arith.constant 0 : i32
    %dma_wait3A_226 = tpu.memref_slice %arg2[%dma_wait3A_225] : memref<786432xf32, #tpu.memory_space<hbm>> -> memref<786432xf32, #tpu.memory_space<hbm>>
    tpu.wait_indirect_dma semaphore(%arg8 : memref<!tpu.dma_semaphore, #tpu.memory_space<semaphore_mem>>) src(%dma_wait3A_226 : memref<786432xf32, #tpu.memory_space<hbm>>) dst(%dma_wait3A_222 : memref<1536xf32, #tpu.memory_space<vmem>>)
    %dma_wait3A_227 = arith.constant 1536 : i32
    %dma_wait3A_228 = tpu.memref_slice %arg6[%dma_wait3A_227] : memref<24576xf32, #tpu.memory_space<vmem>> -> memref<1536xf32, #tpu.memory_space<vmem>>
    %dma_wait3A_229 = arith.constant 1536 : i32
    %dma_wait3A_230 = tpu.memref_slice %arg5[%dma_wait3A_229] : memref<24576xi32, #tpu.memory_space<vmem>> -> memref<1536xi32, #tpu.memory_space<vmem>>
    %dma_wait3A_231 = arith.constant 0 : i32
    %dma_wait3A_232 = tpu.memref_slice %arg2[%dma_wait3A_231] : memref<786432xf32, #tpu.memory_space<hbm>> -> memref<786432xf32, #tpu.memory_space<hbm>>
    tpu.wait_indirect_dma semaphore(%arg8 : memref<!tpu.dma_semaphore, #tpu.memory_space<semaphore_mem>>) src(%dma_wait3A_232 : memref<786432xf32, #tpu.memory_space<hbm>>) dst(%dma_wait3A_228 : memref<1536xf32, #tpu.memory_space<vmem>>)
    %dma_wait3A_233 = arith.constant 3072 : i32
    %dma_wait3A_234 = tpu.memref_slice %arg6[%dma_wait3A_233] : memref<24576xf32, #tpu.memory_space<vmem>> -> memref<1536xf32, #tpu.memory_space<vmem>>
    %dma_wait3A_235 = arith.constant 3072 : i32
    %dma_wait3A_236 = tpu.memref_slice %arg5[%dma_wait3A_235] : memref<24576xi32, #tpu.memory_space<vmem>> -> memref<1536xi32, #tpu.memory_space<vmem>>
    %dma_wait3A_237 = arith.constant 0 : i32
    %dma_wait3A_238 = tpu.memref_slice %arg2[%dma_wait3A_237] : memref<786432xf32, #tpu.memory_space<hbm>> -> memref<786432xf32, #tpu.memory_space<hbm>>
    tpu.wait_indirect_dma semaphore(%arg8 : memref<!tpu.dma_semaphore, #tpu.memory_space<semaphore_mem>>) src(%dma_wait3A_238 : memref<786432xf32, #tpu.memory_space<hbm>>) dst(%dma_wait3A_234 : memref<1536xf32, #tpu.memory_space<vmem>>)
    %dma_wait3A_239 = arith.constant 4608 : i32
    %dma_wait3A_240 = tpu.memref_slice %arg6[%dma_wait3A_239] : memref<24576xf32, #tpu.memory_space<vmem>> -> memref<1536xf32, #tpu.memory_space<vmem>>
    %dma_wait3A_241 = arith.constant 4608 : i32
    %dma_wait3A_242 = tpu.memref_slice %arg5[%dma_wait3A_241] : memref<24576xi32, #tpu.memory_space<vmem>> -> memref<1536xi32, #tpu.memory_space<vmem>>
    %dma_wait3A_243 = arith.constant 0 : i32
    %dma_wait3A_244 = tpu.memref_slice %arg2[%dma_wait3A_243] : memref<786432xf32, #tpu.memory_space<hbm>> -> memref<786432xf32, #tpu.memory_space<hbm>>
    tpu.wait_indirect_dma semaphore(%arg8 : memref<!tpu.dma_semaphore, #tpu.memory_space<semaphore_mem>>) src(%dma_wait3A_244 : memref<786432xf32, #tpu.memory_space<hbm>>) dst(%dma_wait3A_240 : memref<1536xf32, #tpu.memory_space<vmem>>)
    %dma_wait3A_245 = arith.constant 6144 : i32
    %dma_wait3A_246 = tpu.memref_slice %arg6[%dma_wait3A_245] : memref<24576xf32, #tpu.memory_space<vmem>> -> memref<1536xf32, #tpu.memory_space<vmem>>
    %dma_wait3A_247 = arith.constant 6144 : i32
    %dma_wait3A_248 = tpu.memref_slice %arg5[%dma_wait3A_247] : memref<24576xi32, #tpu.memory_space<vmem>> -> memref<1536xi32, #tpu.memory_space<vmem>>
    %dma_wait3A_249 = arith.constant 0 : i32
    %dma_wait3A_250 = tpu.memref_slice %arg2[%dma_wait3A_249] : memref<786432xf32, #tpu.memory_space<hbm>> -> memref<786432xf32, #tpu.memory_space<hbm>>
    tpu.wait_indirect_dma semaphore(%arg8 : memref<!tpu.dma_semaphore, #tpu.memory_space<semaphore_mem>>) src(%dma_wait3A_250 : memref<786432xf32, #tpu.memory_space<hbm>>) dst(%dma_wait3A_246 : memref<1536xf32, #tpu.memory_space<vmem>>)
    %dma_wait3A_251 = arith.constant 7680 : i32
    %dma_wait3A_252 = tpu.memref_slice %arg6[%dma_wait3A_251] : memref<24576xf32, #tpu.memory_space<vmem>> -> memref<1536xf32, #tpu.memory_space<vmem>>
    %dma_wait3A_253 = arith.constant 7680 : i32
    %dma_wait3A_254 = tpu.memref_slice %arg5[%dma_wait3A_253] : memref<24576xi32, #tpu.memory_space<vmem>> -> memref<1536xi32, #tpu.memory_space<vmem>>
    %dma_wait3A_255 = arith.constant 0 : i32
    %dma_wait3A_256 = tpu.memref_slice %arg2[%dma_wait3A_255] : memref<786432xf32, #tpu.memory_space<hbm>> -> memref<786432xf32, #tpu.memory_space<hbm>>
    tpu.wait_indirect_dma semaphore(%arg8 : memref<!tpu.dma_semaphore, #tpu.memory_space<semaphore_mem>>) src(%dma_wait3A_256 : memref<786432xf32, #tpu.memory_space<hbm>>) dst(%dma_wait3A_252 : memref<1536xf32, #tpu.memory_space<vmem>>)
    %dma_wait3A_257 = arith.constant 9216 : i32
    %dma_wait3A_258 = tpu.memref_slice %arg6[%dma_wait3A_257] : memref<24576xf32, #tpu.memory_space<vmem>> -> memref<1536xf32, #tpu.memory_space<vmem>>
    %dma_wait3A_259 = arith.constant 9216 : i32
    %dma_wait3A_260 = tpu.memref_slice %arg5[%dma_wait3A_259] : memref<24576xi32, #tpu.memory_space<vmem>> -> memref<1536xi32, #tpu.memory_space<vmem>>
    %dma_wait3A_261 = arith.constant 0 : i32
    %dma_wait3A_262 = tpu.memref_slice %arg2[%dma_wait3A_261] : memref<786432xf32, #tpu.memory_space<hbm>> -> memref<786432xf32, #tpu.memory_space<hbm>>
    tpu.wait_indirect_dma semaphore(%arg8 : memref<!tpu.dma_semaphore, #tpu.memory_space<semaphore_mem>>) src(%dma_wait3A_262 : memref<786432xf32, #tpu.memory_space<hbm>>) dst(%dma_wait3A_258 : memref<1536xf32, #tpu.memory_space<vmem>>)
    %dma_wait3A_263 = arith.constant 10752 : i32
    %dma_wait3A_264 = tpu.memref_slice %arg6[%dma_wait3A_263] : memref<24576xf32, #tpu.memory_space<vmem>> -> memref<1536xf32, #tpu.memory_space<vmem>>
    %dma_wait3A_265 = arith.constant 10752 : i32
    %dma_wait3A_266 = tpu.memref_slice %arg5[%dma_wait3A_265] : memref<24576xi32, #tpu.memory_space<vmem>> -> memref<1536xi32, #tpu.memory_space<vmem>>
    %dma_wait3A_267 = arith.constant 0 : i32
    %dma_wait3A_268 = tpu.memref_slice %arg2[%dma_wait3A_267] : memref<786432xf32, #tpu.memory_space<hbm>> -> memref<786432xf32, #tpu.memory_space<hbm>>
    tpu.wait_indirect_dma semaphore(%arg8 : memref<!tpu.dma_semaphore, #tpu.memory_space<semaphore_mem>>) src(%dma_wait3A_268 : memref<786432xf32, #tpu.memory_space<hbm>>) dst(%dma_wait3A_264 : memref<1536xf32, #tpu.memory_space<vmem>>)
    %dma_wait3A_269 = arith.constant 12288 : i32
    %dma_wait3A_270 = tpu.memref_slice %arg6[%dma_wait3A_269] : memref<24576xf32, #tpu.memory_space<vmem>> -> memref<1536xf32, #tpu.memory_space<vmem>>
    %dma_wait3A_271 = arith.constant 12288 : i32
    %dma_wait3A_272 = tpu.memref_slice %arg5[%dma_wait3A_271] : memref<24576xi32, #tpu.memory_space<vmem>> -> memref<1536xi32, #tpu.memory_space<vmem>>
    %dma_wait3A_273 = arith.constant 0 : i32
    %dma_wait3A_274 = tpu.memref_slice %arg2[%dma_wait3A_273] : memref<786432xf32, #tpu.memory_space<hbm>> -> memref<786432xf32, #tpu.memory_space<hbm>>
    tpu.wait_indirect_dma semaphore(%arg8 : memref<!tpu.dma_semaphore, #tpu.memory_space<semaphore_mem>>) src(%dma_wait3A_274 : memref<786432xf32, #tpu.memory_space<hbm>>) dst(%dma_wait3A_270 : memref<1536xf32, #tpu.memory_space<vmem>>)
    %dma_wait3A_275 = arith.constant 13824 : i32
    %dma_wait3A_276 = tpu.memref_slice %arg6[%dma_wait3A_275] : memref<24576xf32, #tpu.memory_space<vmem>> -> memref<1536xf32, #tpu.memory_space<vmem>>
    %dma_wait3A_277 = arith.constant 13824 : i32
    %dma_wait3A_278 = tpu.memref_slice %arg5[%dma_wait3A_277] : memref<24576xi32, #tpu.memory_space<vmem>> -> memref<1536xi32, #tpu.memory_space<vmem>>
    %dma_wait3A_279 = arith.constant 0 : i32
    %dma_wait3A_280 = tpu.memref_slice %arg2[%dma_wait3A_279] : memref<786432xf32, #tpu.memory_space<hbm>> -> memref<786432xf32, #tpu.memory_space<hbm>>
    tpu.wait_indirect_dma semaphore(%arg8 : memref<!tpu.dma_semaphore, #tpu.memory_space<semaphore_mem>>) src(%dma_wait3A_280 : memref<786432xf32, #tpu.memory_space<hbm>>) dst(%dma_wait3A_276 : memref<1536xf32, #tpu.memory_space<vmem>>)
    %dma_wait3A_281 = arith.constant 15360 : i32
    %dma_wait3A_282 = tpu.memref_slice %arg6[%dma_wait3A_281] : memref<24576xf32, #tpu.memory_space<vmem>> -> memref<1536xf32, #tpu.memory_space<vmem>>
    %dma_wait3A_283 = arith.constant 15360 : i32
    %dma_wait3A_284 = tpu.memref_slice %arg5[%dma_wait3A_283] : memref<24576xi32, #tpu.memory_space<vmem>> -> memref<1536xi32, #tpu.memory_space<vmem>>
    %dma_wait3A_285 = arith.constant 0 : i32
    %dma_wait3A_286 = tpu.memref_slice %arg2[%dma_wait3A_285] : memref<786432xf32, #tpu.memory_space<hbm>> -> memref<786432xf32, #tpu.memory_space<hbm>>
    tpu.wait_indirect_dma semaphore(%arg8 : memref<!tpu.dma_semaphore, #tpu.memory_space<semaphore_mem>>) src(%dma_wait3A_286 : memref<786432xf32, #tpu.memory_space<hbm>>) dst(%dma_wait3A_282 : memref<1536xf32, #tpu.memory_space<vmem>>)
    %dma_wait3A_287 = arith.constant 16896 : i32
    %dma_wait3A_288 = tpu.memref_slice %arg6[%dma_wait3A_287] : memref<24576xf32, #tpu.memory_space<vmem>> -> memref<1536xf32, #tpu.memory_space<vmem>>
    %dma_wait3A_289 = arith.constant 16896 : i32
    %dma_wait3A_290 = tpu.memref_slice %arg5[%dma_wait3A_289] : memref<24576xi32, #tpu.memory_space<vmem>> -> memref<1536xi32, #tpu.memory_space<vmem>>
    %dma_wait3A_291 = arith.constant 0 : i32
    %dma_wait3A_292 = tpu.memref_slice %arg2[%dma_wait3A_291] : memref<786432xf32, #tpu.memory_space<hbm>> -> memref<786432xf32, #tpu.memory_space<hbm>>
    tpu.wait_indirect_dma semaphore(%arg8 : memref<!tpu.dma_semaphore, #tpu.memory_space<semaphore_mem>>) src(%dma_wait3A_292 : memref<786432xf32, #tpu.memory_space<hbm>>) dst(%dma_wait3A_288 : memref<1536xf32, #tpu.memory_space<vmem>>)
    %dma_wait3A_293 = arith.constant 18432 : i32
    %dma_wait3A_294 = tpu.memref_slice %arg6[%dma_wait3A_293] : memref<24576xf32, #tpu.memory_space<vmem>> -> memref<1536xf32, #tpu.memory_space<vmem>>
    %dma_wait3A_295 = arith.constant 18432 : i32
    %dma_wait3A_296 = tpu.memref_slice %arg5[%dma_wait3A_295] : memref<24576xi32, #tpu.memory_space<vmem>> -> memref<1536xi32, #tpu.memory_space<vmem>>
    %dma_wait3A_297 = arith.constant 0 : i32
    %dma_wait3A_298 = tpu.memref_slice %arg2[%dma_wait3A_297] : memref<786432xf32, #tpu.memory_space<hbm>> -> memref<786432xf32, #tpu.memory_space<hbm>>
    tpu.wait_indirect_dma semaphore(%arg8 : memref<!tpu.dma_semaphore, #tpu.memory_space<semaphore_mem>>) src(%dma_wait3A_298 : memref<786432xf32, #tpu.memory_space<hbm>>) dst(%dma_wait3A_294 : memref<1536xf32, #tpu.memory_space<vmem>>)
    %dma_wait3A_299 = arith.constant 19968 : i32
    %dma_wait3A_300 = tpu.memref_slice %arg6[%dma_wait3A_299] : memref<24576xf32, #tpu.memory_space<vmem>> -> memref<1536xf32, #tpu.memory_space<vmem>>
    %dma_wait3A_301 = arith.constant 19968 : i32
    %dma_wait3A_302 = tpu.memref_slice %arg5[%dma_wait3A_301] : memref<24576xi32, #tpu.memory_space<vmem>> -> memref<1536xi32, #tpu.memory_space<vmem>>
    %dma_wait3A_303 = arith.constant 0 : i32
    %dma_wait3A_304 = tpu.memref_slice %arg2[%dma_wait3A_303] : memref<786432xf32, #tpu.memory_space<hbm>> -> memref<786432xf32, #tpu.memory_space<hbm>>
    tpu.wait_indirect_dma semaphore(%arg8 : memref<!tpu.dma_semaphore, #tpu.memory_space<semaphore_mem>>) src(%dma_wait3A_304 : memref<786432xf32, #tpu.memory_space<hbm>>) dst(%dma_wait3A_300 : memref<1536xf32, #tpu.memory_space<vmem>>)
    %dma_wait3A_305 = arith.constant 21504 : i32
    %dma_wait3A_306 = tpu.memref_slice %arg6[%dma_wait3A_305] : memref<24576xf32, #tpu.memory_space<vmem>> -> memref<1536xf32, #tpu.memory_space<vmem>>
    %dma_wait3A_307 = arith.constant 21504 : i32
    %dma_wait3A_308 = tpu.memref_slice %arg5[%dma_wait3A_307] : memref<24576xi32, #tpu.memory_space<vmem>> -> memref<1536xi32, #tpu.memory_space<vmem>>
    %dma_wait3A_309 = arith.constant 0 : i32
    %dma_wait3A_310 = tpu.memref_slice %arg2[%dma_wait3A_309] : memref<786432xf32, #tpu.memory_space<hbm>> -> memref<786432xf32, #tpu.memory_space<hbm>>
    tpu.wait_indirect_dma semaphore(%arg8 : memref<!tpu.dma_semaphore, #tpu.memory_space<semaphore_mem>>) src(%dma_wait3A_310 : memref<786432xf32, #tpu.memory_space<hbm>>) dst(%dma_wait3A_306 : memref<1536xf32, #tpu.memory_space<vmem>>)
    %dma_wait3A_311 = arith.constant 23040 : i32
    %dma_wait3A_312 = tpu.memref_slice %arg6[%dma_wait3A_311] : memref<24576xf32, #tpu.memory_space<vmem>> -> memref<1536xf32, #tpu.memory_space<vmem>>
    %dma_wait3A_313 = arith.constant 23040 : i32
    %dma_wait3A_314 = tpu.memref_slice %arg5[%dma_wait3A_313] : memref<24576xi32, #tpu.memory_space<vmem>> -> memref<1536xi32, #tpu.memory_space<vmem>>
    %dma_wait3A_315 = arith.constant 0 : i32
    %dma_wait3A_316 = tpu.memref_slice %arg2[%dma_wait3A_315] : memref<786432xf32, #tpu.memory_space<hbm>> -> memref<786432xf32, #tpu.memory_space<hbm>>
    tpu.wait_indirect_dma semaphore(%arg8 : memref<!tpu.dma_semaphore, #tpu.memory_space<semaphore_mem>>) src(%dma_wait3A_316 : memref<786432xf32, #tpu.memory_space<hbm>>) dst(%dma_wait3A_312 : memref<1536xf32, #tpu.memory_space<vmem>>)
    "tpu.region"() ({
      %run_scoped3A = tpu.sem_alloc : memref<!tpu.dma_semaphore, #tpu.memory_space<semaphore_mem>>
      %dma_start3A_317 = tpu.memref_slice %arg4[%mul3A_2] : memref<786432xf32, #tpu.memory_space<hbm>> -> memref<24576xf32, #tpu.memory_space<hbm>>
      %dma_start3A_318 = tpu.memref_slice %arg4[%mul3A_2] : memref<786432xf32, #tpu.memory_space<hbm>> -> memref<24576xf32, #tpu.memory_space<hbm>>
      tpu.enqueue_dma source(%arg6 : memref<24576xf32, #tpu.memory_space<vmem>>) target(%dma_start3A_318 : memref<24576xf32, #tpu.memory_space<hbm>>) target_semaphore(%run_scoped3A : memref<!tpu.dma_semaphore, #tpu.memory_space<semaphore_mem>>)
      %dma_wait3A_319 = tpu.memref_slice %arg4[%mul3A_2] : memref<786432xf32, #tpu.memory_space<hbm>> -> memref<24576xf32, #tpu.memory_space<hbm>>
      %dma_wait3A_320 = tpu.memref_slice %arg4[%mul3A_2] : memref<786432xf32, #tpu.memory_space<hbm>> -> memref<24576xf32, #tpu.memory_space<hbm>>
      tpu.wait_dma2 semaphore(%run_scoped3A : memref<!tpu.dma_semaphore, #tpu.memory_space<semaphore_mem>>) src(%arg6 : memref<24576xf32, #tpu.memory_space<vmem>>) dst(%dma_wait3A_320 : memref<24576xf32, #tpu.memory_space<hbm>>)
      tpu.yield
    }) : () -> ()
    return
  }
}

</mosaic_0001>

<sc_bundles>
// kernel: kernel.3.cloned.1.call-start
scs
__scs_entry_jumppad:
0x0: {  	(pc) =	sbr.rel $0x88, $3  }
0x1: {  	(tag) =	ssettag $0x0;
	lr =	simm.s32 $0x1  }
0x2: {  	[smem:$0x3FA0] =	sst lr;
	_ =	strace $0xD0000000  }
0x3: {  	_ = 	snop  }
0x4: {  	_ = 	snop  }
0x5: {  	_ = 	snop  }
0x6: {  	_ = 	snop  }
0x7: {  	_ = 	snop  }
__scs_overlays_trampoline_lowered:
0x8: {  	[smem:$0x3FAF] =	sst s0  }
0x9: {  	[smem:$0x3FB0] =	sst s1  }
0xa: {  	[smem:$0x3FB1] =	sst s2  }
0xb: {  	[smem:$0x3FB2] =	sst s3  }
0xc: {  	[smem:$0x3FB3] =	sst s4  }
0xd: {  	[smem:$0x3FB4] =	sst s5  }
0xe: {  	[smem:$0x3FB5] =	sst s6  }
0xf: {  	[smem:$0x3FB6] =	sst s7  }
0x10: {  	[smem:$0x3FB7] =	sst s8  }
0x11: {  	[smem:$0x3FB8] =	sst s9;
	s0 =	simm.s32 @!p0 $0x0  }
0x12: {  	s1 =	sld [smem:$0x3F9E];
	s0 =	simm.s32 @p0 $0x1  }
0x13: {  	[smem:$0x3FB9] =	sst s0;
	s0 =	simm.s32 @!p1 $0x0  }
0x14: {  	s2 =	sld [smem:$0x3F9D];
	s0 =	simm.s32 @p1 $0x1  }
0x15: {  	[smem:$0x3FBA] =	sst s0;
	s0 =	simm.s32 @!p2 $0x0  }
0x16: {  	s3 =	sld [smem:$0x3FDB];
	s0 =	simm.s32 @p2 $0x1  }
0x17: {  	s4 =	simm.s32 $0x1BF5;
	[smem:$0x3FBC] =	sst s0  }
0x18: {  	s0 =	sld [smem:$0x3F9F];
	_ =	swait.ge [sflag:s4], $0x0  }
0x19: {  	s7 =	sld [smem:$0x3FA0]  }
0x1a: {  	s8 =	sadd.s32 $0xFFFFE003, lr  }
0x1b: {  	s9 =	sadd.s32 $0xFFFFFEF7, lr;
	s5 =	simm.s32 $0xFFFFFFFF;
	p2 =	slt.u32 s8, $0xFFFFF086  }
0x1c: {  	p1 =	slt.u32 s9, $0xF7A;
	s5 =	simm.s32 @!p2 $0x0  }
0x1d: {  	s5 =	simm.s32 @p1 $0x1;
	p0 =	seq.s32 s7, s2  }
0x1e: {  	s7 =	smul.u32 @!p0 $0xF7A, s2;
	p2 =	seq.s32 @!p0 s5, $0x0  }
0x1f: {  	s9 =	smul.u32 $0xF7A, s1;
	s8 =	simm.s32 @!p0 $0x1BF5;
	p2 =	por !p2, p0  }
0x20: {  	[sflag:s8] =	ssyncset.s32 @!p0 $0xFFFFF086;
	s6 =	sadd.s32 @!p0 s3, s7;
	s7 =	simm.s32 @!p0 $0x108  }
0x21: {  	s3 =	sadd.s32 s3, s9;
	s6 =	sadd.s32 @!p0 $0x88, s6;
	s7 =	simm.s32 @p2 $0x1082  }
0x22: {  	[simem:s7], [sflag:s8] =	dma.local @!p0 [hbm:s6], $0xF7A  }
0x23: {  	s9 =	sor.u32 $0xD0000000, s2;
	s6 =	simm.s32 $0x108;
	_ =	swait.ge @!p0 [sflag:s8], $0x0  }
0x24: {  	s3 =	sadd.s32 $0x88, s3;
	s6 =	simm.s32 @!p1 $0x1082;
	[sflag:s4] =	ssyncset.s32 $0xFFFFF086  }
0x25: {  	[simem:s6], [sflag:s4] =	dma.local [hbm:s3], $0xF7A  }
0x26: {  	[smem:$0x3FA0] =	sst s1;
	(tag) =	ssettag s2;
	_ =	strace s9  }
0x27: {  	s1 =	sld [smem:$0x3FB0]  }
0x28: {  	s2 =	sld [smem:$0x3FB1]  }
0x29: {  	s4 =	sld [smem:$0x3FB3]  }
0x2a: {  	p0 =	seq.s32 s5, $0x0;
	s5 =	sld [smem:$0x3FB4]  }
0x2b: {  	s6 =	sld [smem:$0x3FB5]  }
0x2c: {  	s7 =	sld [smem:$0x3FB6]  }
0x2d: {  	s3 =	simm.s32 $0x108;
	s8 =	sld [smem:$0x3FB7]  }
0x2e: {  	s3 =	simm.s32 @!p0 $0x1082;
	s9 =	sld [smem:$0x3FB8]  }
0x2f: {  	lr =	sadd.s32 s0, s3;
	s0 =	sld [smem:$0x3FAF]  }
0x30: {  	s3 =	sld [smem:$0x3FB2]  }
0x31: {  	[smem:$0x3FBB] =	sst s10  }
0x32: {  	s10 =	sld [smem:$0x3FB9];
	_ =	sdelay $0x3  }
0x33: {  	p0 =	seq.s32 s10, $0x1;
	s10 =	sld [smem:$0x3FBB];
	_ =	sdelay $0x3  }
0x34: {  	[smem:$0x3FBB] =	sst s10  }
0x35: {  	s10 =	sld [smem:$0x3FBA];
	_ =	sdelay $0x3  }
0x36: {  	p1 =	seq.s32 s10, $0x1;
	s10 =	sld [smem:$0x3FBB];
	_ =	sdelay $0x3  }
0x37: {  	[smem:$0x3FBB] =	sst s10  }
0x38: {  	s10 =	sld [smem:$0x3FBC]  }
0x39: {  	_ = 	snop;
	(pc) =	sbr.ind lr, $3  }
0x3a: {  	_ = 	snop  }
0x3b: {  	_ = 	snop  }
0x3c: {  	p2 =	seq.s32 s10, $0x1;
	s10 =	sld [smem:$0x3FBB]  }
0x3d: {  	_ =	shalt  }
0x3e: {  	_ =	shalt  }
0x3f: {  	_ =	shalt  }
0x40: {  	_ =	shalt  }
0x41: {  	_ =	shalt  }
0x42: {  	_ =	shalt  }
0x43: {  	_ =	shalt  }
0x44: {  	_ =	shalt  }
0x45: {  	_ =	shalt  }
0x46: {  	_ =	shalt  }
0x47: {  	_ =	shalt  }
0x48: {  	_ =	shalt  }
0x49: {  	_ =	shalt  }
0x4a: {  	_ =	shalt  }
0x4b: {  	_ =	shalt  }
0x4c: {  	_ =	shalt  }
0x4d: {  	_ =	shalt  }
0x4e: {  	_ =	shalt  }
0x4f: {  	_ =	shalt  }
0x50: {  	_ =	shalt  }
0x51: {  	_ =	shalt  }
0x52: {  	_ =	shalt  }
0x53: {  	_ =	shalt  }
0x54: {  	_ =	shalt  }
0x55: {  	_ =	shalt  }
0x56: {  	_ =	shalt  }
0x57: {  	_ =	shalt  }
0x58: {  	_ =	shalt  }
0x59: {  	_ =	shalt  }
0x5a: {  	_ =	shalt  }
0x5b: {  	_ =	shalt  }
0x5c: {  	_ =	shalt  }
0x5d: {  	_ =	shalt  }
0x5e: {  	_ =	shalt  }
0x5f: {  	_ =	shalt  }
0x60: {  	_ =	shalt  }
0x61: {  	_ =	shalt  }
0x62: {  	_ =	shalt  }
0x63: {  	_ =	shalt  }
0x64: {  	_ =	shalt  }
0x65: {  	_ =	shalt  }
0x66: {  	_ =	shalt  }
0x67: {  	_ =	shalt  }
0x68: {  	_ =	shalt  }
0x69: {  	_ =	shalt  }
0x6a: {  	_ =	shalt  }
0x6b: {  	_ =	shalt  }
0x6c: {  	_ =	shalt  }
0x6d: {  	_ =	shalt  }
0x6e: {  	_ =	shalt  }
0x6f: {  	_ =	shalt  }
0x70: {  	_ =	shalt  }
0x71: {  	_ =	shalt  }
0x72: {  	_ =	shalt  }
0x73: {  	_ =	shalt  }
0x74: {  	_ =	shalt  }
0x75: {  	_ =	shalt  }
0x76: {  	_ =	shalt  }
0x77: {  	_ =	shalt  }
0x78: {  	_ =	shalt  }
0x79: {  	_ =	shalt  }
0x7a: {  	_ =	shalt  }
0x7b: {  	_ =	shalt  }
0x7c: {  	_ =	shalt  }
0x7d: {  	_ =	shalt  }
0x7e: {  	_ =	shalt  }
0x7f: {  	_ =	shalt  }
0x80: {  	_ =	shalt  }
0x81: {  	_ =	shalt  }
0x82: {  	_ =	shalt  }
0x83: {  	_ =	shalt  }
0x84: {  	_ =	shalt  }
0x85: {  	_ =	shalt  }
0x86: {  	_ =	shalt  }
0x87: {  	_ =	shalt  }
.Lfunc_end0:
.L_simem_size_0:
called_computation_lowered:
.L_overlay_start_0:
0x88: {  	s2 =	sld [smem:$0x3FD9]  }
0x89: {  	s3 =	sld [smem:$0x3FFE];
	_ =	sdelay $0x1  }
0x8a: {  	s1 =	srdreg.scid  }
0x8b: {  	s0 =	sand.u32 $0x1, s1  }
0x8c: {  	s17 =	sshll.u32 s0, $0xA;
	s2 =	sadd.s32 s3, s2  }
0x8d: {  	s2 =	sadd.s32 s2, s17  }
0x8e: {  	[smem:$0x3FC7] =	sst s2  }
0x8f: {  	_ = 	snop  }
0x90: {  	s2 =	sld [smem:$0x3FC9]  }
0x91: {  	s18 =	sld [smem:$0x3FD0];
	(tm) =	ssettm $0x1  }
0x92: {  	s4 =	sld [smem:$0x3FFB];
	_ =	sdelay $0x3  }
0x93: {  	_ =	strace s4  }
0x94: {  	s4 =	sld [smem:$0x3FFC];
	_ =	sdelay $0x3  }
0x95: {  	_ =	strace s4  }
0x96: {  	s4 =	sld [smem:$0x3FFD];
	_ =	sdelay $0x3  }
0x97: {  	_ =	strace s4  }
0x98: {  	_ =	strace $0x8FFFFFFF  }
0x99: {  	s19 =	sld [smem:$0x3FDB];
	_ =	sdelay $0x1  }
0x9a: {  	s5 =	simm.s32 $_scs_section_size  }
0x9b: {  	s6 =	simm.s32 $_size__tile_overlayer_lowered;
	s7 =	simm.s32 $_tile_overlayer_lowered  }
0x9c: {  	s22 =	simm.s32 $0x1BFF;
	s21 =	sshll.u32 s7, $0x1;
	s4 =	sadd.s32 s5, s19  }
0x9d: {  	s8 =	simm.s32 $0x0;
	s20 =	sshll.u32 s6, $0x1;
	s6 =	sadd.s32 s21, s4  }
0x9e: {  	[timem:s8], [sflag:s22] =	dma.local [hbm:s6], s20  }
0x9f: {  	_ =	swait.ge [sflag:s22], s20  }
0xa0: {  	s5 =	ssub.s32 $0x0, s20;
	[sflag:s22] =	ssyncset.done $0x0  }
0xa1: {  	[sflag:s22] =	ssyncadd.s32 s5;
	_ =	sdelay $0x1  }
0xa2: {  	s23 =	simm.s32 $0x1B8B  }
0xa3: {  	_ =	swait.ge [sflag:s23], $0x1  }
0xa4: {  	[sflag:s23] =	ssyncset.done $0x0  }
0xa5: {  	s25 =	simm.s32 $0x1B8E;
	s24 =	sld [smem:$0x3FFE];
	[sflag:s23] =	ssyncadd.s32 $0xFFFFFFFF  }
0xa6: {  	s26 =	simm.s32 $execute0_lowered;
	[smem:$0x3FD2] =	sst s25  }
0xa7: {  	s6 =	sshll.u32 s26, $0x1;
	_ =	strace $0x80000046;
	[dreg:$0x1] =	wrdreg $0xFFFFFFFF  }
0xa8: {  	s28 =	simm.s32 $_size_execute0_lowered;
	s4 =	sadd.s32 s4, s6;
	[dreg:$0x0] =	wrdreg $0x0  }
0xa9: {  	s6 =	sshll.u32 s28, $0x1;
	[dreg:$0x2] =	wrdreg s4  }
0xaa: {  	[dreg:$0x3] =	wrdreg s6  }
0xab: {  	[dreg:$0x4] =	wrdreg $0xC0  }
0xac: {  	_ =	task [dreg:s8], $0x5FFFF  }
0xad: {  	[dreg:$0x1] =	wrdreg $0xFFFFFFFF  }
0xae: {  	[dreg:$0x0] =	wrdreg $0x60  }
0xaf: {  	[dreg:$0x2] =	wrdreg s2  }
0xb0: {  	[dreg:$0x3] =	wrdreg s24  }
0xb1: {  	[dreg:$0x4] =	wrdreg s18  }
0xb2: {  	[dreg:$0x5] =	wrdreg $0x9  }
0xb3: {  	_ =	task.clear_ibuf [dreg:s8], $0x6FFFF;
	_ =	strace $0x90000046  }
0xb4: {  	s29 =	simm.s32 $0x9;
	_ =	strace $0x80000048  }
0xb5: {  	_ =	swait.ge [sflag:s29], $0x1  }
0xb6: {  	[sflag:s29] =	ssyncadd.s32 $0xFFFFFFFF  }
0xb7: {  	_ =	strace $0x90000048  }
0xb8: {  	_ =	sfence  }
0xb9: {  	s30 =	sld [smem:$0x0];
	_ =	sdelay $0x2  }
0xba: {  	s31 =	sshll.u32 s1, $0xD;
	s1 =	sshrl.u32 s1, $0x2  }
0xbb: {  	s3 =	sand.u32 $0x4000, s31;
	s1 =	sadd.s32 s1, s30  }
0xbc: {  	s0 =	sor.u32 s3, s0;
	s1 =	sshll.u32 s1, $0x11  }
0xbd: {  	s0 =	sor.u32 s1, s0  }
0xbe: {  	s0 =	sadd.s32 $0x8F2B, s0  }
0xbf: {  	[sflag:s0] =	ssyncadd.remote.s32 $0x1  }
0xc0: {  	_ =	sfence.sel $0xFFFF  }
0xc1: {  	[dreg:$0x0] =	wrdreg $0xFFFFFFFF;
	(pc) =	sbr.abs _section_cstart, $3  }
0xc2: {  	[dreg:$0x1] =	wrdreg $0xFFFFFFFF  }
0xc3: {  	_ =	task.clear_ibuf [dreg:s8], $0x2FFFF;
	_ =	strace $0x9FFFFFFF  }
0xc4: {  	(tm) =	ssettm $0x7FFFFFFF  }
0xc5: {  	_ =	shalt  }
tec
execute0_lowered:
.L_overlay_start_1:
0x0: {  	(tag) =	ssettag $0x1  }
0x1: {  	s0 =	srdreg.scid;
	s1 =	rddreg [dreg:$0x0]  }
0x2: {  	s5 =	stileid.u32;
	s3 =	rddreg [dreg:$0x2];
	s4 =	simm.s32 $0x0  }
0x3: {  	s24 =	simm.s32 $0x2;
	s25 =	simm.s32 $0x600;
	s26 =	simm.s32 $0x6000  }
0x4: {  	s0 =	sand.u32 $0x1, s0;
	s2 =	sshll.u32 s5, $0x1;
	s6 =	smul.u32 $0xC000, s5  }
0x5: {  	s2 =	sor.u32 s0, s2;
	s31 =	ssub.s32 $0x2, s0;
	s0 =	smul.u32 $0x6000, s0  }
0x6: {  	[smem:$0x7FF] =	sst s4;
	s2 =	smul.u32 $0x6000, s2;
	s7 =	sshrl.u32 s31, $0x1  }
0x7: {  	_ =	strace $0x80000047;
	s7 =	ssub.s32 s31, s7;
	s6 =	sadd.s32 s0, s6  }
0x8: {  	s0 =	simm.s32 $0x1;
	s2 =	sshrl.u32 s2, $0x3;
	s7 =	smax.u32 s7, $0x1  }
0x9: {  	s8 =	sor.u32 $0x600, s6;
	s9 =	sor.u32 $0xC00, s6;
	s10 =	sor.u32 $0x1200, s6  }
0xa: {  	s11 =	sor.u32 $0x1800, s6;
	s12 =	sor.u32 $0x1E00, s6;
	s13 =	sadd.s32 $0x2400, s6  }
0xb: {  	s14 =	sadd.s32 $0x2A00, s6;
	s15 =	sadd.s32 $0x3000, s6;
	s16 =	sadd.s32 $0x3600, s6  }
0xc: {  	s17 =	sadd.s32 $0x3C00, s6;
	s18 =	sadd.s32 $0x4200, s6;
	s19 =	sadd.s32 $0x4800, s6  }
0xd: {  	s20 =	sadd.s32 $0x4E00, s6;
	s21 =	sadd.s32 $0x5400, s6;
	s22 =	sadd.s32 $0x5A00, s6  }
0xe: {  	v0 =	vlaneseq.u32;
	s5 =	sadd.s32 s3, s2;
	s2 =	simm.s32 $0xBA00;
	s3 =	simm.s32 $0x0  }
.LBB2_1:
0xf: {  	s23 =	rddreg [dreg:$0x1];
	s28 =	simm.s32 $0xC000  }
0x10: {  	[tilespmem:s28], [sflag:$0x2] =	stream.linear.gather [hbm4b:s23+s4], $0x60, $0x38;
	[tilespmem:$0xC060] =	vst v63  }
0x11: {  	_ =	swait.ge [sflag:s24], $0x60  }
0x12: {  	[sflag:s24] =	ssyncset.done $0x0  }
0x13: {  	v8 =	vmov s6;
	[sflag:s24] =	ssyncadd.s32 $0xFFFFFFA0  }
0x14: {  	v3 =	vor.u32 s6, v0;
	v4 =	vshrl.u32 v8, $0x7;
	v1 =	vld [tilespmem:$0xC000]  }
0x15: {  	v6 =	vand.u32 $0x7F, v3;
	v5 =	vshrl.u32 v8, $0x9;
	v7 =	vshrl.u32 v8, $0x3;
	v2 =	vld [tilespmem:$0xC010]  }
0x16: {  	v4 =	vand.u32 $0x7, v4;
	v9 =	vand.u32 $0x1F8, v5;
	v7 =	vand.u32 $0x180, v7;
	v3 =	vld [tilespmem:$0xC030]  }
0x17: {  	v4 =	vor.u32 v9, v4;
	v6 =	vor.u32 v6, v7;
	v5 =	vld [tilespmem:$0xC040]  }
0x18: {  	v4 =	vsub.s32 $0x100, v4;
	v6 =	vadd.s32 $0xFFFFFF00, v6  }
0x19: {  	v7 =	vcvt.s32.f32 v4;
	v9 =	vcvt.s32.f32 v6  }
0x1a: {  	v4 =	vld [tilespmem:$0xC020]  }
0x1b: {  	v6 =	vld [tilespmem:$0xC050];
	v10 =	vmul.f32 v7, v1;
	v11 =	vmul.f32 v9, v2  }
0x1c: {  	v12 =	vmul.f32 v7, v3;
	v9 =	vmul.f32 v9, v5  }
0x1d: {  	s29 =	sadd.s32 $0x10, s6  }
0x1e: {  	v7 =	vmov s29;
	v10 =	vadd.f32 v11, v10;
	v9 =	vadd.f32 v9, v12  }
0x1f: {  	v13 =	vor.u32 s29, v0;
	v14 =	vshrl.u32 v7, $0x3;
	v11 =	vshrl.u32 v7, $0x7  }
0x20: {  	v12 =	vand.u32 $0x7F, v13;
	v10 =	vadd.f32 v10, v4;
	v9 =	vadd.f32 v9, v6  }
0x21: {  	v13 =	vshrl.u32 v7, $0x9;
	v14 =	vand.u32 $0x180, v14;
	v11 =	vand.u32 $0x7, v11  }
0x22: {  	v13 =	vand.u32 $0x1F8, v13;
	v10 =	vtrunc.f32 v10;
	v9 =	vtrunc.f32 v9  }
0x23: {  	v11 =	vor.u32 v13, v11;
	v10 =	vcvt.f32.s32 v10;
	v13 =	vcvt.f32.s32 v9  }
0x24: {  	v8 =	vand.u32 $0x7FFC0000, v8;
	v9 =	vsub.s32 $0x100, v11;
	v11 =	vor.u32 v12, v14  }
0x25: {  	v12 =	vadd.s32 $0xFFFFFF00, v11;
	vm0 =	vgt.s32 v10, $0xFFFFFF01;
	vm1 =	vgt.s32 v13, $0xFFFFFF01  }
0x26: {  	s30 =	simm.s32 $0x80;
	s23 =	simm.s32 $0x40;
	s28 =	simm.s32 $0x0;
	v9 =	vcvt.s32.f32 v9;
	v10 =	vnsel vm0, $0xFFFFFF01, v10;
	v11 =	vnsel vm1, $0xFFFFFF01, v13  }
.LBB2_2:
0x27: {  	p0 =	sne.s32 s30, $0x17C0;
	v12 =	vcvt.s32.f32 v12;
	vm0 =	vlt.s32 v10, $0x100;
	vm1 =	vlt.s32 v11, $0x100  }
0x28: {  	v13 =	vmul.f32 v9, v1;
	v10 =	vnsel vm0, $0x100, v10;
	v11 =	vnsel vm1, $0x100, v11  }
0x29: {  	v14 =	vmul.f32 v12, v2;
	v10 =	vsub.s32 $0x100, v10;
	v11 =	vadd.s32 $0xFF, v11  }
0x2a: {  	v9 =	vmul.f32 v9, v3;
	v15 =	vshll.u32 v10, $0x9;
	v16 =	vand.u32 $0x7F, v11  }
0x2b: {  	v11 =	vshll.u32 v11, $0x3;
	v15 =	vand.u32 $0x7FFFF000, v15;
	v8 =	vor.u32 v8, v16  }
0x2c: {  	v10 =	vshll.u32 v10, $0x7;
	v11 =	vand.u32 $0x7FFFFC00, v11;
	v8 =	vadd.s32 v15, v8  }
0x2d: {  	s29 =	sadd.s32 $0x10, s29;
	v12 =	vmul.f32 v12, v5;
	v10 =	vand.u32 $0x380, v10;
	v8 =	vadd.s32 v11, v8  }
0x2e: {  	s31 =	sshra.s32 s28, $0x2;
	s28 =	smov.u32 s23;
	s23 =	smov.u32 s30;
	v11 =	vor.u32 s29, v0;
	v8 =	vor.u32 v10, v8  }
0x2f: {  	v13 =	vadd.f32 v14, v13;
	v9 =	vadd.f32 v12, v9;
	v10 =	vmov s29;
	[tilespmem:s31+$0x0] =	vst v8  }
0x30: {  	v11 =	vand.u32 $0x7F, v11;
	v8 =	vshrl.u32 v10, $0x7  }
0x31: {  	v13 =	vadd.f32 v13, v4;
	v9 =	vadd.f32 v9, v6;
	v12 =	vshrl.u32 v10, $0x9  }
0x32: {  	v14 =	vshrl.u32 v10, $0x3;
	v8 =	vand.u32 $0x7, v8;
	v12 =	vand.u32 $0x1F8, v12  }
.Ltmp0:
0x33: {  	v13 =	vtrunc.f32 v13;
	v9 =	vtrunc.f32 v9;
	v14 =	vand.u32 $0x180, v14;
	(pc) =	sbr.rel @p0 .LBB2_2-.Ltmp0, $4  }
0x34: {  	v13 =	vcvt.f32.s32 v13;
	v15 =	vcvt.f32.s32 v9;
	v8 =	vor.u32 v12, v8  }
0x35: {  	v11 =	vor.u32 v11, v14;
	v9 =	vsub.s32 $0x100, v8;
	v8 =	vand.u32 $0x7FFC0000, v7;
	v7 =	vmovc v10  }
0x36: {  	v12 =	vadd.s32 $0xFFFFFF00, v11;
	vm0 =	vgt.s32 v13, $0xFFFFFF01;
	vm1 =	vgt.s32 v15, $0xFFFFFF01  }
0x37: {  	s30 =	sadd.s32 $0x40, s30;
	v9 =	vcvt.s32.f32 v9;
	v10 =	vnsel vm0, $0xFFFFFF01, v13;
	v11 =	vnsel vm1, $0xFFFFFF01, v15  }
0x38: {  	v12 =	vcvt.s32.f32 v12  }
0x39: {  	vm0 =	vlt.s32 v10, $0x100;
	v13 =	vmul.f32 v9, v1;
	v9 =	vmul.f32 v9, v3  }
0x3a: {  	vm1 =	vlt.s32 v11, $0x100;
	v14 =	vmul.f32 v12, v2;
	v12 =	vmul.f32 v12, v5  }
0x3b: {  	v10 =	vnsel vm0, $0x100, v10;
	v11 =	vnsel vm1, $0x100, v11  }
0x3c: {  	v11 =	vadd.s32 $0xFF, v11;
	v13 =	vadd.f32 v14, v13;
	v9 =	vadd.f32 v12, v9  }
0x3d: {  	v10 =	vsub.s32 $0x100, v10;
	v14 =	vand.u32 $0x7F, v11;
	v11 =	vshll.u32 v11, $0x3  }
0x3e: {  	v8 =	vor.u32 v8, v14;
	v12 =	vadd.f32 v13, v4;
	v9 =	vadd.f32 v9, v6  }
0x3f: {  	v11 =	vand.u32 $0x7FFFFC00, v11;
	v13 =	vshll.u32 v10, $0x9;
	v10 =	vshll.u32 v10, $0x7  }
0x40: {  	v13 =	vand.u32 $0x7FFFF000, v13;
	v12 =	vtrunc.f32 v12;
	v9 =	vtrunc.f32 v9  }
0x41: {  	v8 =	vadd.s32 v13, v8;
	v12 =	vcvt.f32.s32 v12;
	v9 =	vcvt.f32.s32 v9  }
0x42: {  	v7 =	vand.u32 $0x7FFC0000, v7;
	v10 =	vand.u32 $0x380, v10;
	v8 =	vadd.s32 v11, v8  }
0x43: {  	v8 =	vor.u32 v10, v8;
	vm12 =	vgt.s32 v12, $0xFFFFFF01;
	vm13 =	vgt.s32 v9, $0xFFFFFF01  }
0x44: {  	v11 =	vnsel vm12, $0xFFFFFF01, v12;
	v9 =	vnsel vm13, $0xFFFFFF01, v9;
	v12 =	vor.u32 s8, v0  }
0x45: {  	vm0 =	vlt.s32 v11, $0x100;
	vm1 =	vlt.s32 v9, $0x100;
	v12 =	vand.u32 $0x7F, v12  }
0x46: {  	v10 =	vnsel vm0, $0x100, v11;
	v9 =	vnsel vm1, $0x100, v9;
	v11 =	vmov s8  }
0x47: {  	v10 =	vsub.s32 $0x100, v10;
	v9 =	vadd.s32 $0xFF, v9;
	v13 =	vshrl.u32 v11, $0x7  }
0x48: {  	v14 =	vshrl.u32 v11, $0x9;
	v15 =	vshrl.u32 v11, $0x3;
	v13 =	vand.u32 $0x7, v13  }
0x49: {  	v14 =	vand.u32 $0x1F8, v14;
	v15 =	vand.u32 $0x180, v15;
	v16 =	vshll.u32 v10, $0x9  }
0x4a: {  	v10 =	vshll.u32 v10, $0x7;
	v13 =	vor.u32 v14, v13;
	v12 =	vor.u32 v12, v15  }
0x4b: {  	v14 =	vand.u32 $0x7F, v9;
	v13 =	vsub.s32 $0x100, v13;
	v12 =	vadd.s32 $0xFFFFFF00, v12  }
0x4c: {  	v9 =	vshll.u32 v9, $0x3;
	v13 =	vcvt.s32.f32 v13;
	v12 =	vcvt.s32.f32 v12  }
0x4d: {  	v15 =	vand.u32 $0x7FFFF000, v16;
	v10 =	vand.u32 $0x380, v10;
	v7 =	vor.u32 v7, v14  }
0x4e: {  	v9 =	vand.u32 $0x7FFFFC00, v9;
	v14 =	vmul.f32 v13, v1;
	v62 =	vmul.f32 v12, v2  }
0x4f: {  	s29 =	sadd.s32 $0x10, s8;
	v7 =	vadd.s32 v15, v7;
	v13 =	vmul.f32 v13, v3;
	v12 =	vmul.f32 v12, v5  }
0x50: {  	v15 =	vor.u32 s29, v0;
	v9 =	vadd.s32 v9, v7;
	v7 =	vmov s29  }
0x51: {  	v9 =	vor.u32 v10, v9;
	v14 =	vadd.f32 v62, v14;
	v12 =	vadd.f32 v12, v13  }
0x52: {  	v10 =	vshrl.u32 v7, $0x7;
	v63 =	vshrl.u32 v7, $0x3;
	v13 =	vand.u32 $0x7F, v15  }
0x53: {  	s28 =	sshra.s32 s28, $0x2;
	v15 =	vshrl.u32 v7, $0x9;
	v14 =	vadd.f32 v14, v4;
	v12 =	vadd.f32 v12, v6  }
0x54: {  	s23 =	sshra.s32 s23, $0x2;
	[tilespmem:s28+$0x0] =	vst v8;
	v10 =	vand.u32 $0x7, v10;
	v8 =	vand.u32 $0x180, v63;
	v15 =	vand.u32 $0x1F8, v15  }
0x55: {  	[tilespmem:s23+$0x0] =	vst v9;
	v9 =	vor.u32 v15, v10;
	v14 =	vtrunc.f32 v14;
	v12 =	vtrunc.f32 v12  }
0x56: {  	v9 =	vsub.s32 $0x100, v9;
	v10 =	vcvt.f32.s32 v14;
	v14 =	vcvt.f32.s32 v12  }
0x57: {  	v9 =	vcvt.s32.f32 v9;
	v12 =	vor.u32 v13, v8  }
0x58: {  	s30 =	simm.s32 $0x80;
	s28 =	simm.s32 $0x40;
	s23 =	simm.s32 $0x0;
	v8 =	vand.u32 $0x7FFC0000, v11;
	vm14 =	vgt.s32 v10, $0xFFFFFF01;
	vm15 =	vgt.s32 v14, $0xFFFFFF01  }
0x59: {  	[tilespmem:s26], [sflag:$0x1] =	stream.indirect.gather [hbm4b:s1+s25], $0x1, s23, s25, $0xb8;
	v12 =	vadd.s32 $0xFFFFFF00, v12;
	v10 =	vnsel vm14, $0xFFFFFF01, v10;
	v11 =	vnsel vm15, $0xFFFFFF01, v14;
	[tilespmem:$0xC060] =	vst v63  }
.LBB2_4:
0x5a: {  	p0 =	sne.s32 s30, $0x17C0;
	v12 =	vcvt.s32.f32 v12;
	vm0 =	vlt.s32 v10, $0x100;
	vm1 =	vlt.s32 v11, $0x100  }
0x5b: {  	v13 =	vmul.f32 v9, v1;
	v10 =	vnsel vm0, $0x100, v10;
	v11 =	vnsel vm1, $0x100, v11  }
0x5c: {  	v14 =	vmul.f32 v12, v2;
	v10 =	vsub.s32 $0x100, v10;
	v11 =	vadd.s32 $0xFF, v11  }
0x5d: {  	v9 =	vmul.f32 v9, v3;
	v15 =	vshll.u32 v10, $0x9;
	v16 =	vand.u32 $0x7F, v11  }
0x5e: {  	v11 =	vshll.u32 v11, $0x3;
	v15 =	vand.u32 $0x7FFFF000, v15;
	v8 =	vor.u32 v8, v16  }
0x5f: {  	v10 =	vshll.u32 v10, $0x7;
	v11 =	vand.u32 $0x7FFFFC00, v11;
	v8 =	vadd.s32 v15, v8  }
0x60: {  	s29 =	sadd.s32 $0x10, s29;
	v12 =	vmul.f32 v12, v5;
	v10 =	vand.u32 $0x380, v10;
	v8 =	vadd.s32 v11, v8  }
0x61: {  	s31 =	sshra.s32 s23, $0x2;
	s23 =	smov.u32 s28;
	s28 =	smov.u32 s30;
	v11 =	vor.u32 s29, v0;
	v8 =	vor.u32 v10, v8  }
0x62: {  	v13 =	vadd.f32 v14, v13;
	v9 =	vadd.f32 v12, v9;
	v10 =	vmov s29;
	[tilespmem:s31+$0x600] =	vst v8  }
0x63: {  	v11 =	vand.u32 $0x7F, v11;
	v8 =	vshrl.u32 v10, $0x7  }
0x64: {  	v13 =	vadd.f32 v13, v4;
	v9 =	vadd.f32 v9, v6;
	v12 =	vshrl.u32 v10, $0x9  }
0x65: {  	v14 =	vshrl.u32 v10, $0x3;
	v8 =	vand.u32 $0x7, v8;
	v12 =	vand.u32 $0x1F8, v12  }
.Ltmp1:
0x66: {  	v13 =	vtrunc.f32 v13;
	v9 =	vtrunc.f32 v9;
	v14 =	vand.u32 $0x180, v14;
	(pc) =	sbr.rel @p0 .LBB2_4-.Ltmp1, $4  }
0x67: {  	v13 =	vcvt.f32.s32 v13;
	v15 =	vcvt.f32.s32 v9;
	v8 =	vor.u32 v12, v8  }
0x68: {  	v11 =	vor.u32 v11, v14;
	v9 =	vsub.s32 $0x100, v8;
	v8 =	vand.u32 $0x7FFC0000, v7;
	v7 =	vmovc v10  }
0x69: {  	v12 =	vadd.s32 $0xFFFFFF00, v11;
	vm0 =	vgt.s32 v13, $0xFFFFFF01;
	vm1 =	vgt.s32 v15, $0xFFFFFF01  }
0x6a: {  	s30 =	sadd.s32 $0x40, s30;
	v9 =	vcvt.s32.f32 v9;
	v10 =	vnsel vm0, $0xFFFFFF01, v13;
	v11 =	vnsel vm1, $0xFFFFFF01, v15  }
0x6b: {  	v12 =	vcvt.s32.f32 v12  }
0x6c: {  	v13 =	vmul.f32 v9, v1;
	v9 =	vmul.f32 v9, v3  }
0x6d: {  	vm0 =	vlt.s32 v10, $0x100;
	v14 =	vmul.f32 v12, v2;
	v12 =	vmul.f32 v12, v5  }
0x6e: {  	vm1 =	vlt.s32 v11, $0x100;
	v10 =	vnsel vm0, $0x100, v10  }
0x6f: {  	v11 =	vnsel vm1, $0x100, v11;
	v13 =	vadd.f32 v14, v13;
	v9 =	vadd.f32 v12, v9  }
0x70: {  	v7 =	vand.u32 $0x7FFC0000, v7;
	v10 =	vsub.s32 $0x100, v10;
	v11 =	vadd.s32 $0xFF, v11  }
0x71: {  	v14 =	vand.u32 $0x7F, v11;
	v12 =	vadd.f32 v13, v4;
	v9 =	vadd.f32 v9, v6  }
0x72: {  	v11 =	vshll.u32 v11, $0x3;
	v8 =	vor.u32 v8, v14;
	v13 =	vshll.u32 v10, $0x9  }
0x73: {  	v10 =	vshll.u32 v10, $0x7;
	v12 =	vtrunc.f32 v12;
	v9 =	vtrunc.f32 v9  }
0x74: {  	v13 =	vand.u32 $0x7FFFF000, v13;
	v12 =	vcvt.f32.s32 v12;
	v9 =	vcvt.f32.s32 v9  }
0x75: {  	v11 =	vand.u32 $0x7FFFFC00, v11;
	v10 =	vand.u32 $0x380, v10;
	v8 =	vadd.s32 v13, v8  }
0x76: {  	v8 =	vadd.s32 v11, v8;
	vm12 =	vgt.s32 v12, $0xFFFFFF01;
	vm13 =	vgt.s32 v9, $0xFFFFFF01  }
0x77: {  	v8 =	vor.u32 v10, v8;
	v11 =	vnsel vm12, $0xFFFFFF01, v12;
	v9 =	vnsel vm13, $0xFFFFFF01, v9  }
0x78: {  	v12 =	vor.u32 s9, v0;
	vm0 =	vlt.s32 v11, $0x100;
	vm1 =	vlt.s32 v9, $0x100  }
0x79: {  	v12 =	vand.u32 $0x7F, v12;
	v10 =	vnsel vm0, $0x100, v11;
	v9 =	vnsel vm1, $0x100, v9  }
0x7a: {  	v11 =	vmov s9;
	v10 =	vsub.s32 $0x100, v10;
	v9 =	vadd.s32 $0xFF, v9  }
0x7b: {  	v13 =	vshrl.u32 v11, $0x7;
	v14 =	vshrl.u32 v11, $0x9;
	v15 =	vshrl.u32 v11, $0x3  }
0x7c: {  	v13 =	vand.u32 $0x7, v13;
	v14 =	vand.u32 $0x1F8, v14;
	v15 =	vand.u32 $0x180, v15  }
0x7d: {  	v16 =	vshll.u32 v10, $0x9;
	v13 =	vor.u32 v14, v13;
	v12 =	vor.u32 v12, v15  }
0x7e: {  	v10 =	vshll.u32 v10, $0x7;
	v13 =	vsub.s32 $0x100, v13;
	v12 =	vadd.s32 $0xFFFFFF00, v12  }
0x7f: {  	v14 =	vand.u32 $0x7F, v9;
	v13 =	vcvt.s32.f32 v13;
	v12 =	vcvt.s32.f32 v12  }
0x80: {  	v9 =	vshll.u32 v9, $0x3;
	v15 =	vand.u32 $0x7FFFF000, v16;
	v7 =	vor.u32 v7, v14  }
0x81: {  	v9 =	vand.u32 $0x7FFFFC00, v9;
	v14 =	vmul.f32 v13, v1;
	v62 =	vmul.f32 v12, v2  }
0x82: {  	s29 =	sadd.s32 $0x10, s9;
	v7 =	vadd.s32 v15, v7;
	v13 =	vmul.f32 v13, v3;
	v12 =	vmul.f32 v12, v5  }
0x83: {  	v10 =	vand.u32 $0x380, v10;
	v15 =	vor.u32 s29, v0;
	v9 =	vadd.s32 v9, v7  }
0x84: {  	v7 =	vmov s29;
	v14 =	vadd.f32 v62, v14;
	v12 =	vadd.f32 v12, v13  }
0x85: {  	v9 =	vor.u32 v10, v9;
	v10 =	vshrl.u32 v7, $0x7;
	v63 =	vshrl.u32 v7, $0x3  }
0x86: {  	s23 =	sshra.s32 s23, $0x2;
	v10 =	vand.u32 $0x7, v10;
	v14 =	vadd.f32 v14, v4;
	v12 =	vadd.f32 v12, v6  }
0x87: {  	[tilespmem:s23+$0x600] =	vst v8;
	v8 =	vand.u32 $0x180, v63;
	v13 =	vand.u32 $0x7F, v15;
	v15 =	vshrl.u32 v7, $0x9  }
0x88: {  	s31 =	sshra.s32 s28, $0x2;
	v15 =	vand.u32 $0x1F8, v15;
	v14 =	vtrunc.f32 v14;
	v12 =	vtrunc.f32 v12  }
0x89: {  	[tilespmem:s31+$0x600] =	vst v9;
	v9 =	vor.u32 v15, v10;
	v14 =	vcvt.f32.s32 v14;
	v12 =	vcvt.f32.s32 v12  }
0x8a: {  	s28 =	simm.s32 $0x0;
	v10 =	vor.u32 v13, v8;
	v8 =	vand.u32 $0x7FFC0000, v11;
	v9 =	vsub.s32 $0x100, v9  }
0x8b: {  	s30 =	simm.s32 $0x80;
	s23 =	simm.s32 $0x40;
	s31 =	simm.s32 $0x6600;
	v10 =	vadd.s32 $0xFFFFFF00, v10;
	vm14 =	vgt.s32 v14, $0xFFFFFF01;
	vm15 =	vgt.s32 v12, $0xFFFFFF01  }
0x8c: {  	[tilespmem:s31], [sflag:$0x1] =	stream.indirect.gather [hbm4b:s1+s25], $0x1, s25, s25, $0xb8;
	v9 =	vcvt.s32.f32 v9;
	v11 =	vnsel vm14, $0xFFFFFF01, v14;
	v12 =	vnsel vm15, $0xFFFFFF01, v12;
	[tilespmem:$0xC060] =	vst v63  }
.LBB2_6:
0x8d: {  	p0 =	sne.s32 s30, $0x17C0;
	v10 =	vcvt.s32.f32 v10;
	vm0 =	vlt.s32 v11, $0x100;
	vm1 =	vlt.s32 v12, $0x100  }
0x8e: {  	v13 =	vmul.f32 v9, v1;
	v11 =	vnsel vm0, $0x100, v11;
	v12 =	vnsel vm1, $0x100, v12  }
0x8f: {  	v14 =	vmul.f32 v10, v2;
	v11 =	vsub.s32 $0x100, v11;
	v12 =	vadd.s32 $0xFF, v12  }
0x90: {  	v9 =	vmul.f32 v9, v3;
	v15 =	vshll.u32 v11, $0x9;
	v16 =	vand.u32 $0x7F, v12  }
0x91: {  	v12 =	vshll.u32 v12, $0x3;
	v15 =	vand.u32 $0x7FFFF000, v15;
	v8 =	vor.u32 v8, v16  }
0x92: {  	v11 =	vshll.u32 v11, $0x7;
	v12 =	vand.u32 $0x7FFFFC00, v12;
	v8 =	vadd.s32 v15, v8  }
0x93: {  	s29 =	sadd.s32 $0x10, s29;
	v10 =	vmul.f32 v10, v5;
	v11 =	vand.u32 $0x380, v11;
	v8 =	vadd.s32 v12, v8  }
0x94: {  	s31 =	sshra.s32 s28, $0x2;
	s28 =	smov.u32 s23;
	s23 =	smov.u32 s30;
	v12 =	vor.u32 s29, v0;
	v8 =	vor.u32 v11, v8  }
0x95: {  	v13 =	vadd.f32 v14, v13;
	v9 =	vadd.f32 v10, v9;
	v11 =	vmov s29;
	[tilespmem:s31+$0xC00] =	vst v8  }
0x96: {  	v10 =	vand.u32 $0x7F, v12;
	v8 =	vshrl.u32 v11, $0x7  }
0x97: {  	v13 =	vadd.f32 v13, v4;
	v9 =	vadd.f32 v9, v6;
	v12 =	vshrl.u32 v11, $0x9  }
0x98: {  	v14 =	vshrl.u32 v11, $0x3;
	v8 =	vand.u32 $0x7, v8;
	v12 =	vand.u32 $0x1F8, v12  }
.Ltmp2:
0x99: {  	v13 =	vtrunc.f32 v13;
	v9 =	vtrunc.f32 v9;
	v14 =	vand.u32 $0x180, v14;
	(pc) =	sbr.rel @p0 .LBB2_6-.Ltmp2, $4  }
0x9a: {  	v8 =	vor.u32 v12, v8;
	v12 =	vcvt.f32.s32 v13;
	v13 =	vcvt.f32.s32 v9  }
0x9b: {  	v10 =	vor.u32 v10, v14;
	v9 =	vsub.s32 $0x100, v8;
	v8 =	vand.u32 $0x7FFC0000, v7;
	v7 =	vmovc v11  }
0x9c: {  	v10 =	vadd.s32 $0xFFFFFF00, v10;
	vm0 =	vgt.s32 v12, $0xFFFFFF01;
	vm1 =	vgt.s32 v13, $0xFFFFFF01  }
0x9d: {  	s30 =	sadd.s32 $0x40, s30;
	v9 =	vcvt.s32.f32 v9;
	v11 =	vnsel vm0, $0xFFFFFF01, v12;
	v12 =	vnsel vm1, $0xFFFFFF01, v13  }
0x9e: {  	v10 =	vcvt.s32.f32 v10  }
0x9f: {  	v13 =	vmul.f32 v9, v1;
	v9 =	vmul.f32 v9, v3  }
0xa0: {  	vm0 =	vlt.s32 v11, $0x100;
	v14 =	vmul.f32 v10, v2;
	v10 =	vmul.f32 v10, v5  }
0xa1: {  	vm1 =	vlt.s32 v12, $0x100;
	v11 =	vnsel vm0, $0x100, v11  }
0xa2: {  	v12 =	vnsel vm1, $0x100, v12;
	v13 =	vadd.f32 v14, v13;
	v9 =	vadd.f32 v10, v9  }
0xa3: {  	v7 =	vand.u32 $0x7FFC0000, v7;
	v10 =	vsub.s32 $0x100, v11;
	v11 =	vadd.s32 $0xFF, v12  }
0xa4: {  	v14 =	vand.u32 $0x7F, v11;
	v12 =	vadd.f32 v13, v4;
	v9 =	vadd.f32 v9, v6  }
0xa5: {  	v11 =	vshll.u32 v11, $0x3;
	v13 =	vshll.u32 v10, $0x9;
	v8 =	vor.u32 v8, v14  }
0xa6: {  	v10 =	vshll.u32 v10, $0x7;
	v12 =	vtrunc.f32 v12;
	v9 =	vtrunc.f32 v9  }
0xa7: {  	v13 =	vand.u32 $0x7FFFF000, v13;
	v12 =	vcvt.f32.s32 v12;
	v9 =	vcvt.f32.s32 v9  }
0xa8: {  	v11 =	vand.u32 $0x7FFFFC00, v11;
	v10 =	vand.u32 $0x380, v10;
	v8 =	vadd.s32 v13, v8  }
0xa9: {  	v8 =	vadd.s32 v11, v8;
	vm12 =	vgt.s32 v12, $0xFFFFFF01;
	vm13 =	vgt.s32 v9, $0xFFFFFF01  }
0xaa: {  	v8 =	vor.u32 v10, v8;
	v11 =	vnsel vm12, $0xFFFFFF01, v12;
	v9 =	vnsel vm13, $0xFFFFFF01, v9  }
0xab: {  	v12 =	vor.u32 s10, v0;
	vm0 =	vlt.s32 v11, $0x100;
	vm1 =	vlt.s32 v9, $0x100  }
0xac: {  	v12 =	vand.u32 $0x7F, v12;
	v10 =	vnsel vm0, $0x100, v11;
	v9 =	vnsel vm1, $0x100, v9  }
0xad: {  	v11 =	vmov s10;
	v10 =	vsub.s32 $0x100, v10;
	v9 =	vadd.s32 $0xFF, v9  }
0xae: {  	v13 =	vshrl.u32 v11, $0x7;
	v14 =	vshrl.u32 v11, $0x9;
	v15 =	vshrl.u32 v11, $0x3  }
0xaf: {  	v13 =	vand.u32 $0x7, v13;
	v14 =	vand.u32 $0x1F8, v14;
	v15 =	vand.u32 $0x180, v15  }
0xb0: {  	v16 =	vshll.u32 v10, $0x9;
	v13 =	vor.u32 v14, v13;
	v12 =	vor.u32 v12, v15  }
0xb1: {  	v10 =	vshll.u32 v10, $0x7;
	v13 =	vsub.s32 $0x100, v13;
	v12 =	vadd.s32 $0xFFFFFF00, v12  }
0xb2: {  	v14 =	vand.u32 $0x7F, v9;
	v13 =	vcvt.s32.f32 v13;
	v12 =	vcvt.s32.f32 v12  }
0xb3: {  	v9 =	vshll.u32 v9, $0x3;
	v15 =	vand.u32 $0x7FFFF000, v16;
	v7 =	vor.u32 v7, v14  }
0xb4: {  	v9 =	vand.u32 $0x7FFFFC00, v9;
	v14 =	vmul.f32 v13, v1;
	v62 =	vmul.f32 v12, v2  }
0xb5: {  	s29 =	sadd.s32 $0x10, s10;
	v7 =	vadd.s32 v15, v7;
	v13 =	vmul.f32 v13, v3;
	v12 =	vmul.f32 v12, v5  }
0xb6: {  	v10 =	vand.u32 $0x380, v10;
	v15 =	vor.u32 s29, v0;
	v9 =	vadd.s32 v9, v7  }
0xb7: {  	v7 =	vmov s29;
	v14 =	vadd.f32 v62, v14;
	v12 =	vadd.f32 v12, v13  }
0xb8: {  	v9 =	vor.u32 v10, v9;
	v10 =	vshrl.u32 v7, $0x7;
	v63 =	vshrl.u32 v7, $0x3  }
0xb9: {  	s28 =	sshra.s32 s28, $0x2;
	v10 =	vand.u32 $0x7, v10;
	v14 =	vadd.f32 v14, v4;
	v12 =	vadd.f32 v12, v6  }
0xba: {  	[tilespmem:s28+$0xC00] =	vst v8;
	v8 =	vand.u32 $0x180, v63;
	v13 =	vand.u32 $0x7F, v15;
	v15 =	vshrl.u32 v7, $0x9  }
0xbb: {  	s23 =	sshra.s32 s23, $0x2;
	v15 =	vand.u32 $0x1F8, v15;
	v14 =	vtrunc.f32 v14;
	v12 =	vtrunc.f32 v12  }
0xbc: {  	[tilespmem:s23+$0xC00] =	vst v9;
	v9 =	vor.u32 v15, v10;
	v14 =	vcvt.f32.s32 v14;
	v12 =	vcvt.f32.s32 v12  }
0xbd: {  	s31 =	simm.s32 $0xC00;
	s28 =	simm.s32 $0x6C00;
	v10 =	vor.u32 v13, v8;
	v8 =	vand.u32 $0x7FFC0000, v11;
	v9 =	vsub.s32 $0x100, v9  }
0xbe: {  	[tilespmem:s28], [sflag:$0x1] =	stream.indirect.gather [hbm4b:s1+s25], $0x1, s31, s25, $0xb8;
	v10 =	vadd.s32 $0xFFFFFF00, v10;
	vm14 =	vgt.s32 v14, $0xFFFFFF01;
	vm15 =	vgt.s32 v12, $0xFFFFFF01;
	[tilespmem:$0xC060] =	vst v63  }
0xbf: {  	s30 =	simm.s32 $0x80;
	s23 =	simm.s32 $0x40;
	s28 =	simm.s32 $0x0;
	v9 =	vcvt.s32.f32 v9;
	v11 =	vnsel vm14, $0xFFFFFF01, v14;
	v12 =	vnsel vm15, $0xFFFFFF01, v12  }
.LBB2_8:
0xc0: {  	p0 =	sne.s32 s30, $0x17C0;
	v10 =	vcvt.s32.f32 v10;
	vm0 =	vlt.s32 v11, $0x100;
	vm1 =	vlt.s32 v12, $0x100  }
0xc1: {  	v13 =	vmul.f32 v9, v1;
	v11 =	vnsel vm0, $0x100, v11;
	v12 =	vnsel vm1, $0x100, v12  }
0xc2: {  	v14 =	vmul.f32 v10, v2;
	v11 =	vsub.s32 $0x100, v11;
	v12 =	vadd.s32 $0xFF, v12  }
0xc3: {  	v9 =	vmul.f32 v9, v3;
	v15 =	vshll.u32 v11, $0x9;
	v16 =	vand.u32 $0x7F, v12  }
0xc4: {  	v12 =	vshll.u32 v12, $0x3;
	v15 =	vand.u32 $0x7FFFF000, v15;
	v8 =	vor.u32 v8, v16  }
0xc5: {  	v11 =	vshll.u32 v11, $0x7;
	v12 =	vand.u32 $0x7FFFFC00, v12;
	v8 =	vadd.s32 v15, v8  }
0xc6: {  	s29 =	sadd.s32 $0x10, s29;
	v10 =	vmul.f32 v10, v5;
	v11 =	vand.u32 $0x380, v11;
	v8 =	vadd.s32 v12, v8  }
0xc7: {  	s31 =	sshra.s32 s28, $0x2;
	s28 =	smov.u32 s23;
	s23 =	smov.u32 s30;
	v12 =	vor.u32 s29, v0;
	v8 =	vor.u32 v11, v8  }
0xc8: {  	v13 =	vadd.f32 v14, v13;
	v9 =	vadd.f32 v10, v9;
	v11 =	vmov s29;
	[tilespmem:s31+$0x1200] =	vst v8  }
0xc9: {  	v10 =	vand.u32 $0x7F, v12;
	v8 =	vshrl.u32 v11, $0x7  }
0xca: {  	v13 =	vadd.f32 v13, v4;
	v9 =	vadd.f32 v9, v6;
	v12 =	vshrl.u32 v11, $0x9  }
0xcb: {  	v14 =	vshrl.u32 v11, $0x3;
	v8 =	vand.u32 $0x7, v8;
	v12 =	vand.u32 $0x1F8, v12  }
.Ltmp3:
0xcc: {  	v13 =	vtrunc.f32 v13;
	v9 =	vtrunc.f32 v9;
	v14 =	vand.u32 $0x180, v14;
	(pc) =	sbr.rel @p0 .LBB2_8-.Ltmp3, $4  }
0xcd: {  	v8 =	vor.u32 v12, v8;
	v12 =	vcvt.f32.s32 v13;
	v13 =	vcvt.f32.s32 v9  }
0xce: {  	v10 =	vor.u32 v10, v14;
	v9 =	vsub.s32 $0x100, v8;
	v8 =	vand.u32 $0x7FFC0000, v7;
	v7 =	vmovc v11  }
0xcf: {  	v10 =	vadd.s32 $0xFFFFFF00, v10;
	vm0 =	vgt.s32 v12, $0xFFFFFF01;
	vm1 =	vgt.s32 v13, $0xFFFFFF01  }
0xd0: {  	s30 =	sadd.s32 $0x40, s30;
	v9 =	vcvt.s32.f32 v9;
	v11 =	vnsel vm0, $0xFFFFFF01, v12;
	v12 =	vnsel vm1, $0xFFFFFF01, v13  }
0xd1: {  	v10 =	vcvt.s32.f32 v10  }
0xd2: {  	v13 =	vmul.f32 v9, v1;
	v9 =	vmul.f32 v9, v3  }
0xd3: {  	vm0 =	vlt.s32 v11, $0x100;
	v14 =	vmul.f32 v10, v2;
	v10 =	vmul.f32 v10, v5  }
0xd4: {  	vm1 =	vlt.s32 v12, $0x100;
	v11 =	vnsel vm0, $0x100, v11  }
0xd5: {  	v12 =	vnsel vm1, $0x100, v12;
	v13 =	vadd.f32 v14, v13;
	v9 =	vadd.f32 v10, v9  }
0xd6: {  	v7 =	vand.u32 $0x7FFC0000, v7;
	v10 =	vsub.s32 $0x100, v11;
	v11 =	vadd.s32 $0xFF, v12  }
0xd7: {  	v14 =	vand.u32 $0x7F, v11;
	v12 =	vadd.f32 v13, v4;
	v9 =	vadd.f32 v9, v6  }
0xd8: {  	v11 =	vshll.u32 v11, $0x3;
	v13 =	vshll.u32 v10, $0x9;
	v8 =	vor.u32 v8, v14  }
0xd9: {  	v10 =	vshll.u32 v10, $0x7;
	v12 =	vtrunc.f32 v12;
	v9 =	vtrunc.f32 v9  }
0xda: {  	v13 =	vand.u32 $0x7FFFF000, v13;
	v12 =	vcvt.f32.s32 v12;
	v9 =	vcvt.f32.s32 v9  }
0xdb: {  	v11 =	vand.u32 $0x7FFFFC00, v11;
	v10 =	vand.u32 $0x380, v10;
	v8 =	vadd.s32 v13, v8  }
0xdc: {  	v8 =	vadd.s32 v11, v8;
	vm12 =	vgt.s32 v12, $0xFFFFFF01;
	vm13 =	vgt.s32 v9, $0xFFFFFF01  }
0xdd: {  	v8 =	vor.u32 v10, v8;
	v11 =	vnsel vm12, $0xFFFFFF01, v12;
	v9 =	vnsel vm13, $0xFFFFFF01, v9  }
0xde: {  	v12 =	vor.u32 s11, v0;
	vm0 =	vlt.s32 v11, $0x100;
	vm1 =	vlt.s32 v9, $0x100  }
0xdf: {  	v12 =	vand.u32 $0x7F, v12;
	v10 =	vnsel vm0, $0x100, v11;
	v9 =	vnsel vm1, $0x100, v9  }
0xe0: {  	v11 =	vmov s11;
	v10 =	vsub.s32 $0x100, v10;
	v9 =	vadd.s32 $0xFF, v9  }
0xe1: {  	v13 =	vshrl.u32 v11, $0x7;
	v14 =	vshrl.u32 v11, $0x9;
	v15 =	vshrl.u32 v11, $0x3  }
0xe2: {  	v13 =	vand.u32 $0x7, v13;
	v14 =	vand.u32 $0x1F8, v14;
	v15 =	vand.u32 $0x180, v15  }
0xe3: {  	v16 =	vshll.u32 v10, $0x9;
	v13 =	vor.u32 v14, v13;
	v12 =	vor.u32 v12, v15  }
0xe4: {  	v10 =	vshll.u32 v10, $0x7;
	v13 =	vsub.s32 $0x100, v13;
	v12 =	vadd.s32 $0xFFFFFF00, v12  }
0xe5: {  	v14 =	vand.u32 $0x7F, v9;
	v13 =	vcvt.s32.f32 v13;
	v12 =	vcvt.s32.f32 v12  }
0xe6: {  	v9 =	vshll.u32 v9, $0x3;
	v15 =	vand.u32 $0x7FFFF000, v16;
	v7 =	vor.u32 v7, v14  }
0xe7: {  	v9 =	vand.u32 $0x7FFFFC00, v9;
	v14 =	vmul.f32 v13, v1;
	v62 =	vmul.f32 v12, v2  }
0xe8: {  	s29 =	sadd.s32 $0x10, s11;
	v7 =	vadd.s32 v15, v7;
	v13 =	vmul.f32 v13, v3;
	v12 =	vmul.f32 v12, v5  }
0xe9: {  	v10 =	vand.u32 $0x380, v10;
	v15 =	vor.u32 s29, v0;
	v9 =	vadd.s32 v9, v7  }
0xea: {  	v7 =	vmov s29;
	v14 =	vadd.f32 v62, v14;
	v12 =	vadd.f32 v12, v13  }
0xeb: {  	v9 =	vor.u32 v10, v9;
	v10 =	vshrl.u32 v7, $0x7;
	v63 =	vshrl.u32 v7, $0x3  }
0xec: {  	s28 =	sshra.s32 s28, $0x2;
	v10 =	vand.u32 $0x7, v10;
	v14 =	vadd.f32 v14, v4;
	v12 =	vadd.f32 v12, v6  }
0xed: {  	[tilespmem:s28+$0x1200] =	vst v8;
	v8 =	vand.u32 $0x180, v63;
	v13 =	vand.u32 $0x7F, v15;
	v15 =	vshrl.u32 v7, $0x9  }
0xee: {  	s23 =	sshra.s32 s23, $0x2;
	v15 =	vand.u32 $0x1F8, v15;
	v14 =	vtrunc.f32 v14;
	v12 =	vtrunc.f32 v12  }
0xef: {  	[tilespmem:s23+$0x1200] =	vst v9;
	v9 =	vor.u32 v15, v10;
	v14 =	vcvt.f32.s32 v14;
	v12 =	vcvt.f32.s32 v12  }
0xf0: {  	s31 =	simm.s32 $0x1200;
	s28 =	simm.s32 $0x7200;
	v10 =	vor.u32 v13, v8;
	v8 =	vand.u32 $0x7FFC0000, v11;
	v9 =	vsub.s32 $0x100, v9  }
0xf1: {  	[tilespmem:s28], [sflag:$0x1] =	stream.indirect.gather [hbm4b:s1+s25], $0x1, s31, s25, $0xb8;
	v10 =	vadd.s32 $0xFFFFFF00, v10;
	vm14 =	vgt.s32 v14, $0xFFFFFF01;
	vm15 =	vgt.s32 v12, $0xFFFFFF01;
	[tilespmem:$0xC060] =	vst v63  }
0xf2: {  	s30 =	simm.s32 $0x80;
	s23 =	simm.s32 $0x40;
	s28 =	simm.s32 $0x0;
	v9 =	vcvt.s32.f32 v9;
	v11 =	vnsel vm14, $0xFFFFFF01, v14;
	v12 =	vnsel vm15, $0xFFFFFF01, v12  }
.LBB2_10:
0xf3: {  	p0 =	sne.s32 s30, $0x17C0;
	v10 =	vcvt.s32.f32 v10;
	vm0 =	vlt.s32 v11, $0x100;
	vm1 =	vlt.s32 v12, $0x100  }
0xf4: {  	v13 =	vmul.f32 v9, v1;
	v11 =	vnsel vm0, $0x100, v11;
	v12 =	vnsel vm1, $0x100, v12  }
0xf5: {  	v14 =	vmul.f32 v10, v2;
	v11 =	vsub.s32 $0x100, v11;
	v12 =	vadd.s32 $0xFF, v12  }
0xf6: {  	v9 =	vmul.f32 v9, v3;
	v15 =	vshll.u32 v11, $0x9;
	v16 =	vand.u32 $0x7F, v12  }
0xf7: {  	v12 =	vshll.u32 v12, $0x3;
	v15 =	vand.u32 $0x7FFFF000, v15;
	v8 =	vor.u32 v8, v16  }
0xf8: {  	v11 =	vshll.u32 v11, $0x7;
	v12 =	vand.u32 $0x7FFFFC00, v12;
	v8 =	vadd.s32 v15, v8  }
0xf9: {  	s29 =	sadd.s32 $0x10, s29;
	v10 =	vmul.f32 v10, v5;
	v11 =	vand.u32 $0x380, v11;
	v8 =	vadd.s32 v12, v8  }
0xfa: {  	s31 =	sshra.s32 s28, $0x2;
	s28 =	smov.u32 s23;
	s23 =	smov.u32 s30;
	v12 =	vor.u32 s29, v0;
	v8 =	vor.u32 v11, v8  }
0xfb: {  	v13 =	vadd.f32 v14, v13;
	v9 =	vadd.f32 v10, v9;
	v11 =	vmov s29;
	[tilespmem:s31+$0x1800] =	vst v8  }
0xfc: {  	v10 =	vand.u32 $0x7F, v12;
	v8 =	vshrl.u32 v11, $0x7  }
0xfd: {  	v13 =	vadd.f32 v13, v4;
	v9 =	vadd.f32 v9, v6;
	v12 =	vshrl.u32 v11, $0x9  }
0xfe: {  	v14 =	vshrl.u32 v11, $0x3;
	v8 =	vand.u32 $0x7, v8;
	v12 =	vand.u32 $0x1F8, v12  }
.Ltmp4:
0xff: {  	v13 =	vtrunc.f32 v13;
	v9 =	vtrunc.f32 v9;
	v14 =	vand.u32 $0x180, v14;
	(pc) =	sbr.rel @p0 .LBB2_10-.Ltmp4, $4  }
0x100: {  	v8 =	vor.u32 v12, v8;
	v12 =	vcvt.f32.s32 v13;
	v13 =	vcvt.f32.s32 v9  }
0x101: {  	v10 =	vor.u32 v10, v14;
	v9 =	vsub.s32 $0x100, v8;
	v8 =	vand.u32 $0x7FFC0000, v7;
	v7 =	vmovc v11  }
0x102: {  	v10 =	vadd.s32 $0xFFFFFF00, v10;
	vm0 =	vgt.s32 v12, $0xFFFFFF01;
	vm1 =	vgt.s32 v13, $0xFFFFFF01  }
0x103: {  	s30 =	sadd.s32 $0x40, s30;
	v9 =	vcvt.s32.f32 v9;
	v11 =	vnsel vm0, $0xFFFFFF01, v12;
	v12 =	vnsel vm1, $0xFFFFFF01, v13  }
0x104: {  	v10 =	vcvt.s32.f32 v10  }
0x105: {  	v13 =	vmul.f32 v9, v1;
	v9 =	vmul.f32 v9, v3  }
0x106: {  	vm0 =	vlt.s32 v11, $0x100;
	v14 =	vmul.f32 v10, v2;
	v10 =	vmul.f32 v10, v5  }
0x107: {  	vm1 =	vlt.s32 v12, $0x100;
	v11 =	vnsel vm0, $0x100, v11  }
0x108: {  	v12 =	vnsel vm1, $0x100, v12;
	v13 =	vadd.f32 v14, v13;
	v9 =	vadd.f32 v10, v9  }
0x109: {  	v7 =	vand.u32 $0x7FFC0000, v7;
	v10 =	vsub.s32 $0x100, v11;
	v11 =	vadd.s32 $0xFF, v12  }
0x10a: {  	v14 =	vand.u32 $0x7F, v11;
	v12 =	vadd.f32 v13, v4;
	v9 =	vadd.f32 v9, v6  }
0x10b: {  	v11 =	vshll.u32 v11, $0x3;
	v13 =	vshll.u32 v10, $0x9;
	v8 =	vor.u32 v8, v14  }
0x10c: {  	v10 =	vshll.u32 v10, $0x7;
	v12 =	vtrunc.f32 v12;
	v9 =	vtrunc.f32 v9  }
0x10d: {  	v13 =	vand.u32 $0x7FFFF000, v13;
	v12 =	vcvt.f32.s32 v12;
	v9 =	vcvt.f32.s32 v9  }
0x10e: {  	v11 =	vand.u32 $0x7FFFFC00, v11;
	v10 =	vand.u32 $0x380, v10;
	v8 =	vadd.s32 v13, v8  }
0x10f: {  	v8 =	vadd.s32 v11, v8;
	vm12 =	vgt.s32 v12, $0xFFFFFF01;
	vm13 =	vgt.s32 v9, $0xFFFFFF01  }
0x110: {  	v8 =	vor.u32 v10, v8;
	v11 =	vnsel vm12, $0xFFFFFF01, v12;
	v9 =	vnsel vm13, $0xFFFFFF01, v9  }
0x111: {  	v12 =	vor.u32 s12, v0;
	vm0 =	vlt.s32 v11, $0x100;
	vm1 =	vlt.s32 v9, $0x100  }
0x112: {  	v12 =	vand.u32 $0x7F, v12;
	v10 =	vnsel vm0, $0x100, v11;
	v9 =	vnsel vm1, $0x100, v9  }
0x113: {  	v11 =	vmov s12;
	v10 =	vsub.s32 $0x100, v10;
	v9 =	vadd.s32 $0xFF, v9  }
0x114: {  	v13 =	vshrl.u32 v11, $0x7;
	v14 =	vshrl.u32 v11, $0x9;
	v15 =	vshrl.u32 v11, $0x3  }
0x115: {  	v13 =	vand.u32 $0x7, v13;
	v14 =	vand.u32 $0x1F8, v14;
	v15 =	vand.u32 $0x180, v15  }
0x116: {  	v16 =	vshll.u32 v10, $0x9;
	v13 =	vor.u32 v14, v13;
	v12 =	vor.u32 v12, v15  }
0x117: {  	v10 =	vshll.u32 v10, $0x7;
	v13 =	vsub.s32 $0x100, v13;
	v12 =	vadd.s32 $0xFFFFFF00, v12  }
0x118: {  	v14 =	vand.u32 $0x7F, v9;
	v13 =	vcvt.s32.f32 v13;
	v12 =	vcvt.s32.f32 v12  }
0x119: {  	v9 =	vshll.u32 v9, $0x3;
	v15 =	vand.u32 $0x7FFFF000, v16;
	v7 =	vor.u32 v7, v14  }
0x11a: {  	v9 =	vand.u32 $0x7FFFFC00, v9;
	v14 =	vmul.f32 v13, v1;
	v62 =	vmul.f32 v12, v2  }
0x11b: {  	s29 =	sadd.s32 $0x10, s12;
	v7 =	vadd.s32 v15, v7;
	v13 =	vmul.f32 v13, v3;
	v12 =	vmul.f32 v12, v5  }
0x11c: {  	v10 =	vand.u32 $0x380, v10;
	v15 =	vor.u32 s29, v0;
	v9 =	vadd.s32 v9, v7  }
0x11d: {  	v7 =	vmov s29;
	v14 =	vadd.f32 v62, v14;
	v12 =	vadd.f32 v12, v13  }
0x11e: {  	v9 =	vor.u32 v10, v9;
	v10 =	vshrl.u32 v7, $0x7;
	v63 =	vshrl.u32 v7, $0x3  }
0x11f: {  	s28 =	sshra.s32 s28, $0x2;
	v10 =	vand.u32 $0x7, v10;
	v14 =	vadd.f32 v14, v4;
	v12 =	vadd.f32 v12, v6  }
0x120: {  	[tilespmem:s28+$0x1800] =	vst v8;
	v8 =	vand.u32 $0x180, v63;
	v13 =	vand.u32 $0x7F, v15;
	v15 =	vshrl.u32 v7, $0x9  }
0x121: {  	s23 =	sshra.s32 s23, $0x2;
	v15 =	vand.u32 $0x1F8, v15;
	v14 =	vtrunc.f32 v14;
	v12 =	vtrunc.f32 v12  }
0x122: {  	[tilespmem:s23+$0x1800] =	vst v9;
	v9 =	vor.u32 v15, v10;
	v14 =	vcvt.f32.s32 v14;
	v12 =	vcvt.f32.s32 v12  }
0x123: {  	s31 =	simm.s32 $0x1800;
	s28 =	simm.s32 $0x7800;
	v10 =	vor.u32 v13, v8;
	v8 =	vand.u32 $0x7FFC0000, v11;
	v9 =	vsub.s32 $0x100, v9  }
0x124: {  	[tilespmem:s28], [sflag:$0x1] =	stream.indirect.gather [hbm4b:s1+s25], $0x1, s31, s25, $0xb8;
	v10 =	vadd.s32 $0xFFFFFF00, v10;
	vm14 =	vgt.s32 v14, $0xFFFFFF01;
	vm15 =	vgt.s32 v12, $0xFFFFFF01;
	[tilespmem:$0xC060] =	vst v63  }
0x125: {  	s30 =	simm.s32 $0x80;
	s23 =	simm.s32 $0x40;
	s28 =	simm.s32 $0x0;
	v9 =	vcvt.s32.f32 v9;
	v11 =	vnsel vm14, $0xFFFFFF01, v14;
	v12 =	vnsel vm15, $0xFFFFFF01, v12  }
.LBB2_12:
0x126: {  	p0 =	sne.s32 s30, $0x17C0;
	v10 =	vcvt.s32.f32 v10;
	vm0 =	vlt.s32 v11, $0x100;
	vm1 =	vlt.s32 v12, $0x100  }
0x127: {  	v13 =	vmul.f32 v9, v1;
	v11 =	vnsel vm0, $0x100, v11;
	v12 =	vnsel vm1, $0x100, v12  }
0x128: {  	v14 =	vmul.f32 v10, v2;
	v11 =	vsub.s32 $0x100, v11;
	v12 =	vadd.s32 $0xFF, v12  }
0x129: {  	v9 =	vmul.f32 v9, v3;
	v15 =	vshll.u32 v11, $0x9;
	v16 =	vand.u32 $0x7F, v12  }
0x12a: {  	v12 =	vshll.u32 v12, $0x3;
	v15 =	vand.u32 $0x7FFFF000, v15;
	v8 =	vor.u32 v8, v16  }
0x12b: {  	v11 =	vshll.u32 v11, $0x7;
	v12 =	vand.u32 $0x7FFFFC00, v12;
	v8 =	vadd.s32 v15, v8  }
0x12c: {  	s29 =	sadd.s32 $0x10, s29;
	v10 =	vmul.f32 v10, v5;
	v11 =	vand.u32 $0x380, v11;
	v8 =	vadd.s32 v12, v8  }
0x12d: {  	s31 =	sshra.s32 s28, $0x2;
	s28 =	smov.u32 s23;
	s23 =	smov.u32 s30;
	v12 =	vor.u32 s29, v0;
	v8 =	vor.u32 v11, v8  }
0x12e: {  	v13 =	vadd.f32 v14, v13;
	v9 =	vadd.f32 v10, v9;
	v11 =	vmov s29;
	[tilespmem:s31+$0x1E00] =	vst v8  }
0x12f: {  	v10 =	vand.u32 $0x7F, v12;
	v8 =	vshrl.u32 v11, $0x7  }
0x130: {  	v13 =	vadd.f32 v13, v4;
	v9 =	vadd.f32 v9, v6;
	v12 =	vshrl.u32 v11, $0x9  }
0x131: {  	v14 =	vshrl.u32 v11, $0x3;
	v8 =	vand.u32 $0x7, v8;
	v12 =	vand.u32 $0x1F8, v12  }
.Ltmp5:
0x132: {  	v13 =	vtrunc.f32 v13;
	v9 =	vtrunc.f32 v9;
	v14 =	vand.u32 $0x180, v14;
	(pc) =	sbr.rel @p0 .LBB2_12-.Ltmp5, $4  }
0x133: {  	v8 =	vor.u32 v12, v8;
	v12 =	vcvt.f32.s32 v13;
	v13 =	vcvt.f32.s32 v9  }
0x134: {  	v10 =	vor.u32 v10, v14;
	v9 =	vsub.s32 $0x100, v8;
	v8 =	vand.u32 $0x7FFC0000, v7;
	v7 =	vmovc v11  }
0x135: {  	v10 =	vadd.s32 $0xFFFFFF00, v10;
	vm0 =	vgt.s32 v12, $0xFFFFFF01;
	vm1 =	vgt.s32 v13, $0xFFFFFF01  }
0x136: {  	s30 =	sadd.s32 $0x40, s30;
	v9 =	vcvt.s32.f32 v9;
	v11 =	vnsel vm0, $0xFFFFFF01, v12;
	v12 =	vnsel vm1, $0xFFFFFF01, v13  }
0x137: {  	v10 =	vcvt.s32.f32 v10  }
0x138: {  	v13 =	vmul.f32 v9, v1;
	v9 =	vmul.f32 v9, v3  }
0x139: {  	vm0 =	vlt.s32 v11, $0x100;
	v14 =	vmul.f32 v10, v2;
	v10 =	vmul.f32 v10, v5  }
0x13a: {  	vm1 =	vlt.s32 v12, $0x100;
	v11 =	vnsel vm0, $0x100, v11  }
0x13b: {  	v12 =	vnsel vm1, $0x100, v12;
	v13 =	vadd.f32 v14, v13;
	v9 =	vadd.f32 v10, v9  }
0x13c: {  	v7 =	vand.u32 $0x7FFC0000, v7;
	v10 =	vsub.s32 $0x100, v11;
	v11 =	vadd.s32 $0xFF, v12  }
0x13d: {  	v14 =	vand.u32 $0x7F, v11;
	v12 =	vadd.f32 v13, v4;
	v9 =	vadd.f32 v9, v6  }
0x13e: {  	v11 =	vshll.u32 v11, $0x3;
	v13 =	vshll.u32 v10, $0x9;
	v8 =	vor.u32 v8, v14  }
0x13f: {  	v10 =	vshll.u32 v10, $0x7;
	v12 =	vtrunc.f32 v12;
	v9 =	vtrunc.f32 v9  }
0x140: {  	v13 =	vand.u32 $0x7FFFF000, v13;
	v12 =	vcvt.f32.s32 v12;
	v9 =	vcvt.f32.s32 v9  }
0x141: {  	v11 =	vand.u32 $0x7FFFFC00, v11;
	v10 =	vand.u32 $0x380, v10;
	v8 =	vadd.s32 v13, v8  }
0x142: {  	v8 =	vadd.s32 v11, v8;
	vm12 =	vgt.s32 v12, $0xFFFFFF01;
	vm13 =	vgt.s32 v9, $0xFFFFFF01  }
0x143: {  	v8 =	vor.u32 v10, v8;
	v11 =	vnsel vm12, $0xFFFFFF01, v12;
	v9 =	vnsel vm13, $0xFFFFFF01, v9  }
0x144: {  	v12 =	vor.u32 s13, v0;
	vm0 =	vlt.s32 v11, $0x100;
	vm1 =	vlt.s32 v9, $0x100  }
0x145: {  	v12 =	vand.u32 $0x7F, v12;
	v10 =	vnsel vm0, $0x100, v11;
	v9 =	vnsel vm1, $0x100, v9  }
0x146: {  	v11 =	vmov s13;
	v10 =	vsub.s32 $0x100, v10;
	v9 =	vadd.s32 $0xFF, v9  }
0x147: {  	v13 =	vshrl.u32 v11, $0x7;
	v14 =	vshrl.u32 v11, $0x9;
	v15 =	vshrl.u32 v11, $0x3  }
0x148: {  	v13 =	vand.u32 $0x7, v13;
	v14 =	vand.u32 $0x1F8, v14;
	v15 =	vand.u32 $0x180, v15  }
0x149: {  	v16 =	vshll.u32 v10, $0x9;
	v13 =	vor.u32 v14, v13;
	v12 =	vor.u32 v12, v15  }
0x14a: {  	v10 =	vshll.u32 v10, $0x7;
	v13 =	vsub.s32 $0x100, v13;
	v12 =	vadd.s32 $0xFFFFFF00, v12  }
0x14b: {  	v14 =	vand.u32 $0x7F, v9;
	v13 =	vcvt.s32.f32 v13;
	v12 =	vcvt.s32.f32 v12  }
0x14c: {  	v9 =	vshll.u32 v9, $0x3;
	v15 =	vand.u32 $0x7FFFF000, v16;
	v7 =	vor.u32 v7, v14  }
0x14d: {  	v9 =	vand.u32 $0x7FFFFC00, v9;
	v14 =	vmul.f32 v13, v1;
	v62 =	vmul.f32 v12, v2  }
0x14e: {  	s29 =	sadd.s32 $0x10, s13;
	v7 =	vadd.s32 v15, v7;
	v13 =	vmul.f32 v13, v3;
	v12 =	vmul.f32 v12, v5  }
0x14f: {  	v10 =	vand.u32 $0x380, v10;
	v15 =	vor.u32 s29, v0;
	v9 =	vadd.s32 v9, v7  }
0x150: {  	v7 =	vmov s29;
	v14 =	vadd.f32 v62, v14;
	v12 =	vadd.f32 v12, v13  }
0x151: {  	v9 =	vor.u32 v10, v9;
	v10 =	vshrl.u32 v7, $0x7;
	v63 =	vshrl.u32 v7, $0x3  }
0x152: {  	s28 =	sshra.s32 s28, $0x2;
	v10 =	vand.u32 $0x7, v10;
	v14 =	vadd.f32 v14, v4;
	v12 =	vadd.f32 v12, v6  }
0x153: {  	[tilespmem:s28+$0x1E00] =	vst v8;
	v8 =	vand.u32 $0x180, v63;
	v13 =	vand.u32 $0x7F, v15;
	v15 =	vshrl.u32 v7, $0x9  }
0x154: {  	s23 =	sshra.s32 s23, $0x2;
	v15 =	vand.u32 $0x1F8, v15;
	v14 =	vtrunc.f32 v14;
	v12 =	vtrunc.f32 v12  }
0x155: {  	[tilespmem:s23+$0x1E00] =	vst v9;
	v9 =	vor.u32 v15, v10;
	v14 =	vcvt.f32.s32 v14;
	v12 =	vcvt.f32.s32 v12  }
0x156: {  	s31 =	simm.s32 $0x1E00;
	s28 =	simm.s32 $0x7E00;
	v10 =	vor.u32 v13, v8;
	v8 =	vand.u32 $0x7FFC0000, v11;
	v9 =	vsub.s32 $0x100, v9  }
0x157: {  	[tilespmem:s28], [sflag:$0x1] =	stream.indirect.gather [hbm4b:s1+s25], $0x1, s31, s25, $0xb8;
	v10 =	vadd.s32 $0xFFFFFF00, v10;
	vm14 =	vgt.s32 v14, $0xFFFFFF01;
	vm15 =	vgt.s32 v12, $0xFFFFFF01;
	[tilespmem:$0xC060] =	vst v63  }
0x158: {  	s30 =	simm.s32 $0x80;
	s23 =	simm.s32 $0x40;
	s28 =	simm.s32 $0x0;
	v9 =	vcvt.s32.f32 v9;
	v11 =	vnsel vm14, $0xFFFFFF01, v14;
	v12 =	vnsel vm15, $0xFFFFFF01, v12  }
.LBB2_14:
0x159: {  	p0 =	sne.s32 s30, $0x17C0;
	v10 =	vcvt.s32.f32 v10;
	vm0 =	vlt.s32 v11, $0x100;
	vm1 =	vlt.s32 v12, $0x100  }
0x15a: {  	v13 =	vmul.f32 v9, v1;
	v11 =	vnsel vm0, $0x100, v11;
	v12 =	vnsel vm1, $0x100, v12  }
0x15b: {  	v14 =	vmul.f32 v10, v2;
	v11 =	vsub.s32 $0x100, v11;
	v12 =	vadd.s32 $0xFF, v12  }
0x15c: {  	v9 =	vmul.f32 v9, v3;
	v15 =	vshll.u32 v11, $0x9;
	v16 =	vand.u32 $0x7F, v12  }
0x15d: {  	v12 =	vshll.u32 v12, $0x3;
	v15 =	vand.u32 $0x7FFFF000, v15;
	v8 =	vor.u32 v8, v16  }
0x15e: {  	v11 =	vshll.u32 v11, $0x7;
	v12 =	vand.u32 $0x7FFFFC00, v12;
	v8 =	vadd.s32 v15, v8  }
0x15f: {  	s29 =	sadd.s32 $0x10, s29;
	v10 =	vmul.f32 v10, v5;
	v11 =	vand.u32 $0x380, v11;
	v8 =	vadd.s32 v12, v8  }
0x160: {  	s31 =	sshra.s32 s28, $0x2;
	s28 =	smov.u32 s23;
	s23 =	smov.u32 s30;
	v12 =	vor.u32 s29, v0;
	v8 =	vor.u32 v11, v8  }
0x161: {  	v13 =	vadd.f32 v14, v13;
	v9 =	vadd.f32 v10, v9;
	v11 =	vmov s29;
	[tilespmem:s31+$0x2400] =	vst v8  }
0x162: {  	v10 =	vand.u32 $0x7F, v12;
	v8 =	vshrl.u32 v11, $0x7  }
0x163: {  	v13 =	vadd.f32 v13, v4;
	v9 =	vadd.f32 v9, v6;
	v12 =	vshrl.u32 v11, $0x9  }
0x164: {  	v14 =	vshrl.u32 v11, $0x3;
	v8 =	vand.u32 $0x7, v8;
	v12 =	vand.u32 $0x1F8, v12  }
.Ltmp6:
0x165: {  	v13 =	vtrunc.f32 v13;
	v9 =	vtrunc.f32 v9;
	v14 =	vand.u32 $0x180, v14;
	(pc) =	sbr.rel @p0 .LBB2_14-.Ltmp6, $4  }
0x166: {  	v8 =	vor.u32 v12, v8;
	v12 =	vcvt.f32.s32 v13;
	v13 =	vcvt.f32.s32 v9  }
0x167: {  	v10 =	vor.u32 v10, v14;
	v9 =	vsub.s32 $0x100, v8;
	v8 =	vand.u32 $0x7FFC0000, v7;
	v7 =	vmovc v11  }
0x168: {  	v10 =	vadd.s32 $0xFFFFFF00, v10;
	vm0 =	vgt.s32 v12, $0xFFFFFF01;
	vm1 =	vgt.s32 v13, $0xFFFFFF01  }
0x169: {  	s30 =	sadd.s32 $0x40, s30;
	v9 =	vcvt.s32.f32 v9;
	v11 =	vnsel vm0, $0xFFFFFF01, v12;
	v12 =	vnsel vm1, $0xFFFFFF01, v13  }
0x16a: {  	v10 =	vcvt.s32.f32 v10  }
0x16b: {  	v13 =	vmul.f32 v9, v1;
	v9 =	vmul.f32 v9, v3  }
0x16c: {  	vm0 =	vlt.s32 v11, $0x100;
	v14 =	vmul.f32 v10, v2;
	v10 =	vmul.f32 v10, v5  }
0x16d: {  	vm1 =	vlt.s32 v12, $0x100;
	v11 =	vnsel vm0, $0x100, v11  }
0x16e: {  	v12 =	vnsel vm1, $0x100, v12;
	v13 =	vadd.f32 v14, v13;
	v9 =	vadd.f32 v10, v9  }
0x16f: {  	v7 =	vand.u32 $0x7FFC0000, v7;
	v10 =	vsub.s32 $0x100, v11;
	v11 =	vadd.s32 $0xFF, v12  }
0x170: {  	v14 =	vand.u32 $0x7F, v11;
	v12 =	vadd.f32 v13, v4;
	v9 =	vadd.f32 v9, v6  }
0x171: {  	v11 =	vshll.u32 v11, $0x3;
	v13 =	vshll.u32 v10, $0x9;
	v8 =	vor.u32 v8, v14  }
0x172: {  	v10 =	vshll.u32 v10, $0x7;
	v12 =	vtrunc.f32 v12;
	v9 =	vtrunc.f32 v9  }
0x173: {  	v13 =	vand.u32 $0x7FFFF000, v13;
	v12 =	vcvt.f32.s32 v12;
	v9 =	vcvt.f32.s32 v9  }
0x174: {  	v11 =	vand.u32 $0x7FFFFC00, v11;
	v10 =	vand.u32 $0x380, v10;
	v8 =	vadd.s32 v13, v8  }
0x175: {  	v8 =	vadd.s32 v11, v8;
	vm12 =	vgt.s32 v12, $0xFFFFFF01;
	vm13 =	vgt.s32 v9, $0xFFFFFF01  }
0x176: {  	v8 =	vor.u32 v10, v8;
	v11 =	vnsel vm12, $0xFFFFFF01, v12;
	v9 =	vnsel vm13, $0xFFFFFF01, v9  }
0x177: {  	v12 =	vor.u32 s14, v0;
	vm0 =	vlt.s32 v11, $0x100;
	vm1 =	vlt.s32 v9, $0x100  }
0x178: {  	v12 =	vand.u32 $0x7F, v12;
	v10 =	vnsel vm0, $0x100, v11;
	v9 =	vnsel vm1, $0x100, v9  }
0x179: {  	v11 =	vmov s14;
	v10 =	vsub.s32 $0x100, v10;
	v9 =	vadd.s32 $0xFF, v9  }
0x17a: {  	v13 =	vshrl.u32 v11, $0x7;
	v14 =	vshrl.u32 v11, $0x9;
	v15 =	vshrl.u32 v11, $0x3  }
0x17b: {  	v13 =	vand.u32 $0x7, v13;
	v14 =	vand.u32 $0x1F8, v14;
	v15 =	vand.u32 $0x180, v15  }
0x17c: {  	v16 =	vshll.u32 v10, $0x9;
	v13 =	vor.u32 v14, v13;
	v12 =	vor.u32 v12, v15  }
0x17d: {  	v10 =	vshll.u32 v10, $0x7;
	v13 =	vsub.s32 $0x100, v13;
	v12 =	vadd.s32 $0xFFFFFF00, v12  }
0x17e: {  	v14 =	vand.u32 $0x7F, v9;
	v13 =	vcvt.s32.f32 v13;
	v12 =	vcvt.s32.f32 v12  }
0x17f: {  	v9 =	vshll.u32 v9, $0x3;
	v15 =	vand.u32 $0x7FFFF000, v16;
	v7 =	vor.u32 v7, v14  }
0x180: {  	v9 =	vand.u32 $0x7FFFFC00, v9;
	v14 =	vmul.f32 v13, v1;
	v62 =	vmul.f32 v12, v2  }
0x181: {  	s29 =	sadd.s32 $0x10, s14;
	v7 =	vadd.s32 v15, v7;
	v13 =	vmul.f32 v13, v3;
	v12 =	vmul.f32 v12, v5  }
0x182: {  	v10 =	vand.u32 $0x380, v10;
	v15 =	vor.u32 s29, v0;
	v9 =	vadd.s32 v9, v7  }
0x183: {  	v7 =	vmov s29;
	v14 =	vadd.f32 v62, v14;
	v12 =	vadd.f32 v12, v13  }
0x184: {  	v9 =	vor.u32 v10, v9;
	v10 =	vshrl.u32 v7, $0x7;
	v63 =	vshrl.u32 v7, $0x3  }
0x185: {  	s28 =	sshra.s32 s28, $0x2;
	v10 =	vand.u32 $0x7, v10;
	v14 =	vadd.f32 v14, v4;
	v12 =	vadd.f32 v12, v6  }
0x186: {  	[tilespmem:s28+$0x2400] =	vst v8;
	v8 =	vand.u32 $0x180, v63;
	v13 =	vand.u32 $0x7F, v15;
	v15 =	vshrl.u32 v7, $0x9  }
0x187: {  	s23 =	sshra.s32 s23, $0x2;
	v15 =	vand.u32 $0x1F8, v15;
	v14 =	vtrunc.f32 v14;
	v12 =	vtrunc.f32 v12  }
0x188: {  	[tilespmem:s23+$0x2400] =	vst v9;
	v9 =	vor.u32 v15, v10;
	v14 =	vcvt.f32.s32 v14;
	v12 =	vcvt.f32.s32 v12  }
0x189: {  	s31 =	simm.s32 $0x2400;
	s28 =	simm.s32 $0x8400;
	v10 =	vor.u32 v13, v8;
	v8 =	vand.u32 $0x7FFC0000, v11;
	v9 =	vsub.s32 $0x100, v9  }
0x18a: {  	[tilespmem:s28], [sflag:$0x1] =	stream.indirect.gather [hbm4b:s1+s25], $0x1, s31, s25, $0xb8;
	v10 =	vadd.s32 $0xFFFFFF00, v10;
	vm14 =	vgt.s32 v14, $0xFFFFFF01;
	vm15 =	vgt.s32 v12, $0xFFFFFF01;
	[tilespmem:$0xC060] =	vst v63  }
0x18b: {  	s30 =	simm.s32 $0x80;
	s23 =	simm.s32 $0x40;
	s28 =	simm.s32 $0x0;
	v9 =	vcvt.s32.f32 v9;
	v11 =	vnsel vm14, $0xFFFFFF01, v14;
	v12 =	vnsel vm15, $0xFFFFFF01, v12  }
.LBB2_16:
0x18c: {  	p0 =	sne.s32 s30, $0x17C0;
	v10 =	vcvt.s32.f32 v10;
	vm0 =	vlt.s32 v11, $0x100;
	vm1 =	vlt.s32 v12, $0x100  }
0x18d: {  	v13 =	vmul.f32 v9, v1;
	v11 =	vnsel vm0, $0x100, v11;
	v12 =	vnsel vm1, $0x100, v12  }
0x18e: {  	v14 =	vmul.f32 v10, v2;
	v11 =	vsub.s32 $0x100, v11;
	v12 =	vadd.s32 $0xFF, v12  }
0x18f: {  	v9 =	vmul.f32 v9, v3;
	v15 =	vshll.u32 v11, $0x9;
	v16 =	vand.u32 $0x7F, v12  }
0x190: {  	v12 =	vshll.u32 v12, $0x3;
	v15 =	vand.u32 $0x7FFFF000, v15;
	v8 =	vor.u32 v8, v16  }
0x191: {  	v11 =	vshll.u32 v11, $0x7;
	v12 =	vand.u32 $0x7FFFFC00, v12;
	v8 =	vadd.s32 v15, v8  }
0x192: {  	s29 =	sadd.s32 $0x10, s29;
	v10 =	vmul.f32 v10, v5;
	v11 =	vand.u32 $0x380, v11;
	v8 =	vadd.s32 v12, v8  }
0x193: {  	s31 =	sshra.s32 s28, $0x2;
	s28 =	smov.u32 s23;
	s23 =	smov.u32 s30;
	v12 =	vor.u32 s29, v0;
	v8 =	vor.u32 v11, v8  }
0x194: {  	v13 =	vadd.f32 v14, v13;
	v9 =	vadd.f32 v10, v9;
	v11 =	vmov s29;
	[tilespmem:s31+$0x2A00] =	vst v8  }
0x195: {  	v10 =	vand.u32 $0x7F, v12;
	v8 =	vshrl.u32 v11, $0x7  }
0x196: {  	v13 =	vadd.f32 v13, v4;
	v9 =	vadd.f32 v9, v6;
	v12 =	vshrl.u32 v11, $0x9  }
0x197: {  	v14 =	vshrl.u32 v11, $0x3;
	v8 =	vand.u32 $0x7, v8;
	v12 =	vand.u32 $0x1F8, v12  }
.Ltmp7:
0x198: {  	v13 =	vtrunc.f32 v13;
	v9 =	vtrunc.f32 v9;
	v14 =	vand.u32 $0x180, v14;
	(pc) =	sbr.rel @p0 .LBB2_16-.Ltmp7, $4  }
0x199: {  	v8 =	vor.u32 v12, v8;
	v12 =	vcvt.f32.s32 v13;
	v13 =	vcvt.f32.s32 v9  }
0x19a: {  	v10 =	vor.u32 v10, v14;
	v9 =	vsub.s32 $0x100, v8;
	v8 =	vand.u32 $0x7FFC0000, v7;
	v7 =	vmovc v11  }
0x19b: {  	v10 =	vadd.s32 $0xFFFFFF00, v10;
	vm0 =	vgt.s32 v12, $0xFFFFFF01;
	vm1 =	vgt.s32 v13, $0xFFFFFF01  }
0x19c: {  	s30 =	sadd.s32 $0x40, s30;
	v9 =	vcvt.s32.f32 v9;
	v11 =	vnsel vm0, $0xFFFFFF01, v12;
	v12 =	vnsel vm1, $0xFFFFFF01, v13  }
0x19d: {  	v10 =	vcvt.s32.f32 v10  }
0x19e: {  	v13 =	vmul.f32 v9, v1;
	v9 =	vmul.f32 v9, v3  }
0x19f: {  	vm0 =	vlt.s32 v11, $0x100;
	v14 =	vmul.f32 v10, v2;
	v10 =	vmul.f32 v10, v5  }
0x1a0: {  	vm1 =	vlt.s32 v12, $0x100;
	v11 =	vnsel vm0, $0x100, v11  }
0x1a1: {  	v12 =	vnsel vm1, $0x100, v12;
	v13 =	vadd.f32 v14, v13;
	v9 =	vadd.f32 v10, v9  }
0x1a2: {  	v7 =	vand.u32 $0x7FFC0000, v7;
	v10 =	vsub.s32 $0x100, v11;
	v11 =	vadd.s32 $0xFF, v12  }
0x1a3: {  	v14 =	vand.u32 $0x7F, v11;
	v12 =	vadd.f32 v13, v4;
	v9 =	vadd.f32 v9, v6  }
0x1a4: {  	v11 =	vshll.u32 v11, $0x3;
	v13 =	vshll.u32 v10, $0x9;
	v8 =	vor.u32 v8, v14  }
0x1a5: {  	v10 =	vshll.u32 v10, $0x7;
	v12 =	vtrunc.f32 v12;
	v9 =	vtrunc.f32 v9  }
0x1a6: {  	v13 =	vand.u32 $0x7FFFF000, v13;
	v12 =	vcvt.f32.s32 v12;
	v9 =	vcvt.f32.s32 v9  }
0x1a7: {  	v11 =	vand.u32 $0x7FFFFC00, v11;
	v10 =	vand.u32 $0x380, v10;
	v8 =	vadd.s32 v13, v8  }
0x1a8: {  	v8 =	vadd.s32 v11, v8;
	vm12 =	vgt.s32 v12, $0xFFFFFF01;
	vm13 =	vgt.s32 v9, $0xFFFFFF01  }
0x1a9: {  	v8 =	vor.u32 v10, v8;
	v11 =	vnsel vm12, $0xFFFFFF01, v12;
	v9 =	vnsel vm13, $0xFFFFFF01, v9  }
0x1aa: {  	v12 =	vor.u32 s15, v0;
	vm0 =	vlt.s32 v11, $0x100;
	vm1 =	vlt.s32 v9, $0x100  }
0x1ab: {  	v12 =	vand.u32 $0x7F, v12;
	v10 =	vnsel vm0, $0x100, v11;
	v9 =	vnsel vm1, $0x100, v9  }
0x1ac: {  	v11 =	vmov s15;
	v10 =	vsub.s32 $0x100, v10;
	v9 =	vadd.s32 $0xFF, v9  }
0x1ad: {  	v13 =	vshrl.u32 v11, $0x7;
	v14 =	vshrl.u32 v11, $0x9;
	v15 =	vshrl.u32 v11, $0x3  }
0x1ae: {  	v13 =	vand.u32 $0x7, v13;
	v14 =	vand.u32 $0x1F8, v14;
	v15 =	vand.u32 $0x180, v15  }
0x1af: {  	v16 =	vshll.u32 v10, $0x9;
	v13 =	vor.u32 v14, v13;
	v12 =	vor.u32 v12, v15  }
0x1b0: {  	v10 =	vshll.u32 v10, $0x7;
	v13 =	vsub.s32 $0x100, v13;
	v12 =	vadd.s32 $0xFFFFFF00, v12  }
0x1b1: {  	v14 =	vand.u32 $0x7F, v9;
	v13 =	vcvt.s32.f32 v13;
	v12 =	vcvt.s32.f32 v12  }
0x1b2: {  	v9 =	vshll.u32 v9, $0x3;
	v15 =	vand.u32 $0x7FFFF000, v16;
	v7 =	vor.u32 v7, v14  }
0x1b3: {  	v9 =	vand.u32 $0x7FFFFC00, v9;
	v14 =	vmul.f32 v13, v1;
	v62 =	vmul.f32 v12, v2  }
0x1b4: {  	s29 =	sadd.s32 $0x10, s15;
	v7 =	vadd.s32 v15, v7;
	v13 =	vmul.f32 v13, v3;
	v12 =	vmul.f32 v12, v5  }
0x1b5: {  	v10 =	vand.u32 $0x380, v10;
	v15 =	vor.u32 s29, v0;
	v9 =	vadd.s32 v9, v7  }
0x1b6: {  	v7 =	vmov s29;
	v14 =	vadd.f32 v62, v14;
	v12 =	vadd.f32 v12, v13  }
0x1b7: {  	v9 =	vor.u32 v10, v9;
	v10 =	vshrl.u32 v7, $0x7;
	v63 =	vshrl.u32 v7, $0x3  }
0x1b8: {  	s28 =	sshra.s32 s28, $0x2;
	v10 =	vand.u32 $0x7, v10;
	v14 =	vadd.f32 v14, v4;
	v12 =	vadd.f32 v12, v6  }
0x1b9: {  	[tilespmem:s28+$0x2A00] =	vst v8;
	v8 =	vand.u32 $0x180, v63;
	v13 =	vand.u32 $0x7F, v15;
	v15 =	vshrl.u32 v7, $0x9  }
0x1ba: {  	s23 =	sshra.s32 s23, $0x2;
	v15 =	vand.u32 $0x1F8, v15;
	v14 =	vtrunc.f32 v14;
	v12 =	vtrunc.f32 v12  }
0x1bb: {  	[tilespmem:s23+$0x2A00] =	vst v9;
	v9 =	vor.u32 v15, v10;
	v14 =	vcvt.f32.s32 v14;
	v12 =	vcvt.f32.s32 v12  }
0x1bc: {  	s31 =	simm.s32 $0x2A00;
	s28 =	simm.s32 $0x8A00;
	v10 =	vor.u32 v13, v8;
	v8 =	vand.u32 $0x7FFC0000, v11;
	v9 =	vsub.s32 $0x100, v9  }
0x1bd: {  	[tilespmem:s28], [sflag:$0x1] =	stream.indirect.gather [hbm4b:s1+s25], $0x1, s31, s25, $0xb8;
	v10 =	vadd.s32 $0xFFFFFF00, v10;
	vm14 =	vgt.s32 v14, $0xFFFFFF01;
	vm15 =	vgt.s32 v12, $0xFFFFFF01;
	[tilespmem:$0xC060] =	vst v63  }
0x1be: {  	s30 =	simm.s32 $0x80;
	s23 =	simm.s32 $0x40;
	s28 =	simm.s32 $0x0;
	v9 =	vcvt.s32.f32 v9;
	v11 =	vnsel vm14, $0xFFFFFF01, v14;
	v12 =	vnsel vm15, $0xFFFFFF01, v12  }
.LBB2_18:
0x1bf: {  	p0 =	sne.s32 s30, $0x17C0;
	v10 =	vcvt.s32.f32 v10;
	vm0 =	vlt.s32 v11, $0x100;
	vm1 =	vlt.s32 v12, $0x100  }
0x1c0: {  	v13 =	vmul.f32 v9, v1;
	v11 =	vnsel vm0, $0x100, v11;
	v12 =	vnsel vm1, $0x100, v12  }
0x1c1: {  	v14 =	vmul.f32 v10, v2;
	v11 =	vsub.s32 $0x100, v11;
	v12 =	vadd.s32 $0xFF, v12  }
0x1c2: {  	v9 =	vmul.f32 v9, v3;
	v15 =	vshll.u32 v11, $0x9;
	v16 =	vand.u32 $0x7F, v12  }
0x1c3: {  	v12 =	vshll.u32 v12, $0x3;
	v15 =	vand.u32 $0x7FFFF000, v15;
	v8 =	vor.u32 v8, v16  }
0x1c4: {  	v11 =	vshll.u32 v11, $0x7;
	v12 =	vand.u32 $0x7FFFFC00, v12;
	v8 =	vadd.s32 v15, v8  }
0x1c5: {  	s29 =	sadd.s32 $0x10, s29;
	v10 =	vmul.f32 v10, v5;
	v11 =	vand.u32 $0x380, v11;
	v8 =	vadd.s32 v12, v8  }
0x1c6: {  	s31 =	sshra.s32 s28, $0x2;
	s28 =	smov.u32 s23;
	s23 =	smov.u32 s30;
	v12 =	vor.u32 s29, v0;
	v8 =	vor.u32 v11, v8  }
0x1c7: {  	v13 =	vadd.f32 v14, v13;
	v9 =	vadd.f32 v10, v9;
	v11 =	vmov s29;
	[tilespmem:s31+$0x3000] =	vst v8  }
0x1c8: {  	v10 =	vand.u32 $0x7F, v12;
	v8 =	vshrl.u32 v11, $0x7  }
0x1c9: {  	v13 =	vadd.f32 v13, v4;
	v9 =	vadd.f32 v9, v6;
	v12 =	vshrl.u32 v11, $0x9  }
0x1ca: {  	v14 =	vshrl.u32 v11, $0x3;
	v8 =	vand.u32 $0x7, v8;
	v12 =	vand.u32 $0x1F8, v12  }
.Ltmp8:
0x1cb: {  	v13 =	vtrunc.f32 v13;
	v9 =	vtrunc.f32 v9;
	v14 =	vand.u32 $0x180, v14;
	(pc) =	sbr.rel @p0 .LBB2_18-.Ltmp8, $4  }
0x1cc: {  	v8 =	vor.u32 v12, v8;
	v12 =	vcvt.f32.s32 v13;
	v13 =	vcvt.f32.s32 v9  }
0x1cd: {  	v10 =	vor.u32 v10, v14;
	v9 =	vsub.s32 $0x100, v8;
	v8 =	vand.u32 $0x7FFC0000, v7;
	v7 =	vmovc v11  }
0x1ce: {  	v10 =	vadd.s32 $0xFFFFFF00, v10;
	vm0 =	vgt.s32 v12, $0xFFFFFF01;
	vm1 =	vgt.s32 v13, $0xFFFFFF01  }
0x1cf: {  	s30 =	sadd.s32 $0x40, s30;
	v9 =	vcvt.s32.f32 v9;
	v11 =	vnsel vm0, $0xFFFFFF01, v12;
	v12 =	vnsel vm1, $0xFFFFFF01, v13  }
0x1d0: {  	v10 =	vcvt.s32.f32 v10  }
0x1d1: {  	v13 =	vmul.f32 v9, v1;
	v9 =	vmul.f32 v9, v3  }
0x1d2: {  	vm0 =	vlt.s32 v11, $0x100;
	v14 =	vmul.f32 v10, v2;
	v10 =	vmul.f32 v10, v5  }
0x1d3: {  	vm1 =	vlt.s32 v12, $0x100;
	v11 =	vnsel vm0, $0x100, v11  }
0x1d4: {  	v12 =	vnsel vm1, $0x100, v12;
	v13 =	vadd.f32 v14, v13;
	v9 =	vadd.f32 v10, v9  }
0x1d5: {  	v7 =	vand.u32 $0x7FFC0000, v7;
	v10 =	vsub.s32 $0x100, v11;
	v11 =	vadd.s32 $0xFF, v12  }
0x1d6: {  	v14 =	vand.u32 $0x7F, v11;
	v12 =	vadd.f32 v13, v4;
	v9 =	vadd.f32 v9, v6  }
0x1d7: {  	v11 =	vshll.u32 v11, $0x3;
	v13 =	vshll.u32 v10, $0x9;
	v8 =	vor.u32 v8, v14  }
0x1d8: {  	v10 =	vshll.u32 v10, $0x7;
	v12 =	vtrunc.f32 v12;
	v9 =	vtrunc.f32 v9  }
0x1d9: {  	v13 =	vand.u32 $0x7FFFF000, v13;
	v12 =	vcvt.f32.s32 v12;
	v9 =	vcvt.f32.s32 v9  }
0x1da: {  	v11 =	vand.u32 $0x7FFFFC00, v11;
	v10 =	vand.u32 $0x380, v10;
	v8 =	vadd.s32 v13, v8  }
0x1db: {  	v8 =	vadd.s32 v11, v8;
	vm12 =	vgt.s32 v12, $0xFFFFFF01;
	vm13 =	vgt.s32 v9, $0xFFFFFF01  }
0x1dc: {  	v8 =	vor.u32 v10, v8;
	v11 =	vnsel vm12, $0xFFFFFF01, v12;
	v9 =	vnsel vm13, $0xFFFFFF01, v9  }
0x1dd: {  	v12 =	vor.u32 s16, v0;
	vm0 =	vlt.s32 v11, $0x100;
	vm1 =	vlt.s32 v9, $0x100  }
0x1de: {  	v12 =	vand.u32 $0x7F, v12;
	v10 =	vnsel vm0, $0x100, v11;
	v9 =	vnsel vm1, $0x100, v9  }
0x1df: {  	v11 =	vmov s16;
	v10 =	vsub.s32 $0x100, v10;
	v9 =	vadd.s32 $0xFF, v9  }
0x1e0: {  	v13 =	vshrl.u32 v11, $0x7;
	v14 =	vshrl.u32 v11, $0x9;
	v15 =	vshrl.u32 v11, $0x3  }
0x1e1: {  	v13 =	vand.u32 $0x7, v13;
	v14 =	vand.u32 $0x1F8, v14;
	v15 =	vand.u32 $0x180, v15  }
0x1e2: {  	v16 =	vshll.u32 v10, $0x9;
	v13 =	vor.u32 v14, v13;
	v12 =	vor.u32 v12, v15  }
0x1e3: {  	v10 =	vshll.u32 v10, $0x7;
	v13 =	vsub.s32 $0x100, v13;
	v12 =	vadd.s32 $0xFFFFFF00, v12  }
0x1e4: {  	v14 =	vand.u32 $0x7F, v9;
	v13 =	vcvt.s32.f32 v13;
	v12 =	vcvt.s32.f32 v12  }
0x1e5: {  	v9 =	vshll.u32 v9, $0x3;
	v15 =	vand.u32 $0x7FFFF000, v16;
	v7 =	vor.u32 v7, v14  }
0x1e6: {  	v9 =	vand.u32 $0x7FFFFC00, v9;
	v14 =	vmul.f32 v13, v1;
	v62 =	vmul.f32 v12, v2  }
0x1e7: {  	s29 =	sadd.s32 $0x10, s16;
	v7 =	vadd.s32 v15, v7;
	v13 =	vmul.f32 v13, v3;
	v12 =	vmul.f32 v12, v5  }
0x1e8: {  	v10 =	vand.u32 $0x380, v10;
	v15 =	vor.u32 s29, v0;
	v9 =	vadd.s32 v9, v7  }
0x1e9: {  	v7 =	vmov s29;
	v14 =	vadd.f32 v62, v14;
	v12 =	vadd.f32 v12, v13  }
0x1ea: {  	v9 =	vor.u32 v10, v9;
	v10 =	vshrl.u32 v7, $0x7;
	v63 =	vshrl.u32 v7, $0x3  }
0x1eb: {  	s28 =	sshra.s32 s28, $0x2;
	v10 =	vand.u32 $0x7, v10;
	v14 =	vadd.f32 v14, v4;
	v12 =	vadd.f32 v12, v6  }
0x1ec: {  	[tilespmem:s28+$0x3000] =	vst v8;
	v8 =	vand.u32 $0x180, v63;
	v13 =	vand.u32 $0x7F, v15;
	v15 =	vshrl.u32 v7, $0x9  }
0x1ed: {  	s23 =	sshra.s32 s23, $0x2;
	v15 =	vand.u32 $0x1F8, v15;
	v14 =	vtrunc.f32 v14;
	v12 =	vtrunc.f32 v12  }
0x1ee: {  	[tilespmem:s23+$0x3000] =	vst v9;
	v9 =	vor.u32 v15, v10;
	v14 =	vcvt.f32.s32 v14;
	v12 =	vcvt.f32.s32 v12  }
0x1ef: {  	s31 =	simm.s32 $0x3000;
	s28 =	simm.s32 $0x9000;
	v10 =	vor.u32 v13, v8;
	v8 =	vand.u32 $0x7FFC0000, v11;
	v9 =	vsub.s32 $0x100, v9  }
0x1f0: {  	[tilespmem:s28], [sflag:$0x1] =	stream.indirect.gather [hbm4b:s1+s25], $0x1, s31, s25, $0xb8;
	v10 =	vadd.s32 $0xFFFFFF00, v10;
	vm14 =	vgt.s32 v14, $0xFFFFFF01;
	vm15 =	vgt.s32 v12, $0xFFFFFF01;
	[tilespmem:$0xC060] =	vst v63  }
0x1f1: {  	s30 =	simm.s32 $0x80;
	s23 =	simm.s32 $0x40;
	s28 =	simm.s32 $0x0;
	v9 =	vcvt.s32.f32 v9;
	v11 =	vnsel vm14, $0xFFFFFF01, v14;
	v12 =	vnsel vm15, $0xFFFFFF01, v12  }
.LBB2_20:
0x1f2: {  	p0 =	sne.s32 s30, $0x17C0;
	v10 =	vcvt.s32.f32 v10;
	vm0 =	vlt.s32 v11, $0x100;
	vm1 =	vlt.s32 v12, $0x100  }
0x1f3: {  	v13 =	vmul.f32 v9, v1;
	v11 =	vnsel vm0, $0x100, v11;
	v12 =	vnsel vm1, $0x100, v12  }
0x1f4: {  	v14 =	vmul.f32 v10, v2;
	v11 =	vsub.s32 $0x100, v11;
	v12 =	vadd.s32 $0xFF, v12  }
0x1f5: {  	v9 =	vmul.f32 v9, v3;
	v15 =	vshll.u32 v11, $0x9;
	v16 =	vand.u32 $0x7F, v12  }
0x1f6: {  	v12 =	vshll.u32 v12, $0x3;
	v15 =	vand.u32 $0x7FFFF000, v15;
	v8 =	vor.u32 v8, v16  }
0x1f7: {  	v11 =	vshll.u32 v11, $0x7;
	v12 =	vand.u32 $0x7FFFFC00, v12;
	v8 =	vadd.s32 v15, v8  }
0x1f8: {  	s29 =	sadd.s32 $0x10, s29;
	v10 =	vmul.f32 v10, v5;
	v11 =	vand.u32 $0x380, v11;
	v8 =	vadd.s32 v12, v8  }
0x1f9: {  	s31 =	sshra.s32 s28, $0x2;
	s28 =	smov.u32 s23;
	s23 =	smov.u32 s30;
	v12 =	vor.u32 s29, v0;
	v8 =	vor.u32 v11, v8  }
0x1fa: {  	v13 =	vadd.f32 v14, v13;
	v9 =	vadd.f32 v10, v9;
	v11 =	vmov s29;
	[tilespmem:s31+$0x3600] =	vst v8  }
0x1fb: {  	v10 =	vand.u32 $0x7F, v12;
	v8 =	vshrl.u32 v11, $0x7  }
0x1fc: {  	v13 =	vadd.f32 v13, v4;
	v9 =	vadd.f32 v9, v6;
	v12 =	vshrl.u32 v11, $0x9  }
0x1fd: {  	v14 =	vshrl.u32 v11, $0x3;
	v8 =	vand.u32 $0x7, v8;
	v12 =	vand.u32 $0x1F8, v12  }
.Ltmp9:
0x1fe: {  	v13 =	vtrunc.f32 v13;
	v9 =	vtrunc.f32 v9;
	v14 =	vand.u32 $0x180, v14;
	(pc) =	sbr.rel @p0 .LBB2_20-.Ltmp9, $4  }
0x1ff: {  	v8 =	vor.u32 v12, v8;
	v12 =	vcvt.f32.s32 v13;
	v13 =	vcvt.f32.s32 v9  }
0x200: {  	v10 =	vor.u32 v10, v14;
	v9 =	vsub.s32 $0x100, v8;
	v8 =	vand.u32 $0x7FFC0000, v7;
	v7 =	vmovc v11  }
0x201: {  	v10 =	vadd.s32 $0xFFFFFF00, v10;
	vm0 =	vgt.s32 v12, $0xFFFFFF01;
	vm1 =	vgt.s32 v13, $0xFFFFFF01  }
0x202: {  	s30 =	sadd.s32 $0x40, s30;
	v9 =	vcvt.s32.f32 v9;
	v11 =	vnsel vm0, $0xFFFFFF01, v12;
	v12 =	vnsel vm1, $0xFFFFFF01, v13  }
0x203: {  	v10 =	vcvt.s32.f32 v10  }
0x204: {  	v13 =	vmul.f32 v9, v1;
	v9 =	vmul.f32 v9, v3  }
0x205: {  	vm0 =	vlt.s32 v11, $0x100;
	v14 =	vmul.f32 v10, v2;
	v10 =	vmul.f32 v10, v5  }
0x206: {  	vm1 =	vlt.s32 v12, $0x100;
	v11 =	vnsel vm0, $0x100, v11  }
0x207: {  	v12 =	vnsel vm1, $0x100, v12;
	v13 =	vadd.f32 v14, v13;
	v9 =	vadd.f32 v10, v9  }
0x208: {  	v7 =	vand.u32 $0x7FFC0000, v7;
	v10 =	vsub.s32 $0x100, v11;
	v11 =	vadd.s32 $0xFF, v12  }
0x209: {  	v14 =	vand.u32 $0x7F, v11;
	v12 =	vadd.f32 v13, v4;
	v9 =	vadd.f32 v9, v6  }
0x20a: {  	v11 =	vshll.u32 v11, $0x3;
	v13 =	vshll.u32 v10, $0x9;
	v8 =	vor.u32 v8, v14  }
0x20b: {  	v10 =	vshll.u32 v10, $0x7;
	v12 =	vtrunc.f32 v12;
	v9 =	vtrunc.f32 v9  }
0x20c: {  	v13 =	vand.u32 $0x7FFFF000, v13;
	v12 =	vcvt.f32.s32 v12;
	v9 =	vcvt.f32.s32 v9  }
0x20d: {  	v11 =	vand.u32 $0x7FFFFC00, v11;
	v10 =	vand.u32 $0x380, v10;
	v8 =	vadd.s32 v13, v8  }
0x20e: {  	v8 =	vadd.s32 v11, v8;
	vm12 =	vgt.s32 v12, $0xFFFFFF01;
	vm13 =	vgt.s32 v9, $0xFFFFFF01  }
0x20f: {  	v8 =	vor.u32 v10, v8;
	v11 =	vnsel vm12, $0xFFFFFF01, v12;
	v9 =	vnsel vm13, $0xFFFFFF01, v9  }
0x210: {  	v12 =	vor.u32 s17, v0;
	vm0 =	vlt.s32 v11, $0x100;
	vm1 =	vlt.s32 v9, $0x100  }
0x211: {  	v12 =	vand.u32 $0x7F, v12;
	v10 =	vnsel vm0, $0x100, v11;
	v9 =	vnsel vm1, $0x100, v9  }
0x212: {  	v11 =	vmov s17;
	v10 =	vsub.s32 $0x100, v10;
	v9 =	vadd.s32 $0xFF, v9  }
0x213: {  	v13 =	vshrl.u32 v11, $0x7;
	v14 =	vshrl.u32 v11, $0x9;
	v15 =	vshrl.u32 v11, $0x3  }
0x214: {  	v13 =	vand.u32 $0x7, v13;
	v14 =	vand.u32 $0x1F8, v14;
	v15 =	vand.u32 $0x180, v15  }
0x215: {  	v16 =	vshll.u32 v10, $0x9;
	v13 =	vor.u32 v14, v13;
	v12 =	vor.u32 v12, v15  }
0x216: {  	v10 =	vshll.u32 v10, $0x7;
	v13 =	vsub.s32 $0x100, v13;
	v12 =	vadd.s32 $0xFFFFFF00, v12  }
0x217: {  	v14 =	vand.u32 $0x7F, v9;
	v13 =	vcvt.s32.f32 v13;
	v12 =	vcvt.s32.f32 v12  }
0x218: {  	v9 =	vshll.u32 v9, $0x3;
	v15 =	vand.u32 $0x7FFFF000, v16;
	v7 =	vor.u32 v7, v14  }
0x219: {  	v9 =	vand.u32 $0x7FFFFC00, v9;
	v14 =	vmul.f32 v13, v1;
	v62 =	vmul.f32 v12, v2  }
0x21a: {  	s29 =	sadd.s32 $0x10, s17;
	v7 =	vadd.s32 v15, v7;
	v13 =	vmul.f32 v13, v3;
	v12 =	vmul.f32 v12, v5  }
0x21b: {  	v10 =	vand.u32 $0x380, v10;
	v15 =	vor.u32 s29, v0;
	v9 =	vadd.s32 v9, v7  }
0x21c: {  	v7 =	vmov s29;
	v14 =	vadd.f32 v62, v14;
	v12 =	vadd.f32 v12, v13  }
0x21d: {  	v9 =	vor.u32 v10, v9;
	v10 =	vshrl.u32 v7, $0x7;
	v63 =	vshrl.u32 v7, $0x3  }
0x21e: {  	s28 =	sshra.s32 s28, $0x2;
	v10 =	vand.u32 $0x7, v10;
	v14 =	vadd.f32 v14, v4;
	v12 =	vadd.f32 v12, v6  }
0x21f: {  	[tilespmem:s28+$0x3600] =	vst v8;
	v8 =	vand.u32 $0x180, v63;
	v13 =	vand.u32 $0x7F, v15;
	v15 =	vshrl.u32 v7, $0x9  }
0x220: {  	s23 =	sshra.s32 s23, $0x2;
	v15 =	vand.u32 $0x1F8, v15;
	v14 =	vtrunc.f32 v14;
	v12 =	vtrunc.f32 v12  }
0x221: {  	[tilespmem:s23+$0x3600] =	vst v9;
	v9 =	vor.u32 v15, v10;
	v14 =	vcvt.f32.s32 v14;
	v12 =	vcvt.f32.s32 v12  }
0x222: {  	s31 =	simm.s32 $0x3600;
	s28 =	simm.s32 $0x9600;
	v10 =	vor.u32 v13, v8;
	v8 =	vand.u32 $0x7FFC0000, v11;
	v9 =	vsub.s32 $0x100, v9  }
0x223: {  	[tilespmem:s28], [sflag:$0x1] =	stream.indirect.gather [hbm4b:s1+s25], $0x1, s31, s25, $0xb8;
	v10 =	vadd.s32 $0xFFFFFF00, v10;
	vm14 =	vgt.s32 v14, $0xFFFFFF01;
	vm15 =	vgt.s32 v12, $0xFFFFFF01;
	[tilespmem:$0xC060] =	vst v63  }
0x224: {  	s30 =	simm.s32 $0x80;
	s23 =	simm.s32 $0x40;
	s28 =	simm.s32 $0x0;
	v9 =	vcvt.s32.f32 v9;
	v11 =	vnsel vm14, $0xFFFFFF01, v14;
	v12 =	vnsel vm15, $0xFFFFFF01, v12  }
.LBB2_22:
0x225: {  	p0 =	sne.s32 s30, $0x17C0;
	v10 =	vcvt.s32.f32 v10;
	vm0 =	vlt.s32 v11, $0x100;
	vm1 =	vlt.s32 v12, $0x100  }
0x226: {  	v13 =	vmul.f32 v9, v1;
	v11 =	vnsel vm0, $0x100, v11;
	v12 =	vnsel vm1, $0x100, v12  }
0x227: {  	v14 =	vmul.f32 v10, v2;
	v11 =	vsub.s32 $0x100, v11;
	v12 =	vadd.s32 $0xFF, v12  }
0x228: {  	v9 =	vmul.f32 v9, v3;
	v15 =	vshll.u32 v11, $0x9;
	v16 =	vand.u32 $0x7F, v12  }
0x229: {  	v12 =	vshll.u32 v12, $0x3;
	v15 =	vand.u32 $0x7FFFF000, v15;
	v8 =	vor.u32 v8, v16  }
0x22a: {  	v11 =	vshll.u32 v11, $0x7;
	v12 =	vand.u32 $0x7FFFFC00, v12;
	v8 =	vadd.s32 v15, v8  }
0x22b: {  	s29 =	sadd.s32 $0x10, s29;
	v10 =	vmul.f32 v10, v5;
	v11 =	vand.u32 $0x380, v11;
	v8 =	vadd.s32 v12, v8  }
0x22c: {  	s31 =	sshra.s32 s28, $0x2;
	s28 =	smov.u32 s23;
	s23 =	smov.u32 s30;
	v12 =	vor.u32 s29, v0;
	v8 =	vor.u32 v11, v8  }
0x22d: {  	v13 =	vadd.f32 v14, v13;
	v9 =	vadd.f32 v10, v9;
	v11 =	vmov s29;
	[tilespmem:s31+$0x3C00] =	vst v8  }
0x22e: {  	v10 =	vand.u32 $0x7F, v12;
	v8 =	vshrl.u32 v11, $0x7  }
0x22f: {  	v13 =	vadd.f32 v13, v4;
	v9 =	vadd.f32 v9, v6;
	v12 =	vshrl.u32 v11, $0x9  }
0x230: {  	v14 =	vshrl.u32 v11, $0x3;
	v8 =	vand.u32 $0x7, v8;
	v12 =	vand.u32 $0x1F8, v12  }
.Ltmp10:
0x231: {  	v13 =	vtrunc.f32 v13;
	v9 =	vtrunc.f32 v9;
	v14 =	vand.u32 $0x180, v14;
	(pc) =	sbr.rel @p0 .LBB2_22-.Ltmp10, $4  }
0x232: {  	v8 =	vor.u32 v12, v8;
	v12 =	vcvt.f32.s32 v13;
	v13 =	vcvt.f32.s32 v9  }
0x233: {  	v10 =	vor.u32 v10, v14;
	v9 =	vsub.s32 $0x100, v8;
	v8 =	vand.u32 $0x7FFC0000, v7;
	v7 =	vmovc v11  }
0x234: {  	v10 =	vadd.s32 $0xFFFFFF00, v10;
	vm0 =	vgt.s32 v12, $0xFFFFFF01;
	vm1 =	vgt.s32 v13, $0xFFFFFF01  }
0x235: {  	s30 =	sadd.s32 $0x40, s30;
	v9 =	vcvt.s32.f32 v9;
	v11 =	vnsel vm0, $0xFFFFFF01, v12;
	v12 =	vnsel vm1, $0xFFFFFF01, v13  }
0x236: {  	v10 =	vcvt.s32.f32 v10  }
0x237: {  	v13 =	vmul.f32 v9, v1;
	v9 =	vmul.f32 v9, v3  }
0x238: {  	vm0 =	vlt.s32 v11, $0x100;
	v14 =	vmul.f32 v10, v2;
	v10 =	vmul.f32 v10, v5  }
0x239: {  	vm1 =	vlt.s32 v12, $0x100;
	v11 =	vnsel vm0, $0x100, v11  }
0x23a: {  	v12 =	vnsel vm1, $0x100, v12;
	v13 =	vadd.f32 v14, v13;
	v9 =	vadd.f32 v10, v9  }
0x23b: {  	v7 =	vand.u32 $0x7FFC0000, v7;
	v10 =	vsub.s32 $0x100, v11;
	v11 =	vadd.s32 $0xFF, v12  }
0x23c: {  	v14 =	vand.u32 $0x7F, v11;
	v12 =	vadd.f32 v13, v4;
	v9 =	vadd.f32 v9, v6  }
0x23d: {  	v11 =	vshll.u32 v11, $0x3;
	v13 =	vshll.u32 v10, $0x9;
	v8 =	vor.u32 v8, v14  }
0x23e: {  	v10 =	vshll.u32 v10, $0x7;
	v12 =	vtrunc.f32 v12;
	v9 =	vtrunc.f32 v9  }
0x23f: {  	v13 =	vand.u32 $0x7FFFF000, v13;
	v12 =	vcvt.f32.s32 v12;
	v9 =	vcvt.f32.s32 v9  }
0x240: {  	v11 =	vand.u32 $0x7FFFFC00, v11;
	v10 =	vand.u32 $0x380, v10;
	v8 =	vadd.s32 v13, v8  }
0x241: {  	v8 =	vadd.s32 v11, v8;
	vm12 =	vgt.s32 v12, $0xFFFFFF01;
	vm13 =	vgt.s32 v9, $0xFFFFFF01  }
0x242: {  	v8 =	vor.u32 v10, v8;
	v11 =	vnsel vm12, $0xFFFFFF01, v12;
	v9 =	vnsel vm13, $0xFFFFFF01, v9  }
0x243: {  	v12 =	vor.u32 s18, v0;
	vm0 =	vlt.s32 v11, $0x100;
	vm1 =	vlt.s32 v9, $0x100  }
0x244: {  	v12 =	vand.u32 $0x7F, v12;
	v10 =	vnsel vm0, $0x100, v11;
	v9 =	vnsel vm1, $0x100, v9  }
0x245: {  	v11 =	vmov s18;
	v10 =	vsub.s32 $0x100, v10;
	v9 =	vadd.s32 $0xFF, v9  }
0x246: {  	v13 =	vshrl.u32 v11, $0x7;
	v14 =	vshrl.u32 v11, $0x9;
	v15 =	vshrl.u32 v11, $0x3  }
0x247: {  	v13 =	vand.u32 $0x7, v13;
	v14 =	vand.u32 $0x1F8, v14;
	v15 =	vand.u32 $0x180, v15  }
0x248: {  	v16 =	vshll.u32 v10, $0x9;
	v13 =	vor.u32 v14, v13;
	v12 =	vor.u32 v12, v15  }
0x249: {  	v10 =	vshll.u32 v10, $0x7;
	v13 =	vsub.s32 $0x100, v13;
	v12 =	vadd.s32 $0xFFFFFF00, v12  }
0x24a: {  	v14 =	vand.u32 $0x7F, v9;
	v13 =	vcvt.s32.f32 v13;
	v12 =	vcvt.s32.f32 v12  }
0x24b: {  	v9 =	vshll.u32 v9, $0x3;
	v15 =	vand.u32 $0x7FFFF000, v16;
	v7 =	vor.u32 v7, v14  }
0x24c: {  	v9 =	vand.u32 $0x7FFFFC00, v9;
	v14 =	vmul.f32 v13, v1;
	v62 =	vmul.f32 v12, v2  }
0x24d: {  	s29 =	sadd.s32 $0x10, s18;
	v7 =	vadd.s32 v15, v7;
	v13 =	vmul.f32 v13, v3;
	v12 =	vmul.f32 v12, v5  }
0x24e: {  	v10 =	vand.u32 $0x380, v10;
	v15 =	vor.u32 s29, v0;
	v9 =	vadd.s32 v9, v7  }
0x24f: {  	v7 =	vmov s29;
	v14 =	vadd.f32 v62, v14;
	v12 =	vadd.f32 v12, v13  }
0x250: {  	v9 =	vor.u32 v10, v9;
	v10 =	vshrl.u32 v7, $0x7;
	v63 =	vshrl.u32 v7, $0x3  }
0x251: {  	s28 =	sshra.s32 s28, $0x2;
	v10 =	vand.u32 $0x7, v10;
	v14 =	vadd.f32 v14, v4;
	v12 =	vadd.f32 v12, v6  }
0x252: {  	[tilespmem:s28+$0x3C00] =	vst v8;
	v8 =	vand.u32 $0x180, v63;
	v13 =	vand.u32 $0x7F, v15;
	v15 =	vshrl.u32 v7, $0x9  }
0x253: {  	s23 =	sshra.s32 s23, $0x2;
	v15 =	vand.u32 $0x1F8, v15;
	v14 =	vtrunc.f32 v14;
	v12 =	vtrunc.f32 v12  }
0x254: {  	[tilespmem:s23+$0x3C00] =	vst v9;
	v9 =	vor.u32 v15, v10;
	v14 =	vcvt.f32.s32 v14;
	v12 =	vcvt.f32.s32 v12  }
0x255: {  	s31 =	simm.s32 $0x3C00;
	s28 =	simm.s32 $0x9C00;
	v10 =	vor.u32 v13, v8;
	v8 =	vand.u32 $0x7FFC0000, v11;
	v9 =	vsub.s32 $0x100, v9  }
0x256: {  	[tilespmem:s28], [sflag:$0x1] =	stream.indirect.gather [hbm4b:s1+s25], $0x1, s31, s25, $0xb8;
	v10 =	vadd.s32 $0xFFFFFF00, v10;
	vm14 =	vgt.s32 v14, $0xFFFFFF01;
	vm15 =	vgt.s32 v12, $0xFFFFFF01;
	[tilespmem:$0xC060] =	vst v63  }
0x257: {  	s30 =	simm.s32 $0x80;
	s23 =	simm.s32 $0x40;
	s28 =	simm.s32 $0x0;
	v9 =	vcvt.s32.f32 v9;
	v11 =	vnsel vm14, $0xFFFFFF01, v14;
	v12 =	vnsel vm15, $0xFFFFFF01, v12  }
.LBB2_24:
0x258: {  	p0 =	sne.s32 s30, $0x17C0;
	v10 =	vcvt.s32.f32 v10;
	vm0 =	vlt.s32 v11, $0x100;
	vm1 =	vlt.s32 v12, $0x100  }
0x259: {  	v13 =	vmul.f32 v9, v1;
	v11 =	vnsel vm0, $0x100, v11;
	v12 =	vnsel vm1, $0x100, v12  }
0x25a: {  	v14 =	vmul.f32 v10, v2;
	v11 =	vsub.s32 $0x100, v11;
	v12 =	vadd.s32 $0xFF, v12  }
0x25b: {  	v9 =	vmul.f32 v9, v3;
	v15 =	vshll.u32 v11, $0x9;
	v16 =	vand.u32 $0x7F, v12  }
0x25c: {  	v12 =	vshll.u32 v12, $0x3;
	v15 =	vand.u32 $0x7FFFF000, v15;
	v8 =	vor.u32 v8, v16  }
0x25d: {  	v11 =	vshll.u32 v11, $0x7;
	v12 =	vand.u32 $0x7FFFFC00, v12;
	v8 =	vadd.s32 v15, v8  }
0x25e: {  	s29 =	sadd.s32 $0x10, s29;
	v10 =	vmul.f32 v10, v5;
	v11 =	vand.u32 $0x380, v11;
	v8 =	vadd.s32 v12, v8  }
0x25f: {  	s31 =	sshra.s32 s28, $0x2;
	s28 =	smov.u32 s23;
	s23 =	smov.u32 s30;
	v12 =	vor.u32 s29, v0;
	v8 =	vor.u32 v11, v8  }
0x260: {  	v13 =	vadd.f32 v14, v13;
	v9 =	vadd.f32 v10, v9;
	v11 =	vmov s29;
	[tilespmem:s31+$0x4200] =	vst v8  }
0x261: {  	v10 =	vand.u32 $0x7F, v12;
	v8 =	vshrl.u32 v11, $0x7  }
0x262: {  	v13 =	vadd.f32 v13, v4;
	v9 =	vadd.f32 v9, v6;
	v12 =	vshrl.u32 v11, $0x9  }
0x263: {  	v14 =	vshrl.u32 v11, $0x3;
	v8 =	vand.u32 $0x7, v8;
	v12 =	vand.u32 $0x1F8, v12  }
.Ltmp11:
0x264: {  	v13 =	vtrunc.f32 v13;
	v9 =	vtrunc.f32 v9;
	v14 =	vand.u32 $0x180, v14;
	(pc) =	sbr.rel @p0 .LBB2_24-.Ltmp11, $4  }
0x265: {  	v8 =	vor.u32 v12, v8;
	v12 =	vcvt.f32.s32 v13;
	v13 =	vcvt.f32.s32 v9  }
0x266: {  	v10 =	vor.u32 v10, v14;
	v9 =	vsub.s32 $0x100, v8;
	v8 =	vand.u32 $0x7FFC0000, v7;
	v7 =	vmovc v11  }
0x267: {  	v10 =	vadd.s32 $0xFFFFFF00, v10;
	vm0 =	vgt.s32 v12, $0xFFFFFF01;
	vm1 =	vgt.s32 v13, $0xFFFFFF01  }
0x268: {  	s30 =	sadd.s32 $0x40, s30;
	v9 =	vcvt.s32.f32 v9;
	v11 =	vnsel vm0, $0xFFFFFF01, v12;
	v12 =	vnsel vm1, $0xFFFFFF01, v13  }
0x269: {  	v10 =	vcvt.s32.f32 v10  }
0x26a: {  	v13 =	vmul.f32 v9, v1;
	v9 =	vmul.f32 v9, v3  }
0x26b: {  	vm0 =	vlt.s32 v11, $0x100;
	v14 =	vmul.f32 v10, v2;
	v10 =	vmul.f32 v10, v5  }
0x26c: {  	vm1 =	vlt.s32 v12, $0x100;
	v11 =	vnsel vm0, $0x100, v11  }
0x26d: {  	v12 =	vnsel vm1, $0x100, v12;
	v13 =	vadd.f32 v14, v13;
	v9 =	vadd.f32 v10, v9  }
0x26e: {  	v7 =	vand.u32 $0x7FFC0000, v7;
	v10 =	vsub.s32 $0x100, v11;
	v11 =	vadd.s32 $0xFF, v12  }
0x26f: {  	v14 =	vand.u32 $0x7F, v11;
	v12 =	vadd.f32 v13, v4;
	v9 =	vadd.f32 v9, v6  }
0x270: {  	v11 =	vshll.u32 v11, $0x3;
	v13 =	vshll.u32 v10, $0x9;
	v8 =	vor.u32 v8, v14  }
0x271: {  	v10 =	vshll.u32 v10, $0x7;
	v12 =	vtrunc.f32 v12;
	v9 =	vtrunc.f32 v9  }
0x272: {  	v13 =	vand.u32 $0x7FFFF000, v13;
	v12 =	vcvt.f32.s32 v12;
	v9 =	vcvt.f32.s32 v9  }
0x273: {  	v11 =	vand.u32 $0x7FFFFC00, v11;
	v10 =	vand.u32 $0x380, v10;
	v8 =	vadd.s32 v13, v8  }
0x274: {  	v8 =	vadd.s32 v11, v8;
	vm12 =	vgt.s32 v12, $0xFFFFFF01;
	vm13 =	vgt.s32 v9, $0xFFFFFF01  }
0x275: {  	v8 =	vor.u32 v10, v8;
	v11 =	vnsel vm12, $0xFFFFFF01, v12;
	v9 =	vnsel vm13, $0xFFFFFF01, v9  }
0x276: {  	v12 =	vor.u32 s19, v0;
	vm0 =	vlt.s32 v11, $0x100;
	vm1 =	vlt.s32 v9, $0x100  }
0x277: {  	v12 =	vand.u32 $0x7F, v12;
	v10 =	vnsel vm0, $0x100, v11;
	v9 =	vnsel vm1, $0x100, v9  }
0x278: {  	v11 =	vmov s19;
	v10 =	vsub.s32 $0x100, v10;
	v9 =	vadd.s32 $0xFF, v9  }
0x279: {  	v13 =	vshrl.u32 v11, $0x7;
	v14 =	vshrl.u32 v11, $0x9;
	v15 =	vshrl.u32 v11, $0x3  }
0x27a: {  	v13 =	vand.u32 $0x7, v13;
	v14 =	vand.u32 $0x1F8, v14;
	v15 =	vand.u32 $0x180, v15  }
0x27b: {  	v16 =	vshll.u32 v10, $0x9;
	v13 =	vor.u32 v14, v13;
	v12 =	vor.u32 v12, v15  }
0x27c: {  	v10 =	vshll.u32 v10, $0x7;
	v13 =	vsub.s32 $0x100, v13;
	v12 =	vadd.s32 $0xFFFFFF00, v12  }
0x27d: {  	v14 =	vand.u32 $0x7F, v9;
	v13 =	vcvt.s32.f32 v13;
	v12 =	vcvt.s32.f32 v12  }
0x27e: {  	v9 =	vshll.u32 v9, $0x3;
	v15 =	vand.u32 $0x7FFFF000, v16;
	v7 =	vor.u32 v7, v14  }
0x27f: {  	v9 =	vand.u32 $0x7FFFFC00, v9;
	v14 =	vmul.f32 v13, v1;
	v62 =	vmul.f32 v12, v2  }
0x280: {  	s29 =	sadd.s32 $0x10, s19;
	v7 =	vadd.s32 v15, v7;
	v13 =	vmul.f32 v13, v3;
	v12 =	vmul.f32 v12, v5  }
0x281: {  	v10 =	vand.u32 $0x380, v10;
	v15 =	vor.u32 s29, v0;
	v9 =	vadd.s32 v9, v7  }
0x282: {  	v7 =	vmov s29;
	v14 =	vadd.f32 v62, v14;
	v12 =	vadd.f32 v12, v13  }
0x283: {  	v9 =	vor.u32 v10, v9;
	v10 =	vshrl.u32 v7, $0x7;
	v63 =	vshrl.u32 v7, $0x3  }
0x284: {  	s28 =	sshra.s32 s28, $0x2;
	v10 =	vand.u32 $0x7, v10;
	v14 =	vadd.f32 v14, v4;
	v12 =	vadd.f32 v12, v6  }
0x285: {  	[tilespmem:s28+$0x4200] =	vst v8;
	v8 =	vand.u32 $0x180, v63;
	v13 =	vand.u32 $0x7F, v15;
	v15 =	vshrl.u32 v7, $0x9  }
0x286: {  	s23 =	sshra.s32 s23, $0x2;
	v15 =	vand.u32 $0x1F8, v15;
	v14 =	vtrunc.f32 v14;
	v12 =	vtrunc.f32 v12  }
0x287: {  	[tilespmem:s23+$0x4200] =	vst v9;
	v9 =	vor.u32 v15, v10;
	v14 =	vcvt.f32.s32 v14;
	v12 =	vcvt.f32.s32 v12  }
0x288: {  	s31 =	simm.s32 $0x4200;
	s28 =	simm.s32 $0xA200;
	v10 =	vor.u32 v13, v8;
	v8 =	vand.u32 $0x7FFC0000, v11;
	v9 =	vsub.s32 $0x100, v9  }
0x289: {  	[tilespmem:s28], [sflag:$0x1] =	stream.indirect.gather [hbm4b:s1+s25], $0x1, s31, s25, $0xb8;
	v10 =	vadd.s32 $0xFFFFFF00, v10;
	vm14 =	vgt.s32 v14, $0xFFFFFF01;
	vm15 =	vgt.s32 v12, $0xFFFFFF01;
	[tilespmem:$0xC060] =	vst v63  }
0x28a: {  	s30 =	simm.s32 $0x80;
	s23 =	simm.s32 $0x40;
	s28 =	simm.s32 $0x0;
	v9 =	vcvt.s32.f32 v9;
	v11 =	vnsel vm14, $0xFFFFFF01, v14;
	v12 =	vnsel vm15, $0xFFFFFF01, v12  }
.LBB2_26:
0x28b: {  	p0 =	sne.s32 s30, $0x17C0;
	v10 =	vcvt.s32.f32 v10;
	vm0 =	vlt.s32 v11, $0x100;
	vm1 =	vlt.s32 v12, $0x100  }
0x28c: {  	v13 =	vmul.f32 v9, v1;
	v11 =	vnsel vm0, $0x100, v11;
	v12 =	vnsel vm1, $0x100, v12  }
0x28d: {  	v14 =	vmul.f32 v10, v2;
	v11 =	vsub.s32 $0x100, v11;
	v12 =	vadd.s32 $0xFF, v12  }
0x28e: {  	v9 =	vmul.f32 v9, v3;
	v15 =	vshll.u32 v11, $0x9;
	v16 =	vand.u32 $0x7F, v12  }
0x28f: {  	v12 =	vshll.u32 v12, $0x3;
	v15 =	vand.u32 $0x7FFFF000, v15;
	v8 =	vor.u32 v8, v16  }
0x290: {  	v11 =	vshll.u32 v11, $0x7;
	v12 =	vand.u32 $0x7FFFFC00, v12;
	v8 =	vadd.s32 v15, v8  }
0x291: {  	s29 =	sadd.s32 $0x10, s29;
	v10 =	vmul.f32 v10, v5;
	v11 =	vand.u32 $0x380, v11;
	v8 =	vadd.s32 v12, v8  }
0x292: {  	s31 =	sshra.s32 s28, $0x2;
	s28 =	smov.u32 s23;
	s23 =	smov.u32 s30;
	v12 =	vor.u32 s29, v0;
	v8 =	vor.u32 v11, v8  }
0x293: {  	v13 =	vadd.f32 v14, v13;
	v9 =	vadd.f32 v10, v9;
	v11 =	vmov s29;
	[tilespmem:s31+$0x4800] =	vst v8  }
0x294: {  	v10 =	vand.u32 $0x7F, v12;
	v8 =	vshrl.u32 v11, $0x7  }
0x295: {  	v13 =	vadd.f32 v13, v4;
	v9 =	vadd.f32 v9, v6;
	v12 =	vshrl.u32 v11, $0x9  }
0x296: {  	v14 =	vshrl.u32 v11, $0x3;
	v8 =	vand.u32 $0x7, v8;
	v12 =	vand.u32 $0x1F8, v12  }
.Ltmp12:
0x297: {  	v13 =	vtrunc.f32 v13;
	v9 =	vtrunc.f32 v9;
	v14 =	vand.u32 $0x180, v14;
	(pc) =	sbr.rel @p0 .LBB2_26-.Ltmp12, $4  }
0x298: {  	v8 =	vor.u32 v12, v8;
	v12 =	vcvt.f32.s32 v13;
	v13 =	vcvt.f32.s32 v9  }
0x299: {  	v10 =	vor.u32 v10, v14;
	v9 =	vsub.s32 $0x100, v8;
	v8 =	vand.u32 $0x7FFC0000, v7;
	v7 =	vmovc v11  }
0x29a: {  	v10 =	vadd.s32 $0xFFFFFF00, v10;
	vm0 =	vgt.s32 v12, $0xFFFFFF01;
	vm1 =	vgt.s32 v13, $0xFFFFFF01  }
0x29b: {  	s30 =	sadd.s32 $0x40, s30;
	v9 =	vcvt.s32.f32 v9;
	v11 =	vnsel vm0, $0xFFFFFF01, v12;
	v12 =	vnsel vm1, $0xFFFFFF01, v13  }
0x29c: {  	v10 =	vcvt.s32.f32 v10  }
0x29d: {  	v13 =	vmul.f32 v9, v1;
	v9 =	vmul.f32 v9, v3  }
0x29e: {  	vm0 =	vlt.s32 v11, $0x100;
	v14 =	vmul.f32 v10, v2;
	v10 =	vmul.f32 v10, v5  }
0x29f: {  	vm1 =	vlt.s32 v12, $0x100;
	v11 =	vnsel vm0, $0x100, v11  }
0x2a0: {  	v12 =	vnsel vm1, $0x100, v12;
	v13 =	vadd.f32 v14, v13;
	v9 =	vadd.f32 v10, v9  }
0x2a1: {  	v7 =	vand.u32 $0x7FFC0000, v7;
	v10 =	vsub.s32 $0x100, v11;
	v11 =	vadd.s32 $0xFF, v12  }
0x2a2: {  	v14 =	vand.u32 $0x7F, v11;
	v12 =	vadd.f32 v13, v4;
	v9 =	vadd.f32 v9, v6  }
0x2a3: {  	v11 =	vshll.u32 v11, $0x3;
	v13 =	vshll.u32 v10, $0x9;
	v8 =	vor.u32 v8, v14  }
0x2a4: {  	v10 =	vshll.u32 v10, $0x7;
	v12 =	vtrunc.f32 v12;
	v9 =	vtrunc.f32 v9  }
0x2a5: {  	v13 =	vand.u32 $0x7FFFF000, v13;
	v12 =	vcvt.f32.s32 v12;
	v9 =	vcvt.f32.s32 v9  }
0x2a6: {  	v11 =	vand.u32 $0x7FFFFC00, v11;
	v10 =	vand.u32 $0x380, v10;
	v8 =	vadd.s32 v13, v8  }
0x2a7: {  	v8 =	vadd.s32 v11, v8;
	vm12 =	vgt.s32 v12, $0xFFFFFF01;
	vm13 =	vgt.s32 v9, $0xFFFFFF01  }
0x2a8: {  	v8 =	vor.u32 v10, v8;
	v11 =	vnsel vm12, $0xFFFFFF01, v12;
	v9 =	vnsel vm13, $0xFFFFFF01, v9  }
0x2a9: {  	v12 =	vor.u32 s20, v0;
	vm0 =	vlt.s32 v11, $0x100;
	vm1 =	vlt.s32 v9, $0x100  }
0x2aa: {  	v12 =	vand.u32 $0x7F, v12;
	v10 =	vnsel vm0, $0x100, v11;
	v9 =	vnsel vm1, $0x100, v9  }
0x2ab: {  	v11 =	vmov s20;
	v10 =	vsub.s32 $0x100, v10;
	v9 =	vadd.s32 $0xFF, v9  }
0x2ac: {  	v13 =	vshrl.u32 v11, $0x7;
	v14 =	vshrl.u32 v11, $0x9;
	v15 =	vshrl.u32 v11, $0x3  }
0x2ad: {  	v13 =	vand.u32 $0x7, v13;
	v14 =	vand.u32 $0x1F8, v14;
	v15 =	vand.u32 $0x180, v15  }
0x2ae: {  	v16 =	vshll.u32 v10, $0x9;
	v13 =	vor.u32 v14, v13;
	v12 =	vor.u32 v12, v15  }
0x2af: {  	v10 =	vshll.u32 v10, $0x7;
	v13 =	vsub.s32 $0x100, v13;
	v12 =	vadd.s32 $0xFFFFFF00, v12  }
0x2b0: {  	v14 =	vand.u32 $0x7F, v9;
	v13 =	vcvt.s32.f32 v13;
	v12 =	vcvt.s32.f32 v12  }
0x2b1: {  	v9 =	vshll.u32 v9, $0x3;
	v15 =	vand.u32 $0x7FFFF000, v16;
	v7 =	vor.u32 v7, v14  }
0x2b2: {  	v9 =	vand.u32 $0x7FFFFC00, v9;
	v14 =	vmul.f32 v13, v1;
	v62 =	vmul.f32 v12, v2  }
0x2b3: {  	s29 =	sadd.s32 $0x10, s20;
	v7 =	vadd.s32 v15, v7;
	v13 =	vmul.f32 v13, v3;
	v12 =	vmul.f32 v12, v5  }
0x2b4: {  	v10 =	vand.u32 $0x380, v10;
	v15 =	vor.u32 s29, v0;
	v9 =	vadd.s32 v9, v7  }
0x2b5: {  	v7 =	vmov s29;
	v14 =	vadd.f32 v62, v14;
	v12 =	vadd.f32 v12, v13  }
0x2b6: {  	v9 =	vor.u32 v10, v9;
	v10 =	vshrl.u32 v7, $0x7;
	v63 =	vshrl.u32 v7, $0x3  }
0x2b7: {  	s28 =	sshra.s32 s28, $0x2;
	v10 =	vand.u32 $0x7, v10;
	v14 =	vadd.f32 v14, v4;
	v12 =	vadd.f32 v12, v6  }
0x2b8: {  	[tilespmem:s28+$0x4800] =	vst v8;
	v8 =	vand.u32 $0x180, v63;
	v13 =	vand.u32 $0x7F, v15;
	v15 =	vshrl.u32 v7, $0x9  }
0x2b9: {  	s23 =	sshra.s32 s23, $0x2;
	v15 =	vand.u32 $0x1F8, v15;
	v14 =	vtrunc.f32 v14;
	v12 =	vtrunc.f32 v12  }
0x2ba: {  	[tilespmem:s23+$0x4800] =	vst v9;
	v9 =	vor.u32 v15, v10;
	v14 =	vcvt.f32.s32 v14;
	v12 =	vcvt.f32.s32 v12  }
0x2bb: {  	s31 =	simm.s32 $0x4800;
	s28 =	simm.s32 $0xA800;
	v10 =	vor.u32 v13, v8;
	v8 =	vand.u32 $0x7FFC0000, v11;
	v9 =	vsub.s32 $0x100, v9  }
0x2bc: {  	[tilespmem:s28], [sflag:$0x1] =	stream.indirect.gather [hbm4b:s1+s25], $0x1, s31, s25, $0xb8;
	v10 =	vadd.s32 $0xFFFFFF00, v10;
	vm14 =	vgt.s32 v14, $0xFFFFFF01;
	vm15 =	vgt.s32 v12, $0xFFFFFF01;
	[tilespmem:$0xC060] =	vst v63  }
0x2bd: {  	s30 =	simm.s32 $0x80;
	s23 =	simm.s32 $0x40;
	s28 =	simm.s32 $0x0;
	v9 =	vcvt.s32.f32 v9;
	v11 =	vnsel vm14, $0xFFFFFF01, v14;
	v12 =	vnsel vm15, $0xFFFFFF01, v12  }
.LBB2_28:
0x2be: {  	p0 =	sne.s32 s30, $0x17C0;
	v10 =	vcvt.s32.f32 v10;
	vm0 =	vlt.s32 v11, $0x100;
	vm1 =	vlt.s32 v12, $0x100  }
0x2bf: {  	v13 =	vmul.f32 v9, v1;
	v11 =	vnsel vm0, $0x100, v11;
	v12 =	vnsel vm1, $0x100, v12  }
0x2c0: {  	v14 =	vmul.f32 v10, v2;
	v11 =	vsub.s32 $0x100, v11;
	v12 =	vadd.s32 $0xFF, v12  }
0x2c1: {  	v9 =	vmul.f32 v9, v3;
	v15 =	vshll.u32 v11, $0x9;
	v16 =	vand.u32 $0x7F, v12  }
0x2c2: {  	v12 =	vshll.u32 v12, $0x3;
	v15 =	vand.u32 $0x7FFFF000, v15;
	v8 =	vor.u32 v8, v16  }
0x2c3: {  	v11 =	vshll.u32 v11, $0x7;
	v12 =	vand.u32 $0x7FFFFC00, v12;
	v8 =	vadd.s32 v15, v8  }
0x2c4: {  	s29 =	sadd.s32 $0x10, s29;
	v10 =	vmul.f32 v10, v5;
	v11 =	vand.u32 $0x380, v11;
	v8 =	vadd.s32 v12, v8  }
0x2c5: {  	s31 =	sshra.s32 s28, $0x2;
	s28 =	smov.u32 s23;
	s23 =	smov.u32 s30;
	v12 =	vor.u32 s29, v0;
	v8 =	vor.u32 v11, v8  }
0x2c6: {  	v13 =	vadd.f32 v14, v13;
	v9 =	vadd.f32 v10, v9;
	v11 =	vmov s29;
	[tilespmem:s31+$0x4E00] =	vst v8  }
0x2c7: {  	v10 =	vand.u32 $0x7F, v12;
	v8 =	vshrl.u32 v11, $0x7  }
0x2c8: {  	v13 =	vadd.f32 v13, v4;
	v9 =	vadd.f32 v9, v6;
	v12 =	vshrl.u32 v11, $0x9  }
0x2c9: {  	v14 =	vshrl.u32 v11, $0x3;
	v8 =	vand.u32 $0x7, v8;
	v12 =	vand.u32 $0x1F8, v12  }
.Ltmp13:
0x2ca: {  	v13 =	vtrunc.f32 v13;
	v9 =	vtrunc.f32 v9;
	v14 =	vand.u32 $0x180, v14;
	(pc) =	sbr.rel @p0 .LBB2_28-.Ltmp13, $4  }
0x2cb: {  	v8 =	vor.u32 v12, v8;
	v12 =	vcvt.f32.s32 v13;
	v13 =	vcvt.f32.s32 v9  }
0x2cc: {  	v10 =	vor.u32 v10, v14;
	v9 =	vsub.s32 $0x100, v8;
	v8 =	vand.u32 $0x7FFC0000, v7;
	v7 =	vmovc v11  }
0x2cd: {  	v10 =	vadd.s32 $0xFFFFFF00, v10;
	vm0 =	vgt.s32 v12, $0xFFFFFF01;
	vm1 =	vgt.s32 v13, $0xFFFFFF01  }
0x2ce: {  	s30 =	sadd.s32 $0x40, s30;
	v9 =	vcvt.s32.f32 v9;
	v11 =	vnsel vm0, $0xFFFFFF01, v12;
	v12 =	vnsel vm1, $0xFFFFFF01, v13  }
0x2cf: {  	v10 =	vcvt.s32.f32 v10  }
0x2d0: {  	v13 =	vmul.f32 v9, v1;
	v9 =	vmul.f32 v9, v3  }
0x2d1: {  	vm0 =	vlt.s32 v11, $0x100;
	v14 =	vmul.f32 v10, v2;
	v10 =	vmul.f32 v10, v5  }
0x2d2: {  	vm1 =	vlt.s32 v12, $0x100;
	v11 =	vnsel vm0, $0x100, v11  }
0x2d3: {  	v12 =	vnsel vm1, $0x100, v12;
	v13 =	vadd.f32 v14, v13;
	v9 =	vadd.f32 v10, v9  }
0x2d4: {  	v7 =	vand.u32 $0x7FFC0000, v7;
	v10 =	vsub.s32 $0x100, v11;
	v11 =	vadd.s32 $0xFF, v12  }
0x2d5: {  	v14 =	vand.u32 $0x7F, v11;
	v12 =	vadd.f32 v13, v4;
	v9 =	vadd.f32 v9, v6  }
0x2d6: {  	v11 =	vshll.u32 v11, $0x3;
	v13 =	vshll.u32 v10, $0x9;
	v8 =	vor.u32 v8, v14  }
0x2d7: {  	v10 =	vshll.u32 v10, $0x7;
	v12 =	vtrunc.f32 v12;
	v9 =	vtrunc.f32 v9  }
0x2d8: {  	v13 =	vand.u32 $0x7FFFF000, v13;
	v12 =	vcvt.f32.s32 v12;
	v9 =	vcvt.f32.s32 v9  }
0x2d9: {  	v11 =	vand.u32 $0x7FFFFC00, v11;
	v10 =	vand.u32 $0x380, v10;
	v8 =	vadd.s32 v13, v8  }
0x2da: {  	v8 =	vadd.s32 v11, v8;
	vm12 =	vgt.s32 v12, $0xFFFFFF01;
	vm13 =	vgt.s32 v9, $0xFFFFFF01  }
0x2db: {  	v8 =	vor.u32 v10, v8;
	v11 =	vnsel vm12, $0xFFFFFF01, v12;
	v9 =	vnsel vm13, $0xFFFFFF01, v9  }
0x2dc: {  	v12 =	vor.u32 s21, v0;
	vm0 =	vlt.s32 v11, $0x100;
	vm1 =	vlt.s32 v9, $0x100  }
0x2dd: {  	v12 =	vand.u32 $0x7F, v12;
	v10 =	vnsel vm0, $0x100, v11;
	v9 =	vnsel vm1, $0x100, v9  }
0x2de: {  	v11 =	vmov s21;
	v10 =	vsub.s32 $0x100, v10;
	v9 =	vadd.s32 $0xFF, v9  }
0x2df: {  	v13 =	vshrl.u32 v11, $0x7;
	v14 =	vshrl.u32 v11, $0x9;
	v15 =	vshrl.u32 v11, $0x3  }
0x2e0: {  	v13 =	vand.u32 $0x7, v13;
	v14 =	vand.u32 $0x1F8, v14;
	v15 =	vand.u32 $0x180, v15  }
0x2e1: {  	v16 =	vshll.u32 v10, $0x9;
	v13 =	vor.u32 v14, v13;
	v12 =	vor.u32 v12, v15  }
0x2e2: {  	v10 =	vshll.u32 v10, $0x7;
	v13 =	vsub.s32 $0x100, v13;
	v12 =	vadd.s32 $0xFFFFFF00, v12  }
0x2e3: {  	v14 =	vand.u32 $0x7F, v9;
	v13 =	vcvt.s32.f32 v13;
	v12 =	vcvt.s32.f32 v12  }
0x2e4: {  	v9 =	vshll.u32 v9, $0x3;
	v15 =	vand.u32 $0x7FFFF000, v16;
	v7 =	vor.u32 v7, v14  }
0x2e5: {  	v9 =	vand.u32 $0x7FFFFC00, v9;
	v14 =	vmul.f32 v13, v1;
	v62 =	vmul.f32 v12, v2  }
0x2e6: {  	s29 =	sadd.s32 $0x10, s21;
	v7 =	vadd.s32 v15, v7;
	v13 =	vmul.f32 v13, v3;
	v12 =	vmul.f32 v12, v5  }
0x2e7: {  	v10 =	vand.u32 $0x380, v10;
	v15 =	vor.u32 s29, v0;
	v9 =	vadd.s32 v9, v7  }
0x2e8: {  	v7 =	vmov s29;
	v14 =	vadd.f32 v62, v14;
	v12 =	vadd.f32 v12, v13  }
0x2e9: {  	v9 =	vor.u32 v10, v9;
	v10 =	vshrl.u32 v7, $0x7;
	v63 =	vshrl.u32 v7, $0x3  }
0x2ea: {  	s28 =	sshra.s32 s28, $0x2;
	v10 =	vand.u32 $0x7, v10;
	v14 =	vadd.f32 v14, v4;
	v12 =	vadd.f32 v12, v6  }
0x2eb: {  	[tilespmem:s28+$0x4E00] =	vst v8;
	v8 =	vand.u32 $0x180, v63;
	v13 =	vand.u32 $0x7F, v15;
	v15 =	vshrl.u32 v7, $0x9  }
0x2ec: {  	s23 =	sshra.s32 s23, $0x2;
	v15 =	vand.u32 $0x1F8, v15;
	v14 =	vtrunc.f32 v14;
	v12 =	vtrunc.f32 v12  }
0x2ed: {  	[tilespmem:s23+$0x4E00] =	vst v9;
	v9 =	vor.u32 v15, v10;
	v14 =	vcvt.f32.s32 v14;
	v12 =	vcvt.f32.s32 v12  }
0x2ee: {  	s31 =	simm.s32 $0x4E00;
	s28 =	simm.s32 $0xAE00;
	v10 =	vor.u32 v13, v8;
	v8 =	vand.u32 $0x7FFC0000, v11;
	v9 =	vsub.s32 $0x100, v9  }
0x2ef: {  	[tilespmem:s28], [sflag:$0x1] =	stream.indirect.gather [hbm4b:s1+s25], $0x1, s31, s25, $0xb8;
	v10 =	vadd.s32 $0xFFFFFF00, v10;
	vm14 =	vgt.s32 v14, $0xFFFFFF01;
	vm15 =	vgt.s32 v12, $0xFFFFFF01;
	[tilespmem:$0xC060] =	vst v63  }
0x2f0: {  	s30 =	simm.s32 $0x80;
	s23 =	simm.s32 $0x40;
	s28 =	simm.s32 $0x0;
	v9 =	vcvt.s32.f32 v9;
	v11 =	vnsel vm14, $0xFFFFFF01, v14;
	v12 =	vnsel vm15, $0xFFFFFF01, v12  }
.LBB2_30:
0x2f1: {  	p0 =	sne.s32 s30, $0x17C0;
	v10 =	vcvt.s32.f32 v10;
	vm0 =	vlt.s32 v11, $0x100;
	vm1 =	vlt.s32 v12, $0x100  }
0x2f2: {  	v13 =	vmul.f32 v9, v1;
	v11 =	vnsel vm0, $0x100, v11;
	v12 =	vnsel vm1, $0x100, v12  }
0x2f3: {  	v14 =	vmul.f32 v10, v2;
	v11 =	vsub.s32 $0x100, v11;
	v12 =	vadd.s32 $0xFF, v12  }
0x2f4: {  	v9 =	vmul.f32 v9, v3;
	v15 =	vshll.u32 v11, $0x9;
	v16 =	vand.u32 $0x7F, v12  }
0x2f5: {  	v12 =	vshll.u32 v12, $0x3;
	v15 =	vand.u32 $0x7FFFF000, v15;
	v8 =	vor.u32 v8, v16  }
0x2f6: {  	v11 =	vshll.u32 v11, $0x7;
	v12 =	vand.u32 $0x7FFFFC00, v12;
	v8 =	vadd.s32 v15, v8  }
0x2f7: {  	s29 =	sadd.s32 $0x10, s29;
	v10 =	vmul.f32 v10, v5;
	v11 =	vand.u32 $0x380, v11;
	v8 =	vadd.s32 v12, v8  }
0x2f8: {  	s31 =	sshra.s32 s28, $0x2;
	s28 =	smov.u32 s23;
	s23 =	smov.u32 s30;
	v12 =	vor.u32 s29, v0;
	v8 =	vor.u32 v11, v8  }
0x2f9: {  	v13 =	vadd.f32 v14, v13;
	v9 =	vadd.f32 v10, v9;
	v11 =	vmov s29;
	[tilespmem:s31+$0x5400] =	vst v8  }
0x2fa: {  	v10 =	vand.u32 $0x7F, v12;
	v8 =	vshrl.u32 v11, $0x7  }
0x2fb: {  	v13 =	vadd.f32 v13, v4;
	v9 =	vadd.f32 v9, v6;
	v12 =	vshrl.u32 v11, $0x9  }
0x2fc: {  	v14 =	vshrl.u32 v11, $0x3;
	v8 =	vand.u32 $0x7, v8;
	v12 =	vand.u32 $0x1F8, v12  }
.Ltmp14:
0x2fd: {  	v13 =	vtrunc.f32 v13;
	v9 =	vtrunc.f32 v9;
	v14 =	vand.u32 $0x180, v14;
	(pc) =	sbr.rel @p0 .LBB2_30-.Ltmp14, $4  }
0x2fe: {  	v8 =	vor.u32 v12, v8;
	v12 =	vcvt.f32.s32 v13;
	v13 =	vcvt.f32.s32 v9  }
0x2ff: {  	v10 =	vor.u32 v10, v14;
	v9 =	vsub.s32 $0x100, v8;
	v8 =	vand.u32 $0x7FFC0000, v7;
	v7 =	vmovc v11  }
0x300: {  	v10 =	vadd.s32 $0xFFFFFF00, v10;
	vm0 =	vgt.s32 v12, $0xFFFFFF01;
	vm1 =	vgt.s32 v13, $0xFFFFFF01  }
0x301: {  	s30 =	sadd.s32 $0x40, s30;
	v9 =	vcvt.s32.f32 v9;
	v11 =	vnsel vm0, $0xFFFFFF01, v12;
	v12 =	vnsel vm1, $0xFFFFFF01, v13  }
0x302: {  	v10 =	vcvt.s32.f32 v10;
	_ =	sdelay $0x1  }
0x303: {  	vm0 =	vlt.s32 v11, $0x100;
	v13 =	vmul.f32 v9, v1;
	v14 =	vmul.f32 v10, v2  }
0x304: {  	vm1 =	vlt.s32 v12, $0x100;
	v9 =	vmul.f32 v9, v3;
	v10 =	vmul.f32 v10, v5  }
0x305: {  	v11 =	vnsel vm0, $0x100, v11;
	v12 =	vnsel vm1, $0x100, v12;
	v13 =	vadd.f32 v14, v13  }
0x306: {  	v9 =	vadd.f32 v10, v9;
	v10 =	vsub.s32 $0x100, v11;
	v11 =	vadd.s32 $0xFF, v12  }
0x307: {  	v14 =	vand.u32 $0x7F, v11;
	v11 =	vshll.u32 v11, $0x3  }
0x308: {  	v12 =	vadd.f32 v13, v4;
	v13 =	vshll.u32 v10, $0x9;
	v9 =	vadd.f32 v9, v6  }
0x309: {  	v8 =	vor.u32 v8, v14;
	v11 =	vand.u32 $0x7FFFFC00, v11;
	v10 =	vshll.u32 v10, $0x7  }
0x30a: {  	v13 =	vand.u32 $0x7FFFF000, v13;
	v12 =	vtrunc.f32 v12;
	v9 =	vtrunc.f32 v9  }
0x30b: {  	v8 =	vadd.s32 v13, v8;
	v12 =	vcvt.f32.s32 v12;
	v9 =	vcvt.f32.s32 v9  }
0x30c: {  	v7 =	vand.u32 $0x7FFC0000, v7;
	v10 =	vand.u32 $0x380, v10;
	v8 =	vadd.s32 v11, v8  }
0x30d: {  	v8 =	vor.u32 v10, v8;
	vm12 =	vgt.s32 v12, $0xFFFFFF01;
	vm13 =	vgt.s32 v9, $0xFFFFFF01  }
0x30e: {  	v11 =	vnsel vm12, $0xFFFFFF01, v12;
	v9 =	vnsel vm13, $0xFFFFFF01, v9;
	v12 =	vor.u32 s22, v0  }
0x30f: {  	vm0 =	vlt.s32 v11, $0x100;
	vm1 =	vlt.s32 v9, $0x100;
	v12 =	vand.u32 $0x7F, v12  }
0x310: {  	v10 =	vnsel vm0, $0x100, v11;
	v9 =	vnsel vm1, $0x100, v9;
	v11 =	vmov s22  }
0x311: {  	v10 =	vsub.s32 $0x100, v10;
	v9 =	vadd.s32 $0xFF, v9;
	v13 =	vshrl.u32 v11, $0x7  }
0x312: {  	v14 =	vshrl.u32 v11, $0x9;
	v15 =	vshrl.u32 v11, $0x3;
	v13 =	vand.u32 $0x7, v13  }
0x313: {  	v14 =	vand.u32 $0x1F8, v14;
	v15 =	vand.u32 $0x180, v15;
	v16 =	vshll.u32 v10, $0x9  }
0x314: {  	v10 =	vshll.u32 v10, $0x7;
	v13 =	vor.u32 v14, v13;
	v12 =	vor.u32 v12, v15  }
0x315: {  	v14 =	vand.u32 $0x7F, v9;
	v13 =	vsub.s32 $0x100, v13;
	v12 =	vadd.s32 $0xFFFFFF00, v12  }
0x316: {  	v9 =	vshll.u32 v9, $0x3;
	v13 =	vcvt.s32.f32 v13;
	v12 =	vcvt.s32.f32 v12  }
0x317: {  	v15 =	vand.u32 $0x7FFFF000, v16;
	v10 =	vand.u32 $0x380, v10;
	v7 =	vor.u32 v7, v14  }
0x318: {  	v9 =	vand.u32 $0x7FFFFC00, v9;
	v14 =	vmul.f32 v13, v1;
	v62 =	vmul.f32 v12, v2  }
0x319: {  	s29 =	sadd.s32 $0x10, s22;
	v7 =	vadd.s32 v15, v7;
	v13 =	vmul.f32 v13, v3;
	v12 =	vmul.f32 v12, v5  }
0x31a: {  	v15 =	vor.u32 s29, v0;
	v9 =	vadd.s32 v9, v7;
	v7 =	vmov s29  }
0x31b: {  	v9 =	vor.u32 v10, v9;
	v14 =	vadd.f32 v62, v14;
	v12 =	vadd.f32 v12, v13  }
0x31c: {  	v10 =	vshrl.u32 v7, $0x7;
	v63 =	vshrl.u32 v7, $0x3;
	v13 =	vand.u32 $0x7F, v15  }
0x31d: {  	s28 =	sshra.s32 s28, $0x2;
	v15 =	vshrl.u32 v7, $0x9;
	v14 =	vadd.f32 v14, v4;
	v12 =	vadd.f32 v12, v6  }
0x31e: {  	s23 =	sshra.s32 s23, $0x2;
	[tilespmem:s28+$0x5400] =	vst v8;
	v10 =	vand.u32 $0x7, v10;
	v8 =	vand.u32 $0x180, v63;
	v15 =	vand.u32 $0x1F8, v15  }
0x31f: {  	[tilespmem:s23+$0x5400] =	vst v9;
	v9 =	vor.u32 v15, v10;
	v14 =	vtrunc.f32 v14;
	v12 =	vtrunc.f32 v12  }
0x320: {  	v9 =	vsub.s32 $0x100, v9;
	v10 =	vcvt.f32.s32 v14;
	v14 =	vcvt.f32.s32 v12  }
0x321: {  	s31 =	simm.s32 $0x5400;
	s28 =	simm.s32 $0xB400;
	v9 =	vcvt.s32.f32 v9;
	v12 =	vor.u32 v13, v8  }
0x322: {  	[tilespmem:s28], [sflag:$0x1] =	stream.indirect.gather [hbm4b:s1+s25], $0x1, s31, s25, $0xb8;
	v8 =	vand.u32 $0x7FFC0000, v11;
	vm14 =	vgt.s32 v10, $0xFFFFFF01;
	vm15 =	vgt.s32 v14, $0xFFFFFF01;
	[tilespmem:$0xC060] =	vst v63  }
0x323: {  	s30 =	simm.s32 $0x80;
	s23 =	simm.s32 $0x40;
	s28 =	simm.s32 $0x0;
	v12 =	vadd.s32 $0xFFFFFF00, v12;
	v10 =	vnsel vm14, $0xFFFFFF01, v10;
	v11 =	vnsel vm15, $0xFFFFFF01, v14  }
.LBB2_32:
0x324: {  	p0 =	sne.s32 s30, $0x17C0;
	v12 =	vcvt.s32.f32 v12;
	vm0 =	vlt.s32 v10, $0x100;
	vm1 =	vlt.s32 v11, $0x100  }
0x325: {  	v13 =	vmul.f32 v9, v1;
	v10 =	vnsel vm0, $0x100, v10;
	v11 =	vnsel vm1, $0x100, v11  }
0x326: {  	v14 =	vmul.f32 v12, v2;
	v10 =	vsub.s32 $0x100, v10;
	v11 =	vadd.s32 $0xFF, v11  }
0x327: {  	v9 =	vmul.f32 v9, v3;
	v15 =	vshll.u32 v10, $0x9;
	v16 =	vand.u32 $0x7F, v11  }
0x328: {  	v11 =	vshll.u32 v11, $0x3;
	v15 =	vand.u32 $0x7FFFF000, v15;
	v8 =	vor.u32 v8, v16  }
0x329: {  	v10 =	vshll.u32 v10, $0x7;
	v11 =	vand.u32 $0x7FFFFC00, v11;
	v8 =	vadd.s32 v15, v8  }
0x32a: {  	s29 =	sadd.s32 $0x10, s29;
	v12 =	vmul.f32 v12, v5;
	v10 =	vand.u32 $0x380, v10;
	v8 =	vadd.s32 v11, v8  }
0x32b: {  	s31 =	sshra.s32 s28, $0x2;
	s28 =	smov.u32 s23;
	s23 =	smov.u32 s30;
	v11 =	vor.u32 s29, v0;
	v8 =	vor.u32 v10, v8  }
0x32c: {  	v13 =	vadd.f32 v14, v13;
	v9 =	vadd.f32 v12, v9;
	v10 =	vmov s29;
	[tilespmem:s31+$0x5A00] =	vst v8  }
0x32d: {  	v11 =	vand.u32 $0x7F, v11;
	v8 =	vshrl.u32 v10, $0x7  }
0x32e: {  	v13 =	vadd.f32 v13, v4;
	v9 =	vadd.f32 v9, v6;
	v12 =	vshrl.u32 v10, $0x9  }
0x32f: {  	v14 =	vshrl.u32 v10, $0x3;
	v8 =	vand.u32 $0x7, v8;
	v12 =	vand.u32 $0x1F8, v12  }
.Ltmp15:
0x330: {  	v13 =	vtrunc.f32 v13;
	v9 =	vtrunc.f32 v9;
	v14 =	vand.u32 $0x180, v14;
	(pc) =	sbr.rel @p0 .LBB2_32-.Ltmp15, $4  }
0x331: {  	v13 =	vcvt.f32.s32 v13;
	v15 =	vcvt.f32.s32 v9;
	v8 =	vor.u32 v12, v8  }
0x332: {  	v11 =	vor.u32 v11, v14;
	v9 =	vsub.s32 $0x100, v8;
	v8 =	vand.u32 $0x7FFC0000, v7;
	v7 =	vmovc v10  }
0x333: {  	v12 =	vadd.s32 $0xFFFFFF00, v11;
	vm0 =	vgt.s32 v13, $0xFFFFFF01;
	vm1 =	vgt.s32 v15, $0xFFFFFF01  }
0x334: {  	s30 =	sadd.s32 $0x40, s30;
	v9 =	vcvt.s32.f32 v9;
	v10 =	vnsel vm0, $0xFFFFFF01, v13;
	v11 =	vnsel vm1, $0xFFFFFF01, v15  }
0x335: {  	v12 =	vcvt.s32.f32 v12  }
0x336: {  	v1 =	vmul.f32 v9, v1;
	v3 =	vmul.f32 v9, v3  }
0x337: {  	v2 =	vmul.f32 v12, v2;
	v5 =	vmul.f32 v12, v5;
	_ =	sdelay $0x1  }
0x338: {  	vm1 =	vlt.s32 v11, $0x100;
	v1 =	vadd.f32 v2, v1;
	v2 =	vadd.f32 v5, v3  }
0x339: {  	v57 =	vnsel vm1, $0x100, v11  }
0x33a: {  	v58 =	vadd.s32 $0xFF, v57;
	v1 =	vadd.f32 v1, v4;
	v2 =	vadd.f32 v2, v6  }
0x33b: {  	vm0 =	vlt.s32 v10, $0x100;
	v61 =	vand.u32 $0x7FFC0000, v7;
	v60 =	vand.u32 $0x7F, v58  }
0x33c: {  	v3 =	vnsel vm0, $0x100, v10;
	v1 =	vtrunc.f32 v1;
	v2 =	vtrunc.f32 v2  }
0x33d: {  	v3 =	vsub.s32 $0x100, v3;
	v1 =	vcvt.f32.s32 v1;
	v2 =	vcvt.f32.s32 v2  }
0x33e: {  	v59 =	vshll.u32 v3, $0x9;
	v4 =	vshll.u32 v58, $0x3;
	v6 =	vor.u32 v8, v60  }
0x33f: {  	v3 =	vshll.u32 v3, $0x7;
	vm14 =	vgt.s32 v1, $0xFFFFFF01;
	vm15 =	vgt.s32 v2, $0xFFFFFF01  }
0x340: {  	v5 =	vand.u32 $0x7FFFF000, v59;
	v1 =	vnsel vm14, $0xFFFFFF01, v1;
	v2 =	vnsel vm15, $0xFFFFFF01, v2  }
0x341: {  	v4 =	vand.u32 $0x7FFFFC00, v4;
	vm0 =	vlt.s32 v1, $0x100;
	vm1 =	vlt.s32 v2, $0x100  }
0x342: {  	v3 =	vand.u32 $0x380, v3;
	v1 =	vnsel vm0, $0x100, v1;
	v2 =	vnsel vm1, $0x100, v2  }
0x343: {  	v5 =	vadd.s32 v5, v6;
	v1 =	vsub.s32 $0x100, v1;
	v2 =	vadd.s32 $0xFF, v2  }
0x344: {  	v4 =	vadd.s32 v4, v5;
	v62 =	vshll.u32 v1, $0x9;
	v63 =	vand.u32 $0x7F, v2  }
0x345: {  	v2 =	vshll.u32 v2, $0x3;
	v6 =	vand.u32 $0x7FFFF000, v62;
	v5 =	vor.u32 v61, v63  }
0x346: {  	v1 =	vshll.u32 v1, $0x7;
	v2 =	vand.u32 $0x7FFFFC00, v2;
	v5 =	vadd.s32 v6, v5  }
0x347: {  	s28 =	sshra.s32 s28, $0x2;
	v3 =	vor.u32 v3, v4;
	v1 =	vand.u32 $0x380, v1;
	v2 =	vadd.s32 v2, v5  }
0x348: {  	s23 =	sshra.s32 s23, $0x2;
	[tilespmem:s28+$0x5A00] =	vst v3;
	v1 =	vor.u32 v1, v2  }
0x349: {  	s31 =	simm.s32 $0x5A00;
	[tilespmem:s23+$0x5A00] =	vst v1  }
0x34a: {  	[tilespmem:s2], [sflag:$0x1] =	stream.indirect.gather [hbm4b:s1+s25], $0x1, s31, s25, $0xb8;
	[tilespmem:$0xC060] =	vst v63  }
0x34b: {  	_ =	swait.ge [sflag:s0], $0x600  }
0x34c: {  	[sflag:s0] =	ssyncset.done $0x0  }
0x34d: {  	[sflag:s0] =	ssyncadd.s32 $0xFFFFFA00  }
0x34e: {  	_ =	swait.ge [sflag:s0], $0x600  }
0x34f: {  	[sflag:s0] =	ssyncset.done $0x0  }
0x350: {  	[sflag:s0] =	ssyncadd.s32 $0xFFFFFA00  }
0x351: {  	_ =	swait.ge [sflag:s0], $0x600  }
0x352: {  	[sflag:s0] =	ssyncset.done $0x0  }
0x353: {  	[sflag:s0] =	ssyncadd.s32 $0xFFFFFA00  }
0x354: {  	_ =	swait.ge [sflag:s0], $0x600  }
0x355: {  	[sflag:s0] =	ssyncset.done $0x0  }
0x356: {  	[sflag:s0] =	ssyncadd.s32 $0xFFFFFA00  }
0x357: {  	_ =	swait.ge [sflag:s0], $0x600  }
0x358: {  	[sflag:s0] =	ssyncset.done $0x0  }
0x359: {  	[sflag:s0] =	ssyncadd.s32 $0xFFFFFA00  }
0x35a: {  	_ =	swait.ge [sflag:s0], $0x600  }
0x35b: {  	[sflag:s0] =	ssyncset.done $0x0  }
0x35c: {  	[sflag:s0] =	ssyncadd.s32 $0xFFFFFA00  }
0x35d: {  	_ =	swait.ge [sflag:s0], $0x600  }
0x35e: {  	[sflag:s0] =	ssyncset.done $0x0  }
0x35f: {  	[sflag:s0] =	ssyncadd.s32 $0xFFFFFA00  }
0x360: {  	_ =	swait.ge [sflag:s0], $0x600  }
0x361: {  	[sflag:s0] =	ssyncset.done $0x0  }
0x362: {  	[sflag:s0] =	ssyncadd.s32 $0xFFFFFA00  }
0x363: {  	_ =	swait.ge [sflag:s0], $0x600  }
0x364: {  	[sflag:s0] =	ssyncset.done $0x0  }
0x365: {  	[sflag:s0] =	ssyncadd.s32 $0xFFFFFA00  }
0x366: {  	_ =	swait.ge [sflag:s0], $0x600  }
0x367: {  	[sflag:s0] =	ssyncset.done $0x0  }
0x368: {  	[sflag:s0] =	ssyncadd.s32 $0xFFFFFA00  }
0x369: {  	_ =	swait.ge [sflag:s0], $0x600  }
0x36a: {  	[sflag:s0] =	ssyncset.done $0x0  }
0x36b: {  	[sflag:s0] =	ssyncadd.s32 $0xFFFFFA00  }
0x36c: {  	_ =	swait.ge [sflag:s0], $0x600  }
0x36d: {  	[sflag:s0] =	ssyncset.done $0x0  }
0x36e: {  	[sflag:s0] =	ssyncadd.s32 $0xFFFFFA00  }
0x36f: {  	_ =	swait.ge [sflag:s0], $0x600  }
0x370: {  	[sflag:s0] =	ssyncset.done $0x0  }
0x371: {  	[sflag:s0] =	ssyncadd.s32 $0xFFFFFA00  }
0x372: {  	_ =	swait.ge [sflag:s0], $0x600  }
0x373: {  	[sflag:s0] =	ssyncset.done $0x0  }
0x374: {  	[sflag:s0] =	ssyncadd.s32 $0xFFFFFA00  }
0x375: {  	_ =	swait.ge [sflag:s0], $0x600  }
0x376: {  	[sflag:s0] =	ssyncset.done $0x0  }
0x377: {  	[sflag:s0] =	ssyncadd.s32 $0xFFFFFA00  }
0x378: {  	s3 =	sadd.s32 $0x1, s3;
	_ =	swait.ge [sflag:s0], $0x600  }
0x379: {  	p0 =	sne.s32 s3, s7;
	[sflag:s0] =	ssyncset.done $0x0  }
.Ltmp16:
0x37a: {  	[sflag:s0] =	ssyncadd.s32 $0xFFFFFA00;
	(pc) =	sbr.rel @p0 .LBB2_1-.Ltmp16, $4  }
0x37b: {  	[hbm4b:s5+s4] =	stream.linear.scatter [tilespmem:s26], [sflag:$0x2], $0x6000, $0x38;
	[tilespmem:$0xC060] =	vst v63  }
0x37c: {  	_ =	swait.ge [sflag:s24], $0x6000  }
0x37d: {  	[sflag:s24] =	ssyncset.done $0x0  }
0x37e: {  	[sflag:s24] =	ssyncadd.s32 $0xFFFFA000  }
0x37f: {  	_ =	sfence.sel $0x180000  }
0x380: {  	[bflag:$0x0] =	sbarrier.arrive $0xFFFF  }
0x381: {  	_ =	strace $0x90000047  }
0x382: {  	s0 =	stileid.u32;
	[bflag:$0x2] =	sbarrier.arrive $0xFFFF  }
0x383: {  	p0 =	sne.s32 s0, $0x0;
	s0 =	rddreg [dreg:$0x3]  }
0x384: {  	s0 =	sadd.s32 @!p0 $0x100000, s0  }
0x385: {  	[sflag:s0] =	ssyncadd.tile.s32 @!p0 $0x1;
	_ =	shalt  }
.Lfunc_end2:
_tile_overlayer_lowered:
.L_overlay_start_2:
0x386: {  	(tag) =	ssettag $0x2  }
0x387: {  	s0 =	rddreg [dreg:$0x0];
	s2 =	stileid.u32  }
0x388: {  	s1 =	rddreg [dreg:$0x1];
	p0 =	sne.s32 s2, $0x0  }
0x389: {  	s3 =	rddreg [dreg:$0x2];
	[bflag:$0x3] =	sbarrier.arrive $0xFFFF;
	s2 =	simm.s32 @!p0 $0x1C02  }
0x38a: {  	[timem:s3], [sflag:s2] =	dma.local @!p0 [hbm:s0], s1  }
0x38b: {  	s0 =	simm.s32 @!p0 $0x2  }
0x38c: {  	_ =	swait.ge @!p0 [sflag:s0], s1  }
0x38d: {  	s1 =	ssub.s32 @!p0 $0x0, s1;
	[sflag:s0] =	ssyncset.done @!p0 $0x0  }
0x38e: {  	[sflag:s0] =	ssyncadd.s32 @!p0 s1  }
0x38f: {  	[bflag:$0x3] =	sbarrier.arrive $0xFFFF  }
0x390: {  	_ =	shalt  }

</sc_bundles>
